<compile_context>
chip_gen: v7x
topology: tpu7x:2x2x1
jax: 0.10.2.dev20260603
libtpu: 0.0.44.dev20260713+nightly
codegen_flags: <defaults>
</compile_context>

<pallas_src>
import functools

import jax
import jax.numpy as jnp
from jax import lax
from jax.experimental import pallas as pl
from jax.experimental.pallas import tpu as pltpu
from jax.experimental.pallas import tpu_sc as plsc

N_REL_C = 4

CHUNK = 3200
UNROLL = 16


@functools.lru_cache(maxsize=None)
def _build(n_nodes, n_rel, dim, n_edges):
    info = plsc.get_sparse_core_info()
    nc, ns = info.num_cores, info.num_subcores
    nw = nc * ns
    assert dim % nw == 0
    dpw = dim // nw
    slice_words = n_nodes * dpw
    table_words = n_nodes * n_rel
    n_chunks = n_edges // CHUNK
    assert n_chunks * CHUNK == n_edges and n_chunks % 2 == 0
    ipc = CHUNK // 16

    mesh = plsc.VectorSubcoreMesh(core_axis_name="c", subcore_axis_name="s")

    @functools.partial(
        pl.kernel,
        out_type=jax.ShapeDtypeStruct((nw, slice_words), jnp.float32),
        mesh=mesh,
        compiler_params=pltpu.CompilerParams(needs_layout_passes=False),
        scratch_types=[
            pltpu.VMEM((slice_words // 2,), jnp.int32),
            pltpu.VMEM((slice_words,), jnp.float32),
            pltpu.VMEM((table_words,), jnp.float32),
            pltpu.VMEM((2, 3 * CHUNK), jnp.int32),
            pltpu.SemaphoreType.DMA,
            pltpu.SemaphoreType.DMA,
            pltpu.SemaphoreType.DMA,
        ],
    )
    def k(emb_hbm, edges_hbm, out_hbm,
          emb_v, out_v, cnt_v, ebuf, sem0, sem1, sem_e):
        wid = lax.axis_index("s") * nc + lax.axis_index("c")
        sems = (sem0, sem1)

        emb_cp = pltpu.async_copy(emb_hbm.at[wid], emb_v, sem_e)

        zf = jnp.zeros((16,), jnp.float32)

        @plsc.parallel_loop(0, slice_words // 16, unroll=UNROLL)
        def _(i):
            out_v[pl.ds(i * 16, 16)] = zf

        @plsc.parallel_loop(0, table_words // 16, unroll=UNROLL)
        def _(i):
            cnt_v[pl.ds(i * 16, 16)] = zf

        ones = jnp.ones((16,), jnp.float32)

        def streamed(compute, lo, sz):
            def start(g, slot):
                pltpu.async_copy(edges_hbm.at[g, pl.ds(lo, sz)],
                                 ebuf.at[slot, pl.ds(lo, sz)], sems[slot])

            def wait(g, slot):
                pltpu.make_async_copy(edges_hbm.at[g, pl.ds(lo, sz)],
                                      ebuf.at[slot, pl.ds(lo, sz)],
                                      sems[slot]).wait()

            start(0, 0)
            start(1, 1)

            def pair(g2, carry):
                g = g2 * 2
                wait(g, 0)
                compute(0)
                start(g + 2, 0)
                wait(g + 1, 1)
                compute(1)
                start(g + 3, 1)
                return carry

            lax.fori_loop(0, n_chunks // 2 - 1, pair, 0)
            wait(n_chunks - 2, 0)
            compute(0)
            wait(n_chunks - 1, 1)
            compute(1)

        def count_chunk(slot):
            @plsc.parallel_loop(0, ipc, unroll=UNROLL)
            def _(i):
                c16 = ebuf[slot, pl.ds(2 * CHUNK + i * 16, 16)]
                plsc.addupdate_scatter(cnt_v, [c16], ones)

        streamed(count_chunk, 2 * CHUNK, CHUNK)

        @plsc.parallel_loop(0, table_words // 16, unroll=UNROLL)
        def _(i):
            c16 = cnt_v[pl.ds(i * 16, 16)]
            cnt_v[pl.ds(i * 16, 16)] = 1.0 / jnp.maximum(c16, 1.0)

        emb_cp.wait()

        def accum_chunk(slot):
            @plsc.parallel_loop(0, ipc, unroll=UNROLL)
            def _(i):
                s16 = ebuf[slot, pl.ds(i * 16, 16)]
                d16 = ebuf[slot, pl.ds(CHUNK + i * 16, 16)]
                c16 = ebuf[slot, pl.ds(2 * CHUNK + i * 16, 16)]
                scale = plsc.load_gather(cnt_v, [c16])
                for p in range(dpw // 2):
                    w16 = plsc.load_gather(emb_v, [s16 + p * n_nodes])
                    a, b = plsc.unpack(plsc.bitcast(w16, jnp.bfloat16),
                                       format=plsc.PackFormat.INTERLEAVED)
                    plsc.addupdate_scatter(
                        out_v, [d16 + (2 * p) * n_nodes], a * scale)
                    plsc.addupdate_scatter(
                        out_v, [d16 + (2 * p + 1) * n_nodes], b * scale)

        streamed(accum_chunk, 0, 3 * CHUNK)

        pltpu.sync_copy(out_v, out_hbm.at[wid])

    return k, nw, dpw, n_chunks


def kernel(entity_emb, edge_index, edge_type):
    n_nodes, dim = entity_emb.shape
    n_edges = edge_type.shape[0]
    k, nw, dpw, n_chunks = _build(n_nodes, N_REL_C, dim, n_edges)
    pairs = jax.lax.bitcast_convert_type(
        entity_emb.astype(jnp.bfloat16).reshape(n_nodes, dim // 2, 2),
        jnp.int32)
    emb_t = pairs.transpose(1, 0).reshape(nw, (dpw // 2) * n_nodes)
    comb = edge_type * n_nodes + edge_index[1]
    edges = jnp.stack([edge_index[0].reshape(n_chunks, CHUNK),
                       edge_index[1].reshape(n_chunks, CHUNK),
                       comb.reshape(n_chunks, CHUNK)],
                      axis=1).reshape(n_chunks, 3 * CHUNK)
    out_t = k(emb_t, edges)
    return out_t.reshape(dim, n_nodes).transpose(1, 0)

# --- scband reference (transcript-rebuilt; emitter-appended) ---
"""Pipeline reference for scband-neighbor-ecoder-16647293239299 (READ-ONLY COPY).

The authoritative reference and input builder live on the scoring server;
editing this copy changes nothing except your own understanding.
"""

import jax, jax.numpy as jnp
import numpy as np

N_NODES = 10000
N_REL = 4
DIM = 128
N_EDGES = 320000


def setup_inputs(seed: int = 0) -> dict:
    key = jax.random.key(seed)
    k1, k2, k3 = jax.random.split(key, 3)
    entity_emb = jax.random.normal(k1, (N_NODES, DIM), dtype=jnp.float32)
    edge_index = jax.random.randint(k2, (2, N_EDGES), 0, N_NODES, dtype=jnp.int32)
    edge_type = jax.random.randint(k3, (N_EDGES,), 0, N_REL, dtype=jnp.int32)
    return {"entity_emb": entity_emb, "edge_index": edge_index, "edge_type": edge_type}


def reference(entity_emb, edge_index, edge_type):
    # Faithful translation of Neighbor_Ecoder.forward:
    # for each relation etype i: mean-aggregate src 'node' features onto dst
    # (DGL copy_u + mean; nodes with no in-edges of that etype get 0),
    # then sum the per-relation aggregates.
    src = edge_index[0]
    dst = edge_index[1]
    src_feat = entity_emb[src]  # gather [E, DIM]
    out = jnp.zeros_like(entity_emb)
    for r in range(N_REL):
        w = (edge_type == r).astype(entity_emb.dtype)  # [E]
        msg = src_feat * w[:, None]
        s = jax.ops.segment_sum(msg, dst, num_segments=N_NODES)  # [N, DIM]
        cnt = jax.ops.segment_sum(w, dst, num_segments=N_NODES)  # [N]
        mean_r = s / jnp.maximum(cnt, 1.0)[:, None]  # cnt==0 -> s==0 -> mean 0 (DGL semantics)
        out = out + mean_r
    return out

if __name__ == "__main__":
    import jax
    _d = setup_inputs()
    print(jax.jit(kernel)(*tuple(_d.values())))

</pallas_src>

<mosaic_0001>
#map = affine_map<(d0, d1) -> (0, 0)>
module attributes {stable_mosaic.version = 14 : i64} {
  func.func @k(%arg0: i32, %arg1: i32, %arg2: memref<32x20000xi32, #tpu.memory_space<hbm>>, %arg3: memref<100x9600xi32, #tpu.memory_space<hbm>>, %arg4: memref<32x40000xf32, #tpu.memory_space<hbm>>, %arg5: memref<20000xi32, #tpu.memory_space<vmem>>, %arg6: memref<40000xf32, #tpu.memory_space<vmem>>, %arg7: memref<40000xf32, #tpu.memory_space<vmem>>, %arg8: memref<2x9600xi32, #tpu.memory_space<vmem>>, %arg9: memref<!tpu.dma_semaphore, #tpu.memory_space<semaphore_mem>>, %arg10: memref<!tpu.dma_semaphore, #tpu.memory_space<semaphore_mem>>, %arg11: memref<!tpu.dma_semaphore, #tpu.memory_space<semaphore_mem>>) attributes {dimension_semantics = [#tpu.dimension_semantics<core_parallel>, #tpu.dimension_semantics<subcore_parallel>], iteration_bounds = array<i64: 2, 16>, scalar_prefetch = 0 : i64, scratch_operands = 7 : i64, tpu.core_type = #tpu.core_type<sc_vector_subcore>, window_params = [{transform_indices = #map}, {transform_indices = #map}, {transform_indices = #map}]} {
    %mul3A = arith.constant 2 : i32
    %mul3A_0 = arith.muli %arg1, %mul3A : i32
    %add3A = arith.addi %mul3A_0, %arg0 : i32
    %dma_start3A = arith.constant 0 : i32
    %dma_start3A_1 = tpu.memref_slice %arg2[%add3A, %dma_start3A] : memref<32x20000xi32, #tpu.memory_space<hbm>> -> memref<1x20000xi32, #tpu.memory_space<hbm>>
    %dma_start3A_2 = tpu.memref_squeeze %dma_start3A_1 : memref<1x20000xi32, #tpu.memory_space<hbm>> -> memref<20000xi32, #tpu.memory_space<hbm>>
    %dma_start3A_3 = arith.constant 0 : i32
    %dma_start3A_4 = tpu.memref_slice %arg2[%add3A, %dma_start3A_3] : memref<32x20000xi32, #tpu.memory_space<hbm>> -> memref<1x20000xi32, #tpu.memory_space<hbm>>
    %dma_start3A_5 = tpu.memref_squeeze %dma_start3A_4 : memref<1x20000xi32, #tpu.memory_space<hbm>> -> memref<20000xi32, #tpu.memory_space<hbm>>
    tpu.enqueue_dma source(%dma_start3A_5 : memref<20000xi32, #tpu.memory_space<hbm>>) target(%arg5 : memref<20000xi32, #tpu.memory_space<vmem>>) target_semaphore(%arg11 : memref<!tpu.dma_semaphore, #tpu.memory_space<semaphore_mem>>)
    %broadcast_in_dim3A = arith.constant 0.000000e+00 : f32
    %broadcast_in_dim3A_6 = vector.broadcast %broadcast_in_dim3A : f32 to vector<16xf32>
    %parallel_loop3A = arith.constant 0 : i32
    %parallel_loop3A_7 = arith.constant 2500 : i32
    %parallel_loop3A_8 = arith.constant 1 : i32
    scf.for %parallel_loop3A_157 = %parallel_loop3A to %parallel_loop3A_7 step %parallel_loop3A_8  : i32 {
      %parallel_loop3A_158 = arith.constant 16 : i32
      %parallel_loop3A_159 = arith.muli %parallel_loop3A_157, %parallel_loop3A_158 : i32
      %parallel_loop3A_160 = arith.index_cast %parallel_loop3A_159 : i32 to index
      %parallel_loop3A_161 = tpu.vector_load %arg6[%parallel_loop3A_160] {strides = array<i32>} : memref<40000xf32, #tpu.memory_space<vmem>>, vector<16xf32>,
      tpu.vector_store %arg6[%parallel_loop3A_160], %broadcast_in_dim3A_6 {strides = array<i32>} : memref<40000xf32, #tpu.memory_space<vmem>>, vector<16xf32>,
    } {sc.loop_unroll_factor = 16 : i64, sc.parallel_access}
    %parallel_loop3A_9 = arith.constant 0 : i32
    %parallel_loop3A_10 = arith.constant 2500 : i32
    %parallel_loop3A_11 = arith.constant 1 : i32
    scf.for %parallel_loop3A_157 = %parallel_loop3A_9 to %parallel_loop3A_10 step %parallel_loop3A_11  : i32 {
      %parallel_loop3A_158 = arith.constant 16 : i32
      %parallel_loop3A_159 = arith.muli %parallel_loop3A_157, %parallel_loop3A_158 : i32
      %parallel_loop3A_160 = arith.index_cast %parallel_loop3A_159 : i32 to index
      %parallel_loop3A_161 = tpu.vector_load %arg7[%parallel_loop3A_160] {strides = array<i32>} : memref<40000xf32, #tpu.memory_space<vmem>>, vector<16xf32>,
      tpu.vector_store %arg7[%parallel_loop3A_160], %broadcast_in_dim3A_6 {strides = array<i32>} : memref<40000xf32, #tpu.memory_space<vmem>>, vector<16xf32>,
    } {sc.loop_unroll_factor = 16 : i64, sc.parallel_access}
    %broadcast_in_dim3A_12 = arith.constant 1.000000e+00 : f32
    %broadcast_in_dim3A_13 = vector.broadcast %broadcast_in_dim3A_12 : f32 to vector<16xf32>
    %dma_start3A_14 = arith.constant 0 : i32
    %dma_start3A_15 = arith.constant 0 : i32
    %dma_start3A_16 = arith.constant 6400 : i32
    %dma_start3A_17 = tpu.memref_slice %arg8[%dma_start3A_15, %dma_start3A_16] : memref<2x9600xi32, #tpu.memory_space<vmem>> -> memref<1x3200xi32, #tpu.memory_space<vmem>>
    %dma_start3A_18 = tpu.memref_squeeze %dma_start3A_17 : memref<1x3200xi32, #tpu.memory_space<vmem>> -> memref<3200xi32, #tpu.memory_space<vmem>>
    %dma_start3A_19 = arith.constant 6400 : i32
    %dma_start3A_20 = tpu.memref_slice %arg3[%dma_start3A_14, %dma_start3A_19] : memref<100x9600xi32, #tpu.memory_space<hbm>> -> memref<1x3200xi32, #tpu.memory_space<hbm>>
    %dma_start3A_21 = tpu.memref_squeeze %dma_start3A_20 : memref<1x3200xi32, #tpu.memory_space<hbm>> -> memref<3200xi32, #tpu.memory_space<hbm>>
    %dma_start3A_22 = arith.constant 6400 : i32
    %dma_start3A_23 = tpu.memref_slice %arg8[%dma_start3A_15, %dma_start3A_22] : memref<2x9600xi32, #tpu.memory_space<vmem>> -> memref<1x3200xi32, #tpu.memory_space<vmem>>
    %dma_start3A_24 = tpu.memref_squeeze %dma_start3A_23 : memref<1x3200xi32, #tpu.memory_space<vmem>> -> memref<3200xi32, #tpu.memory_space<vmem>>
    %dma_start3A_25 = arith.constant 6400 : i32
    %dma_start3A_26 = tpu.memref_slice %arg3[%dma_start3A_14, %dma_start3A_25] : memref<100x9600xi32, #tpu.memory_space<hbm>> -> memref<1x3200xi32, #tpu.memory_space<hbm>>
    %dma_start3A_27 = tpu.memref_squeeze %dma_start3A_26 : memref<1x3200xi32, #tpu.memory_space<hbm>> -> memref<3200xi32, #tpu.memory_space<hbm>>
    tpu.enqueue_dma source(%dma_start3A_27 : memref<3200xi32, #tpu.memory_space<hbm>>) target(%dma_start3A_24 : memref<3200xi32, #tpu.memory_space<vmem>>) target_semaphore(%arg9 : memref<!tpu.dma_semaphore, #tpu.memory_space<semaphore_mem>>)
    %dma_start3A_28 = arith.constant 1 : i32
    %dma_start3A_29 = arith.constant 1 : i32
    %dma_start3A_30 = arith.constant 6400 : i32
    %dma_start3A_31 = tpu.memref_slice %arg8[%dma_start3A_29, %dma_start3A_30] : memref<2x9600xi32, #tpu.memory_space<vmem>> -> memref<1x3200xi32, #tpu.memory_space<vmem>>
    %dma_start3A_32 = tpu.memref_squeeze %dma_start3A_31 : memref<1x3200xi32, #tpu.memory_space<vmem>> -> memref<3200xi32, #tpu.memory_space<vmem>>
    %dma_start3A_33 = arith.constant 6400 : i32
    %dma_start3A_34 = tpu.memref_slice %arg3[%dma_start3A_28, %dma_start3A_33] : memref<100x9600xi32, #tpu.memory_space<hbm>> -> memref<1x3200xi32, #tpu.memory_space<hbm>>
    %dma_start3A_35 = tpu.memref_squeeze %dma_start3A_34 : memref<1x3200xi32, #tpu.memory_space<hbm>> -> memref<3200xi32, #tpu.memory_space<hbm>>
    %dma_start3A_36 = arith.constant 6400 : i32
    %dma_start3A_37 = tpu.memref_slice %arg8[%dma_start3A_29, %dma_start3A_36] : memref<2x9600xi32, #tpu.memory_space<vmem>> -> memref<1x3200xi32, #tpu.memory_space<vmem>>
    %dma_start3A_38 = tpu.memref_squeeze %dma_start3A_37 : memref<1x3200xi32, #tpu.memory_space<vmem>> -> memref<3200xi32, #tpu.memory_space<vmem>>
    %dma_start3A_39 = arith.constant 6400 : i32
    %dma_start3A_40 = tpu.memref_slice %arg3[%dma_start3A_28, %dma_start3A_39] : memref<100x9600xi32, #tpu.memory_space<hbm>> -> memref<1x3200xi32, #tpu.memory_space<hbm>>
    %dma_start3A_41 = tpu.memref_squeeze %dma_start3A_40 : memref<1x3200xi32, #tpu.memory_space<hbm>> -> memref<3200xi32, #tpu.memory_space<hbm>>
    tpu.enqueue_dma source(%dma_start3A_41 : memref<3200xi32, #tpu.memory_space<hbm>>) target(%dma_start3A_38 : memref<3200xi32, #tpu.memory_space<vmem>>) target_semaphore(%arg10 : memref<!tpu.dma_semaphore, #tpu.memory_space<semaphore_mem>>)
    %scan3A = arith.constant 0 : i32
    %scan3A_42 = arith.constant 0 : i32
    %scan3A_43 = arith.constant 49 : i32
    %scan3A_44 = arith.addi %scan3A_42, %scan3A_43 : i32
    %scan3A_45 = arith.constant 1 : i32
    scf.for %scan3A_157 = %scan3A_42 to %scan3A_44 step %scan3A_45  : i32 {
      %mul3A_158 = arith.constant 2 : i32
      %mul3A_159 = arith.muli %scan3A_157, %mul3A_158 : i32
      %dma_wait3A_160 = arith.constant 0 : i32
      %dma_wait3A_161 = arith.constant 6400 : i32
      %dma_wait3A_162 = tpu.memref_slice %arg8[%dma_wait3A_160, %dma_wait3A_161] : memref<2x9600xi32, #tpu.memory_space<vmem>> -> memref<1x3200xi32, #tpu.memory_space<vmem>>
      %dma_wait3A_163 = tpu.memref_squeeze %dma_wait3A_162 : memref<1x3200xi32, #tpu.memory_space<vmem>> -> memref<3200xi32, #tpu.memory_space<vmem>>
      %dma_wait3A_164 = arith.constant 6400 : i32
      %dma_wait3A_165 = tpu.memref_slice %arg3[%mul3A_159, %dma_wait3A_164] : memref<100x9600xi32, #tpu.memory_space<hbm>> -> memref<1x3200xi32, #tpu.memory_space<hbm>>
      %dma_wait3A_166 = tpu.memref_squeeze %dma_wait3A_165 : memref<1x3200xi32, #tpu.memory_space<hbm>> -> memref<3200xi32, #tpu.memory_space<hbm>>
      %dma_wait3A_167 = arith.constant 6400 : i32
      %dma_wait3A_168 = tpu.memref_slice %arg8[%dma_wait3A_160, %dma_wait3A_167] : memref<2x9600xi32, #tpu.memory_space<vmem>> -> memref<1x3200xi32, #tpu.memory_space<vmem>>
      %dma_wait3A_169 = tpu.memref_squeeze %dma_wait3A_168 : memref<1x3200xi32, #tpu.memory_space<vmem>> -> memref<3200xi32, #tpu.memory_space<vmem>>
      %dma_wait3A_170 = arith.constant 6400 : i32
      %dma_wait3A_171 = tpu.memref_slice %arg3[%mul3A_159, %dma_wait3A_170] : memref<100x9600xi32, #tpu.memory_space<hbm>> -> memref<1x3200xi32, #tpu.memory_space<hbm>>
      %dma_wait3A_172 = tpu.memref_squeeze %dma_wait3A_171 : memref<1x3200xi32, #tpu.memory_space<hbm>> -> memref<3200xi32, #tpu.memory_space<hbm>>
      tpu.wait_dma2 semaphore(%arg9 : memref<!tpu.dma_semaphore, #tpu.memory_space<semaphore_mem>>) src(%dma_wait3A_172 : memref<3200xi32, #tpu.memory_space<hbm>>) dst(%dma_wait3A_169 : memref<3200xi32, #tpu.memory_space<vmem>>)
      %parallel_loop3A_173 = arith.constant 0 : i32
      %parallel_loop3A_174 = arith.constant 200 : i32
      %parallel_loop3A_175 = arith.constant 1 : i32
      scf.for %parallel_loop3A_224 = %parallel_loop3A_173 to %parallel_loop3A_174 step %parallel_loop3A_175  : i32 {
        %parallel_loop3A_225 = arith.constant 16 : i32
        %parallel_loop3A_226 = arith.muli %parallel_loop3A_224, %parallel_loop3A_225 : i32
        %parallel_loop3A_227 = arith.constant 6400 : i32
        %parallel_loop3A_228 = arith.addi %parallel_loop3A_227, %parallel_loop3A_226 : i32
        %parallel_loop3A_229 = arith.constant 0 : i32
        %parallel_loop3A_230 = arith.index_cast %parallel_loop3A_229 : i32 to index
        %parallel_loop3A_231 = arith.index_cast %parallel_loop3A_228 : i32 to index
        %parallel_loop3A_232 = tpu.vector_load %arg8[%parallel_loop3A_230, %parallel_loop3A_231] {strides = array<i32>} : memref<2x9600xi32, #tpu.memory_space<vmem>>, vector<16xi32>,
        tpu.vector_store_idx %arg7[%parallel_loop3A_232], %broadcast_in_dim3A_13 {add = true} : memref<40000xf32, #tpu.memory_space<vmem>>[vector<16xi32>], vector<16xf32>,
      } {sc.loop_unroll_factor = 16 : i64, sc.parallel_access}
      %add3A_176 = arith.constant 2 : i32
      %add3A_177 = arith.addi %mul3A_159, %add3A_176 : i32
      %dma_start3A_178 = arith.constant 0 : i32
      %dma_start3A_179 = arith.constant 6400 : i32
      %dma_start3A_180 = tpu.memref_slice %arg8[%dma_start3A_178, %dma_start3A_179] : memref<2x9600xi32, #tpu.memory_space<vmem>> -> memref<1x3200xi32, #tpu.memory_space<vmem>>
      %dma_start3A_181 = tpu.memref_squeeze %dma_start3A_180 : memref<1x3200xi32, #tpu.memory_space<vmem>> -> memref<3200xi32, #tpu.memory_space<vmem>>
      %dma_start3A_182 = arith.constant 6400 : i32
      %dma_start3A_183 = tpu.memref_slice %arg3[%add3A_177, %dma_start3A_182] : memref<100x9600xi32, #tpu.memory_space<hbm>> -> memref<1x3200xi32, #tpu.memory_space<hbm>>
      %dma_start3A_184 = tpu.memref_squeeze %dma_start3A_183 : memref<1x3200xi32, #tpu.memory_space<hbm>> -> memref<3200xi32, #tpu.memory_space<hbm>>
      %dma_start3A_185 = arith.constant 6400 : i32
      %dma_start3A_186 = tpu.memref_slice %arg8[%dma_start3A_178, %dma_start3A_185] : memref<2x9600xi32, #tpu.memory_space<vmem>> -> memref<1x3200xi32, #tpu.memory_space<vmem>>
      %dma_start3A_187 = tpu.memref_squeeze %dma_start3A_186 : memref<1x3200xi32, #tpu.memory_space<vmem>> -> memref<3200xi32, #tpu.memory_space<vmem>>
      %dma_start3A_188 = arith.constant 6400 : i32
      %dma_start3A_189 = tpu.memref_slice %arg3[%add3A_177, %dma_start3A_188] : memref<100x9600xi32, #tpu.memory_space<hbm>> -> memref<1x3200xi32, #tpu.memory_space<hbm>>
      %dma_start3A_190 = tpu.memref_squeeze %dma_start3A_189 : memref<1x3200xi32, #tpu.memory_space<hbm>> -> memref<3200xi32, #tpu.memory_space<hbm>>
      tpu.enqueue_dma source(%dma_start3A_190 : memref<3200xi32, #tpu.memory_space<hbm>>) target(%dma_start3A_187 : memref<3200xi32, #tpu.memory_space<vmem>>) target_semaphore(%arg9 : memref<!tpu.dma_semaphore, #tpu.memory_space<semaphore_mem>>)
      %add3A_191 = arith.constant 1 : i32
      %add3A_192 = arith.addi %mul3A_159, %add3A_191 : i32
      %dma_wait3A_193 = arith.constant 1 : i32
      %dma_wait3A_194 = arith.constant 6400 : i32
      %dma_wait3A_195 = tpu.memref_slice %arg8[%dma_wait3A_193, %dma_wait3A_194] : memref<2x9600xi32, #tpu.memory_space<vmem>> -> memref<1x3200xi32, #tpu.memory_space<vmem>>
      %dma_wait3A_196 = tpu.memref_squeeze %dma_wait3A_195 : memref<1x3200xi32, #tpu.memory_space<vmem>> -> memref<3200xi32, #tpu.memory_space<vmem>>
      %dma_wait3A_197 = arith.constant 6400 : i32
      %dma_wait3A_198 = tpu.memref_slice %arg3[%add3A_192, %dma_wait3A_197] : memref<100x9600xi32, #tpu.memory_space<hbm>> -> memref<1x3200xi32, #tpu.memory_space<hbm>>
      %dma_wait3A_199 = tpu.memref_squeeze %dma_wait3A_198 : memref<1x3200xi32, #tpu.memory_space<hbm>> -> memref<3200xi32, #tpu.memory_space<hbm>>
      %dma_wait3A_200 = arith.constant 6400 : i32
      %dma_wait3A_201 = tpu.memref_slice %arg8[%dma_wait3A_193, %dma_wait3A_200] : memref<2x9600xi32, #tpu.memory_space<vmem>> -> memref<1x3200xi32, #tpu.memory_space<vmem>>
      %dma_wait3A_202 = tpu.memref_squeeze %dma_wait3A_201 : memref<1x3200xi32, #tpu.memory_space<vmem>> -> memref<3200xi32, #tpu.memory_space<vmem>>
      %dma_wait3A_203 = arith.constant 6400 : i32
      %dma_wait3A_204 = tpu.memref_slice %arg3[%add3A_192, %dma_wait3A_203] : memref<100x9600xi32, #tpu.memory_space<hbm>> -> memref<1x3200xi32, #tpu.memory_space<hbm>>
      %dma_wait3A_205 = tpu.memref_squeeze %dma_wait3A_204 : memref<1x3200xi32, #tpu.memory_space<hbm>> -> memref<3200xi32, #tpu.memory_space<hbm>>
      tpu.wait_dma2 semaphore(%arg10 : memref<!tpu.dma_semaphore, #tpu.memory_space<semaphore_mem>>) src(%dma_wait3A_205 : memref<3200xi32, #tpu.memory_space<hbm>>) dst(%dma_wait3A_202 : memref<3200xi32, #tpu.memory_space<vmem>>)
      %parallel_loop3A_206 = arith.constant 0 : i32
      %parallel_loop3A_207 = arith.constant 200 : i32
      %parallel_loop3A_208 = arith.constant 1 : i32
      scf.for %parallel_loop3A_224 = %parallel_loop3A_206 to %parallel_loop3A_207 step %parallel_loop3A_208  : i32 {
        %parallel_loop3A_225 = arith.constant 16 : i32
        %parallel_loop3A_226 = arith.muli %parallel_loop3A_224, %parallel_loop3A_225 : i32
        %parallel_loop3A_227 = arith.constant 6400 : i32
        %parallel_loop3A_228 = arith.addi %parallel_loop3A_227, %parallel_loop3A_226 : i32
        %parallel_loop3A_229 = arith.constant 1 : i32
        %parallel_loop3A_230 = arith.index_cast %parallel_loop3A_229 : i32 to index
        %parallel_loop3A_231 = arith.index_cast %parallel_loop3A_228 : i32 to index
        %parallel_loop3A_232 = tpu.vector_load %arg8[%parallel_loop3A_230, %parallel_loop3A_231] {strides = array<i32>} : memref<2x9600xi32, #tpu.memory_space<vmem>>, vector<16xi32>,
        tpu.vector_store_idx %arg7[%parallel_loop3A_232], %broadcast_in_dim3A_13 {add = true} : memref<40000xf32, #tpu.memory_space<vmem>>[vector<16xi32>], vector<16xf32>,
      } {sc.loop_unroll_factor = 16 : i64, sc.parallel_access}
      %add3A_209 = arith.constant 3 : i32
      %add3A_210 = arith.addi %mul3A_159, %add3A_209 : i32
      %dma_start3A_211 = arith.constant 1 : i32
      %dma_start3A_212 = arith.constant 6400 : i32
      %dma_start3A_213 = tpu.memref_slice %arg8[%dma_start3A_211, %dma_start3A_212] : memref<2x9600xi32, #tpu.memory_space<vmem>> -> memref<1x3200xi32, #tpu.memory_space<vmem>>
      %dma_start3A_214 = tpu.memref_squeeze %dma_start3A_213 : memref<1x3200xi32, #tpu.memory_space<vmem>> -> memref<3200xi32, #tpu.memory_space<vmem>>
      %dma_start3A_215 = arith.constant 6400 : i32
      %dma_start3A_216 = tpu.memref_slice %arg3[%add3A_210, %dma_start3A_215] : memref<100x9600xi32, #tpu.memory_space<hbm>> -> memref<1x3200xi32, #tpu.memory_space<hbm>>
      %dma_start3A_217 = tpu.memref_squeeze %dma_start3A_216 : memref<1x3200xi32, #tpu.memory_space<hbm>> -> memref<3200xi32, #tpu.memory_space<hbm>>
      %dma_start3A_218 = arith.constant 6400 : i32
      %dma_start3A_219 = tpu.memref_slice %arg8[%dma_start3A_211, %dma_start3A_218] : memref<2x9600xi32, #tpu.memory_space<vmem>> -> memref<1x3200xi32, #tpu.memory_space<vmem>>
      %dma_start3A_220 = tpu.memref_squeeze %dma_start3A_219 : memref<1x3200xi32, #tpu.memory_space<vmem>> -> memref<3200xi32, #tpu.memory_space<vmem>>
      %dma_start3A_221 = arith.constant 6400 : i32
      %dma_start3A_222 = tpu.memref_slice %arg3[%add3A_210, %dma_start3A_221] : memref<100x9600xi32, #tpu.memory_space<hbm>> -> memref<1x3200xi32, #tpu.memory_space<hbm>>
      %dma_start3A_223 = tpu.memref_squeeze %dma_start3A_222 : memref<1x3200xi32, #tpu.memory_space<hbm>> -> memref<3200xi32, #tpu.memory_space<hbm>>
      tpu.enqueue_dma source(%dma_start3A_223 : memref<3200xi32, #tpu.memory_space<hbm>>) target(%dma_start3A_220 : memref<3200xi32, #tpu.memory_space<vmem>>) target_semaphore(%arg10 : memref<!tpu.dma_semaphore, #tpu.memory_space<semaphore_mem>>)
    }
    %scan3A_46 = arith.constant 49 : i32
    %dma_wait3A = arith.constant 98 : i32
    %dma_wait3A_47 = arith.constant 0 : i32
    %dma_wait3A_48 = arith.constant 6400 : i32
    %dma_wait3A_49 = tpu.memref_slice %arg8[%dma_wait3A_47, %dma_wait3A_48] : memref<2x9600xi32, #tpu.memory_space<vmem>> -> memref<1x3200xi32, #tpu.memory_space<vmem>>
    %dma_wait3A_50 = tpu.memref_squeeze %dma_wait3A_49 : memref<1x3200xi32, #tpu.memory_space<vmem>> -> memref<3200xi32, #tpu.memory_space<vmem>>
    %dma_wait3A_51 = arith.constant 6400 : i32
    %dma_wait3A_52 = tpu.memref_slice %arg3[%dma_wait3A, %dma_wait3A_51] : memref<100x9600xi32, #tpu.memory_space<hbm>> -> memref<1x3200xi32, #tpu.memory_space<hbm>>
    %dma_wait3A_53 = tpu.memref_squeeze %dma_wait3A_52 : memref<1x3200xi32, #tpu.memory_space<hbm>> -> memref<3200xi32, #tpu.memory_space<hbm>>
    %dma_wait3A_54 = arith.constant 6400 : i32
    %dma_wait3A_55 = tpu.memref_slice %arg8[%dma_wait3A_47, %dma_wait3A_54] : memref<2x9600xi32, #tpu.memory_space<vmem>> -> memref<1x3200xi32, #tpu.memory_space<vmem>>
    %dma_wait3A_56 = tpu.memref_squeeze %dma_wait3A_55 : memref<1x3200xi32, #tpu.memory_space<vmem>> -> memref<3200xi32, #tpu.memory_space<vmem>>
    %dma_wait3A_57 = arith.constant 6400 : i32
    %dma_wait3A_58 = tpu.memref_slice %arg3[%dma_wait3A, %dma_wait3A_57] : memref<100x9600xi32, #tpu.memory_space<hbm>> -> memref<1x3200xi32, #tpu.memory_space<hbm>>
    %dma_wait3A_59 = tpu.memref_squeeze %dma_wait3A_58 : memref<1x3200xi32, #tpu.memory_space<hbm>> -> memref<3200xi32, #tpu.memory_space<hbm>>
    tpu.wait_dma2 semaphore(%arg9 : memref<!tpu.dma_semaphore, #tpu.memory_space<semaphore_mem>>) src(%dma_wait3A_59 : memref<3200xi32, #tpu.memory_space<hbm>>) dst(%dma_wait3A_56 : memref<3200xi32, #tpu.memory_space<vmem>>)
    %parallel_loop3A_60 = arith.constant 0 : i32
    %parallel_loop3A_61 = arith.constant 200 : i32
    %parallel_loop3A_62 = arith.constant 1 : i32
    scf.for %parallel_loop3A_157 = %parallel_loop3A_60 to %parallel_loop3A_61 step %parallel_loop3A_62  : i32 {
      %parallel_loop3A_158 = arith.constant 16 : i32
      %parallel_loop3A_159 = arith.muli %parallel_loop3A_157, %parallel_loop3A_158 : i32
      %parallel_loop3A_160 = arith.constant 6400 : i32
      %parallel_loop3A_161 = arith.addi %parallel_loop3A_160, %parallel_loop3A_159 : i32
      %parallel_loop3A_162 = arith.constant 0 : i32
      %parallel_loop3A_163 = arith.index_cast %parallel_loop3A_162 : i32 to index
      %parallel_loop3A_164 = arith.index_cast %parallel_loop3A_161 : i32 to index
      %parallel_loop3A_165 = tpu.vector_load %arg8[%parallel_loop3A_163, %parallel_loop3A_164] {strides = array<i32>} : memref<2x9600xi32, #tpu.memory_space<vmem>>, vector<16xi32>,
      tpu.vector_store_idx %arg7[%parallel_loop3A_165], %broadcast_in_dim3A_13 {add = true} : memref<40000xf32, #tpu.memory_space<vmem>>[vector<16xi32>], vector<16xf32>,
    } {sc.loop_unroll_factor = 16 : i64, sc.parallel_access}
    %dma_wait3A_63 = arith.constant 99 : i32
    %dma_wait3A_64 = arith.constant 1 : i32
    %dma_wait3A_65 = arith.constant 6400 : i32
    %dma_wait3A_66 = tpu.memref_slice %arg8[%dma_wait3A_64, %dma_wait3A_65] : memref<2x9600xi32, #tpu.memory_space<vmem>> -> memref<1x3200xi32, #tpu.memory_space<vmem>>
    %dma_wait3A_67 = tpu.memref_squeeze %dma_wait3A_66 : memref<1x3200xi32, #tpu.memory_space<vmem>> -> memref<3200xi32, #tpu.memory_space<vmem>>
    %dma_wait3A_68 = arith.constant 6400 : i32
    %dma_wait3A_69 = tpu.memref_slice %arg3[%dma_wait3A_63, %dma_wait3A_68] : memref<100x9600xi32, #tpu.memory_space<hbm>> -> memref<1x3200xi32, #tpu.memory_space<hbm>>
    %dma_wait3A_70 = tpu.memref_squeeze %dma_wait3A_69 : memref<1x3200xi32, #tpu.memory_space<hbm>> -> memref<3200xi32, #tpu.memory_space<hbm>>
    %dma_wait3A_71 = arith.constant 6400 : i32
    %dma_wait3A_72 = tpu.memref_slice %arg8[%dma_wait3A_64, %dma_wait3A_71] : memref<2x9600xi32, #tpu.memory_space<vmem>> -> memref<1x3200xi32, #tpu.memory_space<vmem>>
    %dma_wait3A_73 = tpu.memref_squeeze %dma_wait3A_72 : memref<1x3200xi32, #tpu.memory_space<vmem>> -> memref<3200xi32, #tpu.memory_space<vmem>>
    %dma_wait3A_74 = arith.constant 6400 : i32
    %dma_wait3A_75 = tpu.memref_slice %arg3[%dma_wait3A_63, %dma_wait3A_74] : memref<100x9600xi32, #tpu.memory_space<hbm>> -> memref<1x3200xi32, #tpu.memory_space<hbm>>
    %dma_wait3A_76 = tpu.memref_squeeze %dma_wait3A_75 : memref<1x3200xi32, #tpu.memory_space<hbm>> -> memref<3200xi32, #tpu.memory_space<hbm>>
    tpu.wait_dma2 semaphore(%arg10 : memref<!tpu.dma_semaphore, #tpu.memory_space<semaphore_mem>>) src(%dma_wait3A_76 : memref<3200xi32, #tpu.memory_space<hbm>>) dst(%dma_wait3A_73 : memref<3200xi32, #tpu.memory_space<vmem>>)
    %parallel_loop3A_77 = arith.constant 0 : i32
    %parallel_loop3A_78 = arith.constant 200 : i32
    %parallel_loop3A_79 = arith.constant 1 : i32
    scf.for %parallel_loop3A_157 = %parallel_loop3A_77 to %parallel_loop3A_78 step %parallel_loop3A_79  : i32 {
      %parallel_loop3A_158 = arith.constant 16 : i32
      %parallel_loop3A_159 = arith.muli %parallel_loop3A_157, %parallel_loop3A_158 : i32
      %parallel_loop3A_160 = arith.constant 6400 : i32
      %parallel_loop3A_161 = arith.addi %parallel_loop3A_160, %parallel_loop3A_159 : i32
      %parallel_loop3A_162 = arith.constant 1 : i32
      %parallel_loop3A_163 = arith.index_cast %parallel_loop3A_162 : i32 to index
      %parallel_loop3A_164 = arith.index_cast %parallel_loop3A_161 : i32 to index
      %parallel_loop3A_165 = tpu.vector_load %arg8[%parallel_loop3A_163, %parallel_loop3A_164] {strides = array<i32>} : memref<2x9600xi32, #tpu.memory_space<vmem>>, vector<16xi32>,
      tpu.vector_store_idx %arg7[%parallel_loop3A_165], %broadcast_in_dim3A_13 {add = true} : memref<40000xf32, #tpu.memory_space<vmem>>[vector<16xi32>], vector<16xf32>,
    } {sc.loop_unroll_factor = 16 : i64, sc.parallel_access}
    %parallel_loop3A_80 = arith.constant 0 : i32
    %parallel_loop3A_81 = arith.constant 2500 : i32
    %parallel_loop3A_82 = arith.constant 1 : i32
    scf.for %parallel_loop3A_157 = %parallel_loop3A_80 to %parallel_loop3A_81 step %parallel_loop3A_82  : i32 {
      %parallel_loop3A_158 = arith.constant 16 : i32
      %parallel_loop3A_159 = arith.muli %parallel_loop3A_157, %parallel_loop3A_158 : i32
      %parallel_loop3A_160 = arith.index_cast %parallel_loop3A_159 : i32 to index
      %parallel_loop3A_161 = tpu.vector_load %arg7[%parallel_loop3A_160] {strides = array<i32>} : memref<40000xf32, #tpu.memory_space<vmem>>, vector<16xf32>,
      %parallel_loop3A_162 = arith.constant 1.000000e+00 : f32
      %parallel_loop3A_163 = vector.broadcast %parallel_loop3A_162 : f32 to vector<16xf32>
      %parallel_loop3A_164 = arith.maximumf %parallel_loop3A_161, %parallel_loop3A_163 : vector<16xf32>
      %parallel_loop3A_165 = arith.constant 1.000000e+00 : f32
      %parallel_loop3A_166 = vector.broadcast %parallel_loop3A_165 : f32 to vector<16xf32>
      %parallel_loop3A_167 = arith.divf %parallel_loop3A_166, %parallel_loop3A_164 : vector<16xf32>
      %parallel_loop3A_168 = arith.constant 16 : i32
      %parallel_loop3A_169 = arith.muli %parallel_loop3A_157, %parallel_loop3A_168 : i32
      %parallel_loop3A_170 = arith.index_cast %parallel_loop3A_169 : i32 to index
      %parallel_loop3A_171 = tpu.vector_load %arg7[%parallel_loop3A_170] {strides = array<i32>} : memref<40000xf32, #tpu.memory_space<vmem>>, vector<16xf32>,
      tpu.vector_store %arg7[%parallel_loop3A_170], %parallel_loop3A_167 {strides = array<i32>} : memref<40000xf32, #tpu.memory_space<vmem>>, vector<16xf32>,
    } {sc.loop_unroll_factor = 16 : i64, sc.parallel_access}
    %dma_wait3A_83 = arith.constant 0 : i32
    %dma_wait3A_84 = tpu.memref_slice %arg2[%add3A, %dma_wait3A_83] : memref<32x20000xi32, #tpu.memory_space<hbm>> -> memref<1x20000xi32, #tpu.memory_space<hbm>>
    %dma_wait3A_85 = tpu.memref_squeeze %dma_wait3A_84 : memref<1x20000xi32, #tpu.memory_space<hbm>> -> memref<20000xi32, #tpu.memory_space<hbm>>
    %dma_wait3A_86 = arith.constant 0 : i32
    %dma_wait3A_87 = tpu.memref_slice %arg2[%add3A, %dma_wait3A_86] : memref<32x20000xi32, #tpu.memory_space<hbm>> -> memref<1x20000xi32, #tpu.memory_space<hbm>>
    %dma_wait3A_88 = tpu.memref_squeeze %dma_wait3A_87 : memref<1x20000xi32, #tpu.memory_space<hbm>> -> memref<20000xi32, #tpu.memory_space<hbm>>
    tpu.wait_dma2 semaphore(%arg11 : memref<!tpu.dma_semaphore, #tpu.memory_space<semaphore_mem>>) src(%dma_wait3A_88 : memref<20000xi32, #tpu.memory_space<hbm>>) dst(%arg5 : memref<20000xi32, #tpu.memory_space<vmem>>)
    %dma_start3A_89 = arith.constant 0 : i32
    %dma_start3A_90 = arith.constant 0 : i32
    %dma_start3A_91 = arith.constant 0 : i32
    %dma_start3A_92 = tpu.memref_slice %arg8[%dma_start3A_90, %dma_start3A_91] : memref<2x9600xi32, #tpu.memory_space<vmem>> -> memref<1x9600xi32, #tpu.memory_space<vmem>>
    %dma_start3A_93 = tpu.memref_squeeze %dma_start3A_92 : memref<1x9600xi32, #tpu.memory_space<vmem>> -> memref<9600xi32, #tpu.memory_space<vmem>>
    %dma_start3A_94 = arith.constant 0 : i32
    %dma_start3A_95 = tpu.memref_slice %arg3[%dma_start3A_89, %dma_start3A_94] : memref<100x9600xi32, #tpu.memory_space<hbm>> -> memref<1x9600xi32, #tpu.memory_space<hbm>>
    %dma_start3A_96 = tpu.memref_squeeze %dma_start3A_95 : memref<1x9600xi32, #tpu.memory_space<hbm>> -> memref<9600xi32, #tpu.memory_space<hbm>>
    %dma_start3A_97 = arith.constant 0 : i32
    %dma_start3A_98 = tpu.memref_slice %arg8[%dma_start3A_90, %dma_start3A_97] : memref<2x9600xi32, #tpu.memory_space<vmem>> -> memref<1x9600xi32, #tpu.memory_space<vmem>>
    %dma_start3A_99 = tpu.memref_squeeze %dma_start3A_98 : memref<1x9600xi32, #tpu.memory_space<vmem>> -> memref<9600xi32, #tpu.memory_space<vmem>>
    %dma_start3A_100 = arith.constant 0 : i32
    %dma_start3A_101 = tpu.memref_slice %arg3[%dma_start3A_89, %dma_start3A_100] : memref<100x9600xi32, #tpu.memory_space<hbm>> -> memref<1x9600xi32, #tpu.memory_space<hbm>>
    %dma_start3A_102 = tpu.memref_squeeze %dma_start3A_101 : memref<1x9600xi32, #tpu.memory_space<hbm>> -> memref<9600xi32, #tpu.memory_space<hbm>>
    tpu.enqueue_dma source(%dma_start3A_102 : memref<9600xi32, #tpu.memory_space<hbm>>) target(%dma_start3A_99 : memref<9600xi32, #tpu.memory_space<vmem>>) target_semaphore(%arg9 : memref<!tpu.dma_semaphore, #tpu.memory_space<semaphore_mem>>)
    %dma_start3A_103 = arith.constant 1 : i32
    %dma_start3A_104 = arith.constant 1 : i32
    %dma_start3A_105 = arith.constant 0 : i32
    %dma_start3A_106 = tpu.memref_slice %arg8[%dma_start3A_104, %dma_start3A_105] : memref<2x9600xi32, #tpu.memory_space<vmem>> -> memref<1x9600xi32, #tpu.memory_space<vmem>>
    %dma_start3A_107 = tpu.memref_squeeze %dma_start3A_106 : memref<1x9600xi32, #tpu.memory_space<vmem>> -> memref<9600xi32, #tpu.memory_space<vmem>>
    %dma_start3A_108 = arith.constant 0 : i32
    %dma_start3A_109 = tpu.memref_slice %arg3[%dma_start3A_103, %dma_start3A_108] : memref<100x9600xi32, #tpu.memory_space<hbm>> -> memref<1x9600xi32, #tpu.memory_space<hbm>>
    %dma_start3A_110 = tpu.memref_squeeze %dma_start3A_109 : memref<1x9600xi32, #tpu.memory_space<hbm>> -> memref<9600xi32, #tpu.memory_space<hbm>>
    %dma_start3A_111 = arith.constant 0 : i32
    %dma_start3A_112 = tpu.memref_slice %arg8[%dma_start3A_104, %dma_start3A_111] : memref<2x9600xi32, #tpu.memory_space<vmem>> -> memref<1x9600xi32, #tpu.memory_space<vmem>>
    %dma_start3A_113 = tpu.memref_squeeze %dma_start3A_112 : memref<1x9600xi32, #tpu.memory_space<vmem>> -> memref<9600xi32, #tpu.memory_space<vmem>>
    %dma_start3A_114 = arith.constant 0 : i32
    %dma_start3A_115 = tpu.memref_slice %arg3[%dma_start3A_103, %dma_start3A_114] : memref<100x9600xi32, #tpu.memory_space<hbm>> -> memref<1x9600xi32, #tpu.memory_space<hbm>>
    %dma_start3A_116 = tpu.memref_squeeze %dma_start3A_115 : memref<1x9600xi32, #tpu.memory_space<hbm>> -> memref<9600xi32, #tpu.memory_space<hbm>>
    tpu.enqueue_dma source(%dma_start3A_116 : memref<9600xi32, #tpu.memory_space<hbm>>) target(%dma_start3A_113 : memref<9600xi32, #tpu.memory_space<vmem>>) target_semaphore(%arg10 : memref<!tpu.dma_semaphore, #tpu.memory_space<semaphore_mem>>)
    %scan3A_117 = arith.constant 0 : i32
    %scan3A_118 = arith.constant 0 : i32
    %scan3A_119 = arith.constant 49 : i32
    %scan3A_120 = arith.addi %scan3A_118, %scan3A_119 : i32
    %scan3A_121 = arith.constant 1 : i32
    scf.for %scan3A_157 = %scan3A_118 to %scan3A_120 step %scan3A_121  : i32 {
      %mul3A_158 = arith.constant 2 : i32
      %mul3A_159 = arith.muli %scan3A_157, %mul3A_158 : i32
      %dma_wait3A_160 = arith.constant 0 : i32
      %dma_wait3A_161 = arith.constant 0 : i32
      %dma_wait3A_162 = tpu.memref_slice %arg8[%dma_wait3A_160, %dma_wait3A_161] : memref<2x9600xi32, #tpu.memory_space<vmem>> -> memref<1x9600xi32, #tpu.memory_space<vmem>>
      %dma_wait3A_163 = tpu.memref_squeeze %dma_wait3A_162 : memref<1x9600xi32, #tpu.memory_space<vmem>> -> memref<9600xi32, #tpu.memory_space<vmem>>
      %dma_wait3A_164 = arith.constant 0 : i32
      %dma_wait3A_165 = tpu.memref_slice %arg3[%mul3A_159, %dma_wait3A_164] : memref<100x9600xi32, #tpu.memory_space<hbm>> -> memref<1x9600xi32, #tpu.memory_space<hbm>>
      %dma_wait3A_166 = tpu.memref_squeeze %dma_wait3A_165 : memref<1x9600xi32, #tpu.memory_space<hbm>> -> memref<9600xi32, #tpu.memory_space<hbm>>
      %dma_wait3A_167 = arith.constant 0 : i32
      %dma_wait3A_168 = tpu.memref_slice %arg8[%dma_wait3A_160, %dma_wait3A_167] : memref<2x9600xi32, #tpu.memory_space<vmem>> -> memref<1x9600xi32, #tpu.memory_space<vmem>>
      %dma_wait3A_169 = tpu.memref_squeeze %dma_wait3A_168 : memref<1x9600xi32, #tpu.memory_space<vmem>> -> memref<9600xi32, #tpu.memory_space<vmem>>
      %dma_wait3A_170 = arith.constant 0 : i32
      %dma_wait3A_171 = tpu.memref_slice %arg3[%mul3A_159, %dma_wait3A_170] : memref<100x9600xi32, #tpu.memory_space<hbm>> -> memref<1x9600xi32, #tpu.memory_space<hbm>>
      %dma_wait3A_172 = tpu.memref_squeeze %dma_wait3A_171 : memref<1x9600xi32, #tpu.memory_space<hbm>> -> memref<9600xi32, #tpu.memory_space<hbm>>
      tpu.wait_dma2 semaphore(%arg9 : memref<!tpu.dma_semaphore, #tpu.memory_space<semaphore_mem>>) src(%dma_wait3A_172 : memref<9600xi32, #tpu.memory_space<hbm>>) dst(%dma_wait3A_169 : memref<9600xi32, #tpu.memory_space<vmem>>)
      %parallel_loop3A_173 = arith.constant 0 : i32
      %parallel_loop3A_174 = arith.constant 200 : i32
      %parallel_loop3A_175 = arith.constant 1 : i32
      scf.for %parallel_loop3A_224 = %parallel_loop3A_173 to %parallel_loop3A_174 step %parallel_loop3A_175  : i32 {
        %parallel_loop3A_225 = arith.constant 16 : i32
        %parallel_loop3A_226 = arith.muli %parallel_loop3A_224, %parallel_loop3A_225 : i32
        %parallel_loop3A_227 = arith.constant 0 : i32
        %parallel_loop3A_228 = arith.index_cast %parallel_loop3A_227 : i32 to index
        %parallel_loop3A_229 = arith.index_cast %parallel_loop3A_226 : i32 to index
        %parallel_loop3A_230 = tpu.vector_load %arg8[%parallel_loop3A_228, %parallel_loop3A_229] {strides = array<i32>} : memref<2x9600xi32, #tpu.memory_space<vmem>>, vector<16xi32>,
        %parallel_loop3A_231 = arith.constant 16 : i32
        %parallel_loop3A_232 = arith.muli %parallel_loop3A_224, %parallel_loop3A_231 : i32
        %parallel_loop3A_233 = arith.constant 3200 : i32
        %parallel_loop3A_234 = arith.addi %parallel_loop3A_233, %parallel_loop3A_232 : i32
        %parallel_loop3A_235 = arith.constant 0 : i32
        %parallel_loop3A_236 = arith.index_cast %parallel_loop3A_235 : i32 to index
        %parallel_loop3A_237 = arith.index_cast %parallel_loop3A_234 : i32 to index
        %parallel_loop3A_238 = tpu.vector_load %arg8[%parallel_loop3A_236, %parallel_loop3A_237] {strides = array<i32>} : memref<2x9600xi32, #tpu.memory_space<vmem>>, vector<16xi32>,
        %parallel_loop3A_239 = arith.constant 16 : i32
        %parallel_loop3A_240 = arith.muli %parallel_loop3A_224, %parallel_loop3A_239 : i32
        %parallel_loop3A_241 = arith.constant 6400 : i32
        %parallel_loop3A_242 = arith.addi %parallel_loop3A_241, %parallel_loop3A_240 : i32
        %parallel_loop3A_243 = arith.constant 0 : i32
        %parallel_loop3A_244 = arith.index_cast %parallel_loop3A_243 : i32 to index
        %parallel_loop3A_245 = arith.index_cast %parallel_loop3A_242 : i32 to index
        %parallel_loop3A_246 = tpu.vector_load %arg8[%parallel_loop3A_244, %parallel_loop3A_245] {strides = array<i32>} : memref<2x9600xi32, #tpu.memory_space<vmem>>, vector<16xi32>,
        %parallel_loop3A_247 = tpu.vector_load_idx %arg7[%parallel_loop3A_246] : memref<40000xf32, #tpu.memory_space<vmem>>[vector<16xi32>], vector<16xf32>,
        %parallel_loop3A_248 = arith.constant 0 : i32
        %parallel_loop3A_249 = vector.broadcast %parallel_loop3A_248 : i32 to vector<16xi32>
        %parallel_loop3A_250 = arith.addi %parallel_loop3A_230, %parallel_loop3A_249 : vector<16xi32>
        %parallel_loop3A_251 = tpu.vector_load_idx %arg5[%parallel_loop3A_250] : memref<20000xi32, #tpu.memory_space<vmem>>[vector<16xi32>], vector<16xi32>,
        %parallel_loop3A_252 = vector.bitcast %parallel_loop3A_251 : vector<16xi32> to vector<32xbf16>
        %parallel_loop3A_253 = tpu.unpack_subelements %parallel_loop3A_252, 0 {pack_format = #tpu.pack_format<interleaved>} : vector<32xbf16> -> vector<16xf32>
        %parallel_loop3A_254 = tpu.unpack_subelements %parallel_loop3A_252, 1 {pack_format = #tpu.pack_format<interleaved>} : vector<32xbf16> -> vector<16xf32>
        %parallel_loop3A_255 = arith.constant 0 : i32
        %parallel_loop3A_256 = vector.broadcast %parallel_loop3A_255 : i32 to vector<16xi32>
        %parallel_loop3A_257 = arith.addi %parallel_loop3A_238, %parallel_loop3A_256 : vector<16xi32>
        %parallel_loop3A_258 = arith.mulf %parallel_loop3A_253, %parallel_loop3A_247 : vector<16xf32>
        tpu.vector_store_idx %arg6[%parallel_loop3A_257], %parallel_loop3A_258 {add = true} : memref<40000xf32, #tpu.memory_space<vmem>>[vector<16xi32>], vector<16xf32>,
        %parallel_loop3A_259 = arith.constant 10000 : i32
        %parallel_loop3A_260 = vector.broadcast %parallel_loop3A_259 : i32 to vector<16xi32>
        %parallel_loop3A_261 = arith.addi %parallel_loop3A_238, %parallel_loop3A_260 : vector<16xi32>
        %parallel_loop3A_262 = arith.mulf %parallel_loop3A_254, %parallel_loop3A_247 : vector<16xf32>
        tpu.vector_store_idx %arg6[%parallel_loop3A_261], %parallel_loop3A_262 {add = true} : memref<40000xf32, #tpu.memory_space<vmem>>[vector<16xi32>], vector<16xf32>,
        %parallel_loop3A_263 = arith.constant 10000 : i32
        %parallel_loop3A_264 = vector.broadcast %parallel_loop3A_263 : i32 to vector<16xi32>
        %parallel_loop3A_265 = arith.addi %parallel_loop3A_230, %parallel_loop3A_264 : vector<16xi32>
        %parallel_loop3A_266 = tpu.vector_load_idx %arg5[%parallel_loop3A_265] : memref<20000xi32, #tpu.memory_space<vmem>>[vector<16xi32>], vector<16xi32>,
        %parallel_loop3A_267 = vector.bitcast %parallel_loop3A_266 : vector<16xi32> to vector<32xbf16>
        %parallel_loop3A_268 = tpu.unpack_subelements %parallel_loop3A_267, 0 {pack_format = #tpu.pack_format<interleaved>} : vector<32xbf16> -> vector<16xf32>
        %parallel_loop3A_269 = tpu.unpack_subelements %parallel_loop3A_267, 1 {pack_format = #tpu.pack_format<interleaved>} : vector<32xbf16> -> vector<16xf32>
        %parallel_loop3A_270 = arith.constant 20000 : i32
        %parallel_loop3A_271 = vector.broadcast %parallel_loop3A_270 : i32 to vector<16xi32>
        %parallel_loop3A_272 = arith.addi %parallel_loop3A_238, %parallel_loop3A_271 : vector<16xi32>
        %parallel_loop3A_273 = arith.mulf %parallel_loop3A_268, %parallel_loop3A_247 : vector<16xf32>
        tpu.vector_store_idx %arg6[%parallel_loop3A_272], %parallel_loop3A_273 {add = true} : memref<40000xf32, #tpu.memory_space<vmem>>[vector<16xi32>], vector<16xf32>,
        %parallel_loop3A_274 = arith.constant 30000 : i32
        %parallel_loop3A_275 = vector.broadcast %parallel_loop3A_274 : i32 to vector<16xi32>
        %parallel_loop3A_276 = arith.addi %parallel_loop3A_238, %parallel_loop3A_275 : vector<16xi32>
        %parallel_loop3A_277 = arith.mulf %parallel_loop3A_269, %parallel_loop3A_247 : vector<16xf32>
        tpu.vector_store_idx %arg6[%parallel_loop3A_276], %parallel_loop3A_277 {add = true} : memref<40000xf32, #tpu.memory_space<vmem>>[vector<16xi32>], vector<16xf32>,
      } {sc.loop_unroll_factor = 16 : i64, sc.parallel_access}
      %add3A_176 = arith.constant 2 : i32
      %add3A_177 = arith.addi %mul3A_159, %add3A_176 : i32
      %dma_start3A_178 = arith.constant 0 : i32
      %dma_start3A_179 = arith.constant 0 : i32
      %dma_start3A_180 = tpu.memref_slice %arg8[%dma_start3A_178, %dma_start3A_179] : memref<2x9600xi32, #tpu.memory_space<vmem>> -> memref<1x9600xi32, #tpu.memory_space<vmem>>
      %dma_start3A_181 = tpu.memref_squeeze %dma_start3A_180 : memref<1x9600xi32, #tpu.memory_space<vmem>> -> memref<9600xi32, #tpu.memory_space<vmem>>
      %dma_start3A_182 = arith.constant 0 : i32
      %dma_start3A_183 = tpu.memref_slice %arg3[%add3A_177, %dma_start3A_182] : memref<100x9600xi32, #tpu.memory_space<hbm>> -> memref<1x9600xi32, #tpu.memory_space<hbm>>
      %dma_start3A_184 = tpu.memref_squeeze %dma_start3A_183 : memref<1x9600xi32, #tpu.memory_space<hbm>> -> memref<9600xi32, #tpu.memory_space<hbm>>
      %dma_start3A_185 = arith.constant 0 : i32
      %dma_start3A_186 = tpu.memref_slice %arg8[%dma_start3A_178, %dma_start3A_185] : memref<2x9600xi32, #tpu.memory_space<vmem>> -> memref<1x9600xi32, #tpu.memory_space<vmem>>
      %dma_start3A_187 = tpu.memref_squeeze %dma_start3A_186 : memref<1x9600xi32, #tpu.memory_space<vmem>> -> memref<9600xi32, #tpu.memory_space<vmem>>
      %dma_start3A_188 = arith.constant 0 : i32
      %dma_start3A_189 = tpu.memref_slice %arg3[%add3A_177, %dma_start3A_188] : memref<100x9600xi32, #tpu.memory_space<hbm>> -> memref<1x9600xi32, #tpu.memory_space<hbm>>
      %dma_start3A_190 = tpu.memref_squeeze %dma_start3A_189 : memref<1x9600xi32, #tpu.memory_space<hbm>> -> memref<9600xi32, #tpu.memory_space<hbm>>
      tpu.enqueue_dma source(%dma_start3A_190 : memref<9600xi32, #tpu.memory_space<hbm>>) target(%dma_start3A_187 : memref<9600xi32, #tpu.memory_space<vmem>>) target_semaphore(%arg9 : memref<!tpu.dma_semaphore, #tpu.memory_space<semaphore_mem>>)
      %add3A_191 = arith.constant 1 : i32
      %add3A_192 = arith.addi %mul3A_159, %add3A_191 : i32
      %dma_wait3A_193 = arith.constant 1 : i32
      %dma_wait3A_194 = arith.constant 0 : i32
      %dma_wait3A_195 = tpu.memref_slice %arg8[%dma_wait3A_193, %dma_wait3A_194] : memref<2x9600xi32, #tpu.memory_space<vmem>> -> memref<1x9600xi32, #tpu.memory_space<vmem>>
      %dma_wait3A_196 = tpu.memref_squeeze %dma_wait3A_195 : memref<1x9600xi32, #tpu.memory_space<vmem>> -> memref<9600xi32, #tpu.memory_space<vmem>>
      %dma_wait3A_197 = arith.constant 0 : i32
      %dma_wait3A_198 = tpu.memref_slice %arg3[%add3A_192, %dma_wait3A_197] : memref<100x9600xi32, #tpu.memory_space<hbm>> -> memref<1x9600xi32, #tpu.memory_space<hbm>>
      %dma_wait3A_199 = tpu.memref_squeeze %dma_wait3A_198 : memref<1x9600xi32, #tpu.memory_space<hbm>> -> memref<9600xi32, #tpu.memory_space<hbm>>
      %dma_wait3A_200 = arith.constant 0 : i32
      %dma_wait3A_201 = tpu.memref_slice %arg8[%dma_wait3A_193, %dma_wait3A_200] : memref<2x9600xi32, #tpu.memory_space<vmem>> -> memref<1x9600xi32, #tpu.memory_space<vmem>>
      %dma_wait3A_202 = tpu.memref_squeeze %dma_wait3A_201 : memref<1x9600xi32, #tpu.memory_space<vmem>> -> memref<9600xi32, #tpu.memory_space<vmem>>
      %dma_wait3A_203 = arith.constant 0 : i32
      %dma_wait3A_204 = tpu.memref_slice %arg3[%add3A_192, %dma_wait3A_203] : memref<100x9600xi32, #tpu.memory_space<hbm>> -> memref<1x9600xi32, #tpu.memory_space<hbm>>
      %dma_wait3A_205 = tpu.memref_squeeze %dma_wait3A_204 : memref<1x9600xi32, #tpu.memory_space<hbm>> -> memref<9600xi32, #tpu.memory_space<hbm>>
      tpu.wait_dma2 semaphore(%arg10 : memref<!tpu.dma_semaphore, #tpu.memory_space<semaphore_mem>>) src(%dma_wait3A_205 : memref<9600xi32, #tpu.memory_space<hbm>>) dst(%dma_wait3A_202 : memref<9600xi32, #tpu.memory_space<vmem>>)
      %parallel_loop3A_206 = arith.constant 0 : i32
      %parallel_loop3A_207 = arith.constant 200 : i32
      %parallel_loop3A_208 = arith.constant 1 : i32
      scf.for %parallel_loop3A_224 = %parallel_loop3A_206 to %parallel_loop3A_207 step %parallel_loop3A_208  : i32 {
        %parallel_loop3A_225 = arith.constant 16 : i32
        %parallel_loop3A_226 = arith.muli %parallel_loop3A_224, %parallel_loop3A_225 : i32
        %parallel_loop3A_227 = arith.constant 1 : i32
        %parallel_loop3A_228 = arith.index_cast %parallel_loop3A_227 : i32 to index
        %parallel_loop3A_229 = arith.index_cast %parallel_loop3A_226 : i32 to index
        %parallel_loop3A_230 = tpu.vector_load %arg8[%parallel_loop3A_228, %parallel_loop3A_229] {strides = array<i32>} : memref<2x9600xi32, #tpu.memory_space<vmem>>, vector<16xi32>,
        %parallel_loop3A_231 = arith.constant 16 : i32
        %parallel_loop3A_232 = arith.muli %parallel_loop3A_224, %parallel_loop3A_231 : i32
        %parallel_loop3A_233 = arith.constant 3200 : i32
        %parallel_loop3A_234 = arith.addi %parallel_loop3A_233, %parallel_loop3A_232 : i32
        %parallel_loop3A_235 = arith.constant 1 : i32
        %parallel_loop3A_236 = arith.index_cast %parallel_loop3A_235 : i32 to index
        %parallel_loop3A_237 = arith.index_cast %parallel_loop3A_234 : i32 to index
        %parallel_loop3A_238 = tpu.vector_load %arg8[%parallel_loop3A_236, %parallel_loop3A_237] {strides = array<i32>} : memref<2x9600xi32, #tpu.memory_space<vmem>>, vector<16xi32>,
        %parallel_loop3A_239 = arith.constant 16 : i32
        %parallel_loop3A_240 = arith.muli %parallel_loop3A_224, %parallel_loop3A_239 : i32
        %parallel_loop3A_241 = arith.constant 6400 : i32
        %parallel_loop3A_242 = arith.addi %parallel_loop3A_241, %parallel_loop3A_240 : i32
        %parallel_loop3A_243 = arith.constant 1 : i32
        %parallel_loop3A_244 = arith.index_cast %parallel_loop3A_243 : i32 to index
        %parallel_loop3A_245 = arith.index_cast %parallel_loop3A_242 : i32 to index
        %parallel_loop3A_246 = tpu.vector_load %arg8[%parallel_loop3A_244, %parallel_loop3A_245] {strides = array<i32>} : memref<2x9600xi32, #tpu.memory_space<vmem>>, vector<16xi32>,
        %parallel_loop3A_247 = tpu.vector_load_idx %arg7[%parallel_loop3A_246] : memref<40000xf32, #tpu.memory_space<vmem>>[vector<16xi32>], vector<16xf32>,
        %parallel_loop3A_248 = arith.constant 0 : i32
        %parallel_loop3A_249 = vector.broadcast %parallel_loop3A_248 : i32 to vector<16xi32>
        %parallel_loop3A_250 = arith.addi %parallel_loop3A_230, %parallel_loop3A_249 : vector<16xi32>
        %parallel_loop3A_251 = tpu.vector_load_idx %arg5[%parallel_loop3A_250] : memref<20000xi32, #tpu.memory_space<vmem>>[vector<16xi32>], vector<16xi32>,
        %parallel_loop3A_252 = vector.bitcast %parallel_loop3A_251 : vector<16xi32> to vector<32xbf16>
        %parallel_loop3A_253 = tpu.unpack_subelements %parallel_loop3A_252, 0 {pack_format = #tpu.pack_format<interleaved>} : vector<32xbf16> -> vector<16xf32>
        %parallel_loop3A_254 = tpu.unpack_subelements %parallel_loop3A_252, 1 {pack_format = #tpu.pack_format<interleaved>} : vector<32xbf16> -> vector<16xf32>
        %parallel_loop3A_255 = arith.constant 0 : i32
        %parallel_loop3A_256 = vector.broadcast %parallel_loop3A_255 : i32 to vector<16xi32>
        %parallel_loop3A_257 = arith.addi %parallel_loop3A_238, %parallel_loop3A_256 : vector<16xi32>
        %parallel_loop3A_258 = arith.mulf %parallel_loop3A_253, %parallel_loop3A_247 : vector<16xf32>
        tpu.vector_store_idx %arg6[%parallel_loop3A_257], %parallel_loop3A_258 {add = true} : memref<40000xf32, #tpu.memory_space<vmem>>[vector<16xi32>], vector<16xf32>,
        %parallel_loop3A_259 = arith.constant 10000 : i32
        %parallel_loop3A_260 = vector.broadcast %parallel_loop3A_259 : i32 to vector<16xi32>
        %parallel_loop3A_261 = arith.addi %parallel_loop3A_238, %parallel_loop3A_260 : vector<16xi32>
        %parallel_loop3A_262 = arith.mulf %parallel_loop3A_254, %parallel_loop3A_247 : vector<16xf32>
        tpu.vector_store_idx %arg6[%parallel_loop3A_261], %parallel_loop3A_262 {add = true} : memref<40000xf32, #tpu.memory_space<vmem>>[vector<16xi32>], vector<16xf32>,
        %parallel_loop3A_263 = arith.constant 10000 : i32
        %parallel_loop3A_264 = vector.broadcast %parallel_loop3A_263 : i32 to vector<16xi32>
        %parallel_loop3A_265 = arith.addi %parallel_loop3A_230, %parallel_loop3A_264 : vector<16xi32>
        %parallel_loop3A_266 = tpu.vector_load_idx %arg5[%parallel_loop3A_265] : memref<20000xi32, #tpu.memory_space<vmem>>[vector<16xi32>], vector<16xi32>,
        %parallel_loop3A_267 = vector.bitcast %parallel_loop3A_266 : vector<16xi32> to vector<32xbf16>
        %parallel_loop3A_268 = tpu.unpack_subelements %parallel_loop3A_267, 0 {pack_format = #tpu.pack_format<interleaved>} : vector<32xbf16> -> vector<16xf32>
        %parallel_loop3A_269 = tpu.unpack_subelements %parallel_loop3A_267, 1 {pack_format = #tpu.pack_format<interleaved>} : vector<32xbf16> -> vector<16xf32>
        %parallel_loop3A_270 = arith.constant 20000 : i32
        %parallel_loop3A_271 = vector.broadcast %parallel_loop3A_270 : i32 to vector<16xi32>
        %parallel_loop3A_272 = arith.addi %parallel_loop3A_238, %parallel_loop3A_271 : vector<16xi32>
        %parallel_loop3A_273 = arith.mulf %parallel_loop3A_268, %parallel_loop3A_247 : vector<16xf32>
        tpu.vector_store_idx %arg6[%parallel_loop3A_272], %parallel_loop3A_273 {add = true} : memref<40000xf32, #tpu.memory_space<vmem>>[vector<16xi32>], vector<16xf32>,
        %parallel_loop3A_274 = arith.constant 30000 : i32
        %parallel_loop3A_275 = vector.broadcast %parallel_loop3A_274 : i32 to vector<16xi32>
        %parallel_loop3A_276 = arith.addi %parallel_loop3A_238, %parallel_loop3A_275 : vector<16xi32>
        %parallel_loop3A_277 = arith.mulf %parallel_loop3A_269, %parallel_loop3A_247 : vector<16xf32>
        tpu.vector_store_idx %arg6[%parallel_loop3A_276], %parallel_loop3A_277 {add = true} : memref<40000xf32, #tpu.memory_space<vmem>>[vector<16xi32>], vector<16xf32>,
      } {sc.loop_unroll_factor = 16 : i64, sc.parallel_access}
      %add3A_209 = arith.constant 3 : i32
      %add3A_210 = arith.addi %mul3A_159, %add3A_209 : i32
      %dma_start3A_211 = arith.constant 1 : i32
      %dma_start3A_212 = arith.constant 0 : i32
      %dma_start3A_213 = tpu.memref_slice %arg8[%dma_start3A_211, %dma_start3A_212] : memref<2x9600xi32, #tpu.memory_space<vmem>> -> memref<1x9600xi32, #tpu.memory_space<vmem>>
      %dma_start3A_214 = tpu.memref_squeeze %dma_start3A_213 : memref<1x9600xi32, #tpu.memory_space<vmem>> -> memref<9600xi32, #tpu.memory_space<vmem>>
      %dma_start3A_215 = arith.constant 0 : i32
      %dma_start3A_216 = tpu.memref_slice %arg3[%add3A_210, %dma_start3A_215] : memref<100x9600xi32, #tpu.memory_space<hbm>> -> memref<1x9600xi32, #tpu.memory_space<hbm>>
      %dma_start3A_217 = tpu.memref_squeeze %dma_start3A_216 : memref<1x9600xi32, #tpu.memory_space<hbm>> -> memref<9600xi32, #tpu.memory_space<hbm>>
      %dma_start3A_218 = arith.constant 0 : i32
      %dma_start3A_219 = tpu.memref_slice %arg8[%dma_start3A_211, %dma_start3A_218] : memref<2x9600xi32, #tpu.memory_space<vmem>> -> memref<1x9600xi32, #tpu.memory_space<vmem>>
      %dma_start3A_220 = tpu.memref_squeeze %dma_start3A_219 : memref<1x9600xi32, #tpu.memory_space<vmem>> -> memref<9600xi32, #tpu.memory_space<vmem>>
      %dma_start3A_221 = arith.constant 0 : i32
      %dma_start3A_222 = tpu.memref_slice %arg3[%add3A_210, %dma_start3A_221] : memref<100x9600xi32, #tpu.memory_space<hbm>> -> memref<1x9600xi32, #tpu.memory_space<hbm>>
      %dma_start3A_223 = tpu.memref_squeeze %dma_start3A_222 : memref<1x9600xi32, #tpu.memory_space<hbm>> -> memref<9600xi32, #tpu.memory_space<hbm>>
      tpu.enqueue_dma source(%dma_start3A_223 : memref<9600xi32, #tpu.memory_space<hbm>>) target(%dma_start3A_220 : memref<9600xi32, #tpu.memory_space<vmem>>) target_semaphore(%arg10 : memref<!tpu.dma_semaphore, #tpu.memory_space<semaphore_mem>>)
    }
    %scan3A_122 = arith.constant 49 : i32
    %dma_wait3A_123 = arith.constant 98 : i32
    %dma_wait3A_124 = arith.constant 0 : i32
    %dma_wait3A_125 = arith.constant 0 : i32
    %dma_wait3A_126 = tpu.memref_slice %arg8[%dma_wait3A_124, %dma_wait3A_125] : memref<2x9600xi32, #tpu.memory_space<vmem>> -> memref<1x9600xi32, #tpu.memory_space<vmem>>
    %dma_wait3A_127 = tpu.memref_squeeze %dma_wait3A_126 : memref<1x9600xi32, #tpu.memory_space<vmem>> -> memref<9600xi32, #tpu.memory_space<vmem>>
    %dma_wait3A_128 = arith.constant 0 : i32
    %dma_wait3A_129 = tpu.memref_slice %arg3[%dma_wait3A_123, %dma_wait3A_128] : memref<100x9600xi32, #tpu.memory_space<hbm>> -> memref<1x9600xi32, #tpu.memory_space<hbm>>
    %dma_wait3A_130 = tpu.memref_squeeze %dma_wait3A_129 : memref<1x9600xi32, #tpu.memory_space<hbm>> -> memref<9600xi32, #tpu.memory_space<hbm>>
    %dma_wait3A_131 = arith.constant 0 : i32
    %dma_wait3A_132 = tpu.memref_slice %arg8[%dma_wait3A_124, %dma_wait3A_131] : memref<2x9600xi32, #tpu.memory_space<vmem>> -> memref<1x9600xi32, #tpu.memory_space<vmem>>
    %dma_wait3A_133 = tpu.memref_squeeze %dma_wait3A_132 : memref<1x9600xi32, #tpu.memory_space<vmem>> -> memref<9600xi32, #tpu.memory_space<vmem>>
    %dma_wait3A_134 = arith.constant 0 : i32
    %dma_wait3A_135 = tpu.memref_slice %arg3[%dma_wait3A_123, %dma_wait3A_134] : memref<100x9600xi32, #tpu.memory_space<hbm>> -> memref<1x9600xi32, #tpu.memory_space<hbm>>
    %dma_wait3A_136 = tpu.memref_squeeze %dma_wait3A_135 : memref<1x9600xi32, #tpu.memory_space<hbm>> -> memref<9600xi32, #tpu.memory_space<hbm>>
    tpu.wait_dma2 semaphore(%arg9 : memref<!tpu.dma_semaphore, #tpu.memory_space<semaphore_mem>>) src(%dma_wait3A_136 : memref<9600xi32, #tpu.memory_space<hbm>>) dst(%dma_wait3A_133 : memref<9600xi32, #tpu.memory_space<vmem>>)
    %parallel_loop3A_137 = arith.constant 0 : i32
    %parallel_loop3A_138 = arith.constant 200 : i32
    %parallel_loop3A_139 = arith.constant 1 : i32
    scf.for %parallel_loop3A_157 = %parallel_loop3A_137 to %parallel_loop3A_138 step %parallel_loop3A_139  : i32 {
      %parallel_loop3A_158 = arith.constant 16 : i32
      %parallel_loop3A_159 = arith.muli %parallel_loop3A_157, %parallel_loop3A_158 : i32
      %parallel_loop3A_160 = arith.constant 0 : i32
      %parallel_loop3A_161 = arith.index_cast %parallel_loop3A_160 : i32 to index
      %parallel_loop3A_162 = arith.index_cast %parallel_loop3A_159 : i32 to index
      %parallel_loop3A_163 = tpu.vector_load %arg8[%parallel_loop3A_161, %parallel_loop3A_162] {strides = array<i32>} : memref<2x9600xi32, #tpu.memory_space<vmem>>, vector<16xi32>,
      %parallel_loop3A_164 = arith.constant 16 : i32
      %parallel_loop3A_165 = arith.muli %parallel_loop3A_157, %parallel_loop3A_164 : i32
      %parallel_loop3A_166 = arith.constant 3200 : i32
      %parallel_loop3A_167 = arith.addi %parallel_loop3A_166, %parallel_loop3A_165 : i32
      %parallel_loop3A_168 = arith.constant 0 : i32
      %parallel_loop3A_169 = arith.index_cast %parallel_loop3A_168 : i32 to index
      %parallel_loop3A_170 = arith.index_cast %parallel_loop3A_167 : i32 to index
      %parallel_loop3A_171 = tpu.vector_load %arg8[%parallel_loop3A_169, %parallel_loop3A_170] {strides = array<i32>} : memref<2x9600xi32, #tpu.memory_space<vmem>>, vector<16xi32>,
      %parallel_loop3A_172 = arith.constant 16 : i32
      %parallel_loop3A_173 = arith.muli %parallel_loop3A_157, %parallel_loop3A_172 : i32
      %parallel_loop3A_174 = arith.constant 6400 : i32
      %parallel_loop3A_175 = arith.addi %parallel_loop3A_174, %parallel_loop3A_173 : i32
      %parallel_loop3A_176 = arith.constant 0 : i32
      %parallel_loop3A_177 = arith.index_cast %parallel_loop3A_176 : i32 to index
      %parallel_loop3A_178 = arith.index_cast %parallel_loop3A_175 : i32 to index
      %parallel_loop3A_179 = tpu.vector_load %arg8[%parallel_loop3A_177, %parallel_loop3A_178] {strides = array<i32>} : memref<2x9600xi32, #tpu.memory_space<vmem>>, vector<16xi32>,
      %parallel_loop3A_180 = tpu.vector_load_idx %arg7[%parallel_loop3A_179] : memref<40000xf32, #tpu.memory_space<vmem>>[vector<16xi32>], vector<16xf32>,
      %parallel_loop3A_181 = arith.constant 0 : i32
      %parallel_loop3A_182 = vector.broadcast %parallel_loop3A_181 : i32 to vector<16xi32>
      %parallel_loop3A_183 = arith.addi %parallel_loop3A_163, %parallel_loop3A_182 : vector<16xi32>
      %parallel_loop3A_184 = tpu.vector_load_idx %arg5[%parallel_loop3A_183] : memref<20000xi32, #tpu.memory_space<vmem>>[vector<16xi32>], vector<16xi32>,
      %parallel_loop3A_185 = vector.bitcast %parallel_loop3A_184 : vector<16xi32> to vector<32xbf16>
      %parallel_loop3A_186 = tpu.unpack_subelements %parallel_loop3A_185, 0 {pack_format = #tpu.pack_format<interleaved>} : vector<32xbf16> -> vector<16xf32>
      %parallel_loop3A_187 = tpu.unpack_subelements %parallel_loop3A_185, 1 {pack_format = #tpu.pack_format<interleaved>} : vector<32xbf16> -> vector<16xf32>
      %parallel_loop3A_188 = arith.constant 0 : i32
      %parallel_loop3A_189 = vector.broadcast %parallel_loop3A_188 : i32 to vector<16xi32>
      %parallel_loop3A_190 = arith.addi %parallel_loop3A_171, %parallel_loop3A_189 : vector<16xi32>
      %parallel_loop3A_191 = arith.mulf %parallel_loop3A_186, %parallel_loop3A_180 : vector<16xf32>
      tpu.vector_store_idx %arg6[%parallel_loop3A_190], %parallel_loop3A_191 {add = true} : memref<40000xf32, #tpu.memory_space<vmem>>[vector<16xi32>], vector<16xf32>,
      %parallel_loop3A_192 = arith.constant 10000 : i32
      %parallel_loop3A_193 = vector.broadcast %parallel_loop3A_192 : i32 to vector<16xi32>
      %parallel_loop3A_194 = arith.addi %parallel_loop3A_171, %parallel_loop3A_193 : vector<16xi32>
      %parallel_loop3A_195 = arith.mulf %parallel_loop3A_187, %parallel_loop3A_180 : vector<16xf32>
      tpu.vector_store_idx %arg6[%parallel_loop3A_194], %parallel_loop3A_195 {add = true} : memref<40000xf32, #tpu.memory_space<vmem>>[vector<16xi32>], vector<16xf32>,
      %parallel_loop3A_196 = arith.constant 10000 : i32
      %parallel_loop3A_197 = vector.broadcast %parallel_loop3A_196 : i32 to vector<16xi32>
      %parallel_loop3A_198 = arith.addi %parallel_loop3A_163, %parallel_loop3A_197 : vector<16xi32>
      %parallel_loop3A_199 = tpu.vector_load_idx %arg5[%parallel_loop3A_198] : memref<20000xi32, #tpu.memory_space<vmem>>[vector<16xi32>], vector<16xi32>,
      %parallel_loop3A_200 = vector.bitcast %parallel_loop3A_199 : vector<16xi32> to vector<32xbf16>
      %parallel_loop3A_201 = tpu.unpack_subelements %parallel_loop3A_200, 0 {pack_format = #tpu.pack_format<interleaved>} : vector<32xbf16> -> vector<16xf32>
      %parallel_loop3A_202 = tpu.unpack_subelements %parallel_loop3A_200, 1 {pack_format = #tpu.pack_format<interleaved>} : vector<32xbf16> -> vector<16xf32>
      %parallel_loop3A_203 = arith.constant 20000 : i32
      %parallel_loop3A_204 = vector.broadcast %parallel_loop3A_203 : i32 to vector<16xi32>
      %parallel_loop3A_205 = arith.addi %parallel_loop3A_171, %parallel_loop3A_204 : vector<16xi32>
      %parallel_loop3A_206 = arith.mulf %parallel_loop3A_201, %parallel_loop3A_180 : vector<16xf32>
      tpu.vector_store_idx %arg6[%parallel_loop3A_205], %parallel_loop3A_206 {add = true} : memref<40000xf32, #tpu.memory_space<vmem>>[vector<16xi32>], vector<16xf32>,
      %parallel_loop3A_207 = arith.constant 30000 : i32
      %parallel_loop3A_208 = vector.broadcast %parallel_loop3A_207 : i32 to vector<16xi32>
      %parallel_loop3A_209 = arith.addi %parallel_loop3A_171, %parallel_loop3A_208 : vector<16xi32>
      %parallel_loop3A_210 = arith.mulf %parallel_loop3A_202, %parallel_loop3A_180 : vector<16xf32>
      tpu.vector_store_idx %arg6[%parallel_loop3A_209], %parallel_loop3A_210 {add = true} : memref<40000xf32, #tpu.memory_space<vmem>>[vector<16xi32>], vector<16xf32>,
    } {sc.loop_unroll_factor = 16 : i64, sc.parallel_access}
    %dma_wait3A_140 = arith.constant 99 : i32
    %dma_wait3A_141 = arith.constant 1 : i32
    %dma_wait3A_142 = arith.constant 0 : i32
    %dma_wait3A_143 = tpu.memref_slice %arg8[%dma_wait3A_141, %dma_wait3A_142] : memref<2x9600xi32, #tpu.memory_space<vmem>> -> memref<1x9600xi32, #tpu.memory_space<vmem>>
    %dma_wait3A_144 = tpu.memref_squeeze %dma_wait3A_143 : memref<1x9600xi32, #tpu.memory_space<vmem>> -> memref<9600xi32, #tpu.memory_space<vmem>>
    %dma_wait3A_145 = arith.constant 0 : i32
    %dma_wait3A_146 = tpu.memref_slice %arg3[%dma_wait3A_140, %dma_wait3A_145] : memref<100x9600xi32, #tpu.memory_space<hbm>> -> memref<1x9600xi32, #tpu.memory_space<hbm>>
    %dma_wait3A_147 = tpu.memref_squeeze %dma_wait3A_146 : memref<1x9600xi32, #tpu.memory_space<hbm>> -> memref<9600xi32, #tpu.memory_space<hbm>>
    %dma_wait3A_148 = arith.constant 0 : i32
    %dma_wait3A_149 = tpu.memref_slice %arg8[%dma_wait3A_141, %dma_wait3A_148] : memref<2x9600xi32, #tpu.memory_space<vmem>> -> memref<1x9600xi32, #tpu.memory_space<vmem>>
    %dma_wait3A_150 = tpu.memref_squeeze %dma_wait3A_149 : memref<1x9600xi32, #tpu.memory_space<vmem>> -> memref<9600xi32, #tpu.memory_space<vmem>>
    %dma_wait3A_151 = arith.constant 0 : i32
    %dma_wait3A_152 = tpu.memref_slice %arg3[%dma_wait3A_140, %dma_wait3A_151] : memref<100x9600xi32, #tpu.memory_space<hbm>> -> memref<1x9600xi32, #tpu.memory_space<hbm>>
    %dma_wait3A_153 = tpu.memref_squeeze %dma_wait3A_152 : memref<1x9600xi32, #tpu.memory_space<hbm>> -> memref<9600xi32, #tpu.memory_space<hbm>>
    tpu.wait_dma2 semaphore(%arg10 : memref<!tpu.dma_semaphore, #tpu.memory_space<semaphore_mem>>) src(%dma_wait3A_153 : memref<9600xi32, #tpu.memory_space<hbm>>) dst(%dma_wait3A_150 : memref<9600xi32, #tpu.memory_space<vmem>>)
    %parallel_loop3A_154 = arith.constant 0 : i32
    %parallel_loop3A_155 = arith.constant 200 : i32
    %parallel_loop3A_156 = arith.constant 1 : i32
    scf.for %parallel_loop3A_157 = %parallel_loop3A_154 to %parallel_loop3A_155 step %parallel_loop3A_156  : i32 {
      %parallel_loop3A_158 = arith.constant 16 : i32
      %parallel_loop3A_159 = arith.muli %parallel_loop3A_157, %parallel_loop3A_158 : i32
      %parallel_loop3A_160 = arith.constant 1 : i32
      %parallel_loop3A_161 = arith.index_cast %parallel_loop3A_160 : i32 to index
      %parallel_loop3A_162 = arith.index_cast %parallel_loop3A_159 : i32 to index
      %parallel_loop3A_163 = tpu.vector_load %arg8[%parallel_loop3A_161, %parallel_loop3A_162] {strides = array<i32>} : memref<2x9600xi32, #tpu.memory_space<vmem>>, vector<16xi32>,
      %parallel_loop3A_164 = arith.constant 16 : i32
      %parallel_loop3A_165 = arith.muli %parallel_loop3A_157, %parallel_loop3A_164 : i32
      %parallel_loop3A_166 = arith.constant 3200 : i32
      %parallel_loop3A_167 = arith.addi %parallel_loop3A_166, %parallel_loop3A_165 : i32
      %parallel_loop3A_168 = arith.constant 1 : i32
      %parallel_loop3A_169 = arith.index_cast %parallel_loop3A_168 : i32 to index
      %parallel_loop3A_170 = arith.index_cast %parallel_loop3A_167 : i32 to index
      %parallel_loop3A_171 = tpu.vector_load %arg8[%parallel_loop3A_169, %parallel_loop3A_170] {strides = array<i32>} : memref<2x9600xi32, #tpu.memory_space<vmem>>, vector<16xi32>,
      %parallel_loop3A_172 = arith.constant 16 : i32
      %parallel_loop3A_173 = arith.muli %parallel_loop3A_157, %parallel_loop3A_172 : i32
      %parallel_loop3A_174 = arith.constant 6400 : i32
      %parallel_loop3A_175 = arith.addi %parallel_loop3A_174, %parallel_loop3A_173 : i32
      %parallel_loop3A_176 = arith.constant 1 : i32
      %parallel_loop3A_177 = arith.index_cast %parallel_loop3A_176 : i32 to index
      %parallel_loop3A_178 = arith.index_cast %parallel_loop3A_175 : i32 to index
      %parallel_loop3A_179 = tpu.vector_load %arg8[%parallel_loop3A_177, %parallel_loop3A_178] {strides = array<i32>} : memref<2x9600xi32, #tpu.memory_space<vmem>>, vector<16xi32>,
      %parallel_loop3A_180 = tpu.vector_load_idx %arg7[%parallel_loop3A_179] : memref<40000xf32, #tpu.memory_space<vmem>>[vector<16xi32>], vector<16xf32>,
      %parallel_loop3A_181 = arith.constant 0 : i32
      %parallel_loop3A_182 = vector.broadcast %parallel_loop3A_181 : i32 to vector<16xi32>
      %parallel_loop3A_183 = arith.addi %parallel_loop3A_163, %parallel_loop3A_182 : vector<16xi32>
      %parallel_loop3A_184 = tpu.vector_load_idx %arg5[%parallel_loop3A_183] : memref<20000xi32, #tpu.memory_space<vmem>>[vector<16xi32>], vector<16xi32>,
      %parallel_loop3A_185 = vector.bitcast %parallel_loop3A_184 : vector<16xi32> to vector<32xbf16>
      %parallel_loop3A_186 = tpu.unpack_subelements %parallel_loop3A_185, 0 {pack_format = #tpu.pack_format<interleaved>} : vector<32xbf16> -> vector<16xf32>
      %parallel_loop3A_187 = tpu.unpack_subelements %parallel_loop3A_185, 1 {pack_format = #tpu.pack_format<interleaved>} : vector<32xbf16> -> vector<16xf32>
      %parallel_loop3A_188 = arith.constant 0 : i32
      %parallel_loop3A_189 = vector.broadcast %parallel_loop3A_188 : i32 to vector<16xi32>
      %parallel_loop3A_190 = arith.addi %parallel_loop3A_171, %parallel_loop3A_189 : vector<16xi32>
      %parallel_loop3A_191 = arith.mulf %parallel_loop3A_186, %parallel_loop3A_180 : vector<16xf32>
      tpu.vector_store_idx %arg6[%parallel_loop3A_190], %parallel_loop3A_191 {add = true} : memref<40000xf32, #tpu.memory_space<vmem>>[vector<16xi32>], vector<16xf32>,
      %parallel_loop3A_192 = arith.constant 10000 : i32
      %parallel_loop3A_193 = vector.broadcast %parallel_loop3A_192 : i32 to vector<16xi32>
      %parallel_loop3A_194 = arith.addi %parallel_loop3A_171, %parallel_loop3A_193 : vector<16xi32>
      %parallel_loop3A_195 = arith.mulf %parallel_loop3A_187, %parallel_loop3A_180 : vector<16xf32>
      tpu.vector_store_idx %arg6[%parallel_loop3A_194], %parallel_loop3A_195 {add = true} : memref<40000xf32, #tpu.memory_space<vmem>>[vector<16xi32>], vector<16xf32>,
      %parallel_loop3A_196 = arith.constant 10000 : i32
      %parallel_loop3A_197 = vector.broadcast %parallel_loop3A_196 : i32 to vector<16xi32>
      %parallel_loop3A_198 = arith.addi %parallel_loop3A_163, %parallel_loop3A_197 : vector<16xi32>
      %parallel_loop3A_199 = tpu.vector_load_idx %arg5[%parallel_loop3A_198] : memref<20000xi32, #tpu.memory_space<vmem>>[vector<16xi32>], vector<16xi32>,
      %parallel_loop3A_200 = vector.bitcast %parallel_loop3A_199 : vector<16xi32> to vector<32xbf16>
      %parallel_loop3A_201 = tpu.unpack_subelements %parallel_loop3A_200, 0 {pack_format = #tpu.pack_format<interleaved>} : vector<32xbf16> -> vector<16xf32>
      %parallel_loop3A_202 = tpu.unpack_subelements %parallel_loop3A_200, 1 {pack_format = #tpu.pack_format<interleaved>} : vector<32xbf16> -> vector<16xf32>
      %parallel_loop3A_203 = arith.constant 20000 : i32
      %parallel_loop3A_204 = vector.broadcast %parallel_loop3A_203 : i32 to vector<16xi32>
      %parallel_loop3A_205 = arith.addi %parallel_loop3A_171, %parallel_loop3A_204 : vector<16xi32>
      %parallel_loop3A_206 = arith.mulf %parallel_loop3A_201, %parallel_loop3A_180 : vector<16xf32>
      tpu.vector_store_idx %arg6[%parallel_loop3A_205], %parallel_loop3A_206 {add = true} : memref<40000xf32, #tpu.memory_space<vmem>>[vector<16xi32>], vector<16xf32>,
      %parallel_loop3A_207 = arith.constant 30000 : i32
      %parallel_loop3A_208 = vector.broadcast %parallel_loop3A_207 : i32 to vector<16xi32>
      %parallel_loop3A_209 = arith.addi %parallel_loop3A_171, %parallel_loop3A_208 : vector<16xi32>
      %parallel_loop3A_210 = arith.mulf %parallel_loop3A_202, %parallel_loop3A_180 : vector<16xf32>
      tpu.vector_store_idx %arg6[%parallel_loop3A_209], %parallel_loop3A_210 {add = true} : memref<40000xf32, #tpu.memory_space<vmem>>[vector<16xi32>], vector<16xf32>,
    } {sc.loop_unroll_factor = 16 : i64, sc.parallel_access}
    "tpu.region"() ({
      %run_scoped3A = tpu.sem_alloc : memref<!tpu.dma_semaphore, #tpu.memory_space<semaphore_mem>>
      %dma_start3A_157 = arith.constant 0 : i32
      %dma_start3A_158 = tpu.memref_slice %arg4[%add3A, %dma_start3A_157] : memref<32x40000xf32, #tpu.memory_space<hbm>> -> memref<1x40000xf32, #tpu.memory_space<hbm>>
      %dma_start3A_159 = tpu.memref_squeeze %dma_start3A_158 : memref<1x40000xf32, #tpu.memory_space<hbm>> -> memref<40000xf32, #tpu.memory_space<hbm>>
      %dma_start3A_160 = arith.constant 0 : i32
      %dma_start3A_161 = tpu.memref_slice %arg4[%add3A, %dma_start3A_160] : memref<32x40000xf32, #tpu.memory_space<hbm>> -> memref<1x40000xf32, #tpu.memory_space<hbm>>
      %dma_start3A_162 = tpu.memref_squeeze %dma_start3A_161 : memref<1x40000xf32, #tpu.memory_space<hbm>> -> memref<40000xf32, #tpu.memory_space<hbm>>
      tpu.enqueue_dma source(%arg6 : memref<40000xf32, #tpu.memory_space<vmem>>) target(%dma_start3A_162 : memref<40000xf32, #tpu.memory_space<hbm>>) target_semaphore(%run_scoped3A : memref<!tpu.dma_semaphore, #tpu.memory_space<semaphore_mem>>)
      %dma_wait3A_163 = arith.constant 0 : i32
      %dma_wait3A_164 = tpu.memref_slice %arg4[%add3A, %dma_wait3A_163] : memref<32x40000xf32, #tpu.memory_space<hbm>> -> memref<1x40000xf32, #tpu.memory_space<hbm>>
      %dma_wait3A_165 = tpu.memref_squeeze %dma_wait3A_164 : memref<1x40000xf32, #tpu.memory_space<hbm>> -> memref<40000xf32, #tpu.memory_space<hbm>>
      %dma_wait3A_166 = arith.constant 0 : i32
      %dma_wait3A_167 = tpu.memref_slice %arg4[%add3A, %dma_wait3A_166] : memref<32x40000xf32, #tpu.memory_space<hbm>> -> memref<1x40000xf32, #tpu.memory_space<hbm>>
      %dma_wait3A_168 = tpu.memref_squeeze %dma_wait3A_167 : memref<1x40000xf32, #tpu.memory_space<hbm>> -> memref<40000xf32, #tpu.memory_space<hbm>>
      tpu.wait_dma2 semaphore(%run_scoped3A : memref<!tpu.dma_semaphore, #tpu.memory_space<semaphore_mem>>) src(%arg6 : memref<40000xf32, #tpu.memory_space<vmem>>) dst(%dma_wait3A_168 : memref<40000xf32, #tpu.memory_space<hbm>>)
      tpu.yield
    }) : () -> ()
    return
  }
}

</mosaic_0001>

<sc_bundles>
// kernel: kernel.3.cloned.1.call-start
scs
__scs_entry_jumppad:
0x0: {  	(pc) =	sbr.rel $0x88, $3  }
0x1: {  	(tag) =	ssettag $0x0;
	lr =	simm.s32 $0x1  }
0x2: {  	[smem:$0x3F9E] =	sst lr;
	_ =	strace $0xD0000000  }
0x3: {  	_ = 	snop  }
0x4: {  	_ = 	snop  }
0x5: {  	_ = 	snop  }
0x6: {  	_ = 	snop  }
0x7: {  	_ = 	snop  }
__scs_overlays_trampoline_lowered:
0x8: {  	[smem:$0x3FAD] =	sst s0  }
0x9: {  	[smem:$0x3FAE] =	sst s1  }
0xa: {  	[smem:$0x3FAF] =	sst s2  }
0xb: {  	[smem:$0x3FB0] =	sst s3  }
0xc: {  	[smem:$0x3FB1] =	sst s4  }
0xd: {  	[smem:$0x3FB2] =	sst s5  }
0xe: {  	[smem:$0x3FB3] =	sst s6  }
0xf: {  	[smem:$0x3FB4] =	sst s7  }
0x10: {  	[smem:$0x3FB5] =	sst s8  }
0x11: {  	[smem:$0x3FB6] =	sst s9;
	s0 =	simm.s32 @!p0 $0x0  }
0x12: {  	s1 =	sld [smem:$0x3F9C];
	s0 =	simm.s32 @p0 $0x1  }
0x13: {  	[smem:$0x3FB7] =	sst s0;
	s0 =	simm.s32 @!p1 $0x0  }
0x14: {  	s2 =	sld [smem:$0x3F9B];
	s0 =	simm.s32 @p1 $0x1  }
0x15: {  	[smem:$0x3FB8] =	sst s0;
	s0 =	simm.s32 @!p2 $0x0  }
0x16: {  	s3 =	sld [smem:$0x3FDB];
	s0 =	simm.s32 @p2 $0x1  }
0x17: {  	s4 =	simm.s32 $0x1BF5;
	[smem:$0x3FBA] =	sst s0  }
0x18: {  	s0 =	sld [smem:$0x3F9D];
	_ =	swait.ge [sflag:s4], $0x0  }
0x19: {  	s7 =	sld [smem:$0x3F9E]  }
0x1a: {  	s8 =	sadd.s32 $0xFFFFE003, lr  }
0x1b: {  	s9 =	sadd.s32 $0xFFFFFEF7, lr;
	s5 =	simm.s32 $0xFFFFFFFF;
	p2 =	slt.u32 s8, $0xFFFFF086  }
0x1c: {  	p1 =	slt.u32 s9, $0xF7A;
	s5 =	simm.s32 @!p2 $0x0  }
0x1d: {  	s5 =	simm.s32 @p1 $0x1;
	p0 =	seq.s32 s7, s2  }
0x1e: {  	s7 =	smul.u32 @!p0 $0xF7A, s2;
	p2 =	seq.s32 @!p0 s5, $0x0  }
0x1f: {  	s9 =	smul.u32 $0xF7A, s1;
	s8 =	simm.s32 @!p0 $0x1BF5;
	p2 =	por !p2, p0  }
0x20: {  	[sflag:s8] =	ssyncset.s32 @!p0 $0xFFFFF086;
	s6 =	sadd.s32 @!p0 s3, s7;
	s7 =	simm.s32 @!p0 $0x108  }
0x21: {  	s3 =	sadd.s32 s3, s9;
	s6 =	sadd.s32 @!p0 $0x88, s6;
	s7 =	simm.s32 @p2 $0x1082  }
0x22: {  	[simem:s7], [sflag:s8] =	dma.local @!p0 [hbm:s6], $0xF7A  }
0x23: {  	s9 =	sor.u32 $0xD0000000, s2;
	s6 =	simm.s32 $0x108;
	_ =	swait.ge @!p0 [sflag:s8], $0x0  }
0x24: {  	s3 =	sadd.s32 $0x88, s3;
	s6 =	simm.s32 @!p1 $0x1082;
	[sflag:s4] =	ssyncset.s32 $0xFFFFF086  }
0x25: {  	[simem:s6], [sflag:s4] =	dma.local [hbm:s3], $0xF7A  }
0x26: {  	[smem:$0x3F9E] =	sst s1;
	(tag) =	ssettag s2;
	_ =	strace s9  }
0x27: {  	s1 =	sld [smem:$0x3FAE]  }
0x28: {  	s2 =	sld [smem:$0x3FAF]  }
0x29: {  	s4 =	sld [smem:$0x3FB1]  }
0x2a: {  	p0 =	seq.s32 s5, $0x0;
	s5 =	sld [smem:$0x3FB2]  }
0x2b: {  	s6 =	sld [smem:$0x3FB3]  }
0x2c: {  	s7 =	sld [smem:$0x3FB4]  }
0x2d: {  	s3 =	simm.s32 $0x108;
	s8 =	sld [smem:$0x3FB5]  }
0x2e: {  	s3 =	simm.s32 @!p0 $0x1082;
	s9 =	sld [smem:$0x3FB6]  }
0x2f: {  	lr =	sadd.s32 s0, s3;
	s0 =	sld [smem:$0x3FAD]  }
0x30: {  	s3 =	sld [smem:$0x3FB0]  }
0x31: {  	[smem:$0x3FB9] =	sst s10  }
0x32: {  	s10 =	sld [smem:$0x3FB7];
	_ =	sdelay $0x3  }
0x33: {  	p0 =	seq.s32 s10, $0x1;
	s10 =	sld [smem:$0x3FB9];
	_ =	sdelay $0x3  }
0x34: {  	[smem:$0x3FB9] =	sst s10  }
0x35: {  	s10 =	sld [smem:$0x3FB8];
	_ =	sdelay $0x3  }
0x36: {  	p1 =	seq.s32 s10, $0x1;
	s10 =	sld [smem:$0x3FB9];
	_ =	sdelay $0x3  }
0x37: {  	[smem:$0x3FB9] =	sst s10  }
0x38: {  	s10 =	sld [smem:$0x3FBA]  }
0x39: {  	_ = 	snop;
	(pc) =	sbr.ind lr, $3  }
0x3a: {  	_ = 	snop  }
0x3b: {  	_ = 	snop  }
0x3c: {  	p2 =	seq.s32 s10, $0x1;
	s10 =	sld [smem:$0x3FB9]  }
0x3d: {  	_ =	shalt  }
0x3e: {  	_ =	shalt  }
0x3f: {  	_ =	shalt  }
0x40: {  	_ =	shalt  }
0x41: {  	_ =	shalt  }
0x42: {  	_ =	shalt  }
0x43: {  	_ =	shalt  }
0x44: {  	_ =	shalt  }
0x45: {  	_ =	shalt  }
0x46: {  	_ =	shalt  }
0x47: {  	_ =	shalt  }
0x48: {  	_ =	shalt  }
0x49: {  	_ =	shalt  }
0x4a: {  	_ =	shalt  }
0x4b: {  	_ =	shalt  }
0x4c: {  	_ =	shalt  }
0x4d: {  	_ =	shalt  }
0x4e: {  	_ =	shalt  }
0x4f: {  	_ =	shalt  }
0x50: {  	_ =	shalt  }
0x51: {  	_ =	shalt  }
0x52: {  	_ =	shalt  }
0x53: {  	_ =	shalt  }
0x54: {  	_ =	shalt  }
0x55: {  	_ =	shalt  }
0x56: {  	_ =	shalt  }
0x57: {  	_ =	shalt  }
0x58: {  	_ =	shalt  }
0x59: {  	_ =	shalt  }
0x5a: {  	_ =	shalt  }
0x5b: {  	_ =	shalt  }
0x5c: {  	_ =	shalt  }
0x5d: {  	_ =	shalt  }
0x5e: {  	_ =	shalt  }
0x5f: {  	_ =	shalt  }
0x60: {  	_ =	shalt  }
0x61: {  	_ =	shalt  }
0x62: {  	_ =	shalt  }
0x63: {  	_ =	shalt  }
0x64: {  	_ =	shalt  }
0x65: {  	_ =	shalt  }
0x66: {  	_ =	shalt  }
0x67: {  	_ =	shalt  }
0x68: {  	_ =	shalt  }
0x69: {  	_ =	shalt  }
0x6a: {  	_ =	shalt  }
0x6b: {  	_ =	shalt  }
0x6c: {  	_ =	shalt  }
0x6d: {  	_ =	shalt  }
0x6e: {  	_ =	shalt  }
0x6f: {  	_ =	shalt  }
0x70: {  	_ =	shalt  }
0x71: {  	_ =	shalt  }
0x72: {  	_ =	shalt  }
0x73: {  	_ =	shalt  }
0x74: {  	_ =	shalt  }
0x75: {  	_ =	shalt  }
0x76: {  	_ =	shalt  }
0x77: {  	_ =	shalt  }
0x78: {  	_ =	shalt  }
0x79: {  	_ =	shalt  }
0x7a: {  	_ =	shalt  }
0x7b: {  	_ =	shalt  }
0x7c: {  	_ =	shalt  }
0x7d: {  	_ =	shalt  }
0x7e: {  	_ =	shalt  }
0x7f: {  	_ =	shalt  }
0x80: {  	_ =	shalt  }
0x81: {  	_ =	shalt  }
0x82: {  	_ =	shalt  }
0x83: {  	_ =	shalt  }
0x84: {  	_ =	shalt  }
0x85: {  	_ =	shalt  }
0x86: {  	_ =	shalt  }
0x87: {  	_ =	shalt  }
.Lfunc_end0:
.L_simem_size_0:
called_computation_lowered:
.L_overlay_start_0:
0x88: {  	s2 =	sld [smem:$0x3FD9]  }
0x89: {  	s3 =	sld [smem:$0x3FFE];
	_ =	sdelay $0x1  }
0x8a: {  	s1 =	srdreg.scid  }
0x8b: {  	s0 =	sand.u32 $0x1, s1  }
0x8c: {  	s17 =	sshll.u32 s0, $0xA;
	s2 =	sadd.s32 s3, s2  }
0x8d: {  	s2 =	sadd.s32 s2, s17  }
0x8e: {  	[smem:$0x3FC5] =	sst s2  }
0x8f: {  	_ = 	snop  }
0x90: {  	s2 =	sld [smem:$0x3FD0];
	(tm) =	ssettm $0x1  }
0x91: {  	s18 =	sld [smem:$0x3FFB];
	_ =	sdelay $0x3  }
0x92: {  	_ =	strace s18  }
0x93: {  	s3 =	sld [smem:$0x3FFC];
	_ =	sdelay $0x3  }
0x94: {  	_ =	strace s3  }
0x95: {  	s3 =	sld [smem:$0x3FFD];
	_ =	sdelay $0x3  }
0x96: {  	_ =	strace s3  }
0x97: {  	_ =	strace $0x8FFFFFFF  }
0x98: {  	s19 =	sld [smem:$0x3FDB];
	_ =	sdelay $0x1  }
0x99: {  	s4 =	simm.s32 $_scs_section_size  }
0x9a: {  	s5 =	simm.s32 $_size__tile_overlayer_lowered;
	s6 =	simm.s32 $_tile_overlayer_lowered  }
0x9b: {  	s22 =	simm.s32 $0x1BFF;
	s21 =	sshll.u32 s6, $0x1;
	s3 =	sadd.s32 s4, s19  }
0x9c: {  	s7 =	simm.s32 $0x0;
	s20 =	sshll.u32 s5, $0x1;
	s5 =	sadd.s32 s21, s3  }
0x9d: {  	[timem:s7], [sflag:s22] =	dma.local [hbm:s5], s20  }
0x9e: {  	_ =	swait.ge [sflag:s22], s20  }
0x9f: {  	s4 =	ssub.s32 $0x0, s20;
	[sflag:s22] =	ssyncset.done $0x0  }
0xa0: {  	[sflag:s22] =	ssyncadd.s32 s4;
	_ =	sdelay $0x1  }
0xa1: {  	s23 =	simm.s32 $0x1B8B  }
0xa2: {  	_ =	swait.ge [sflag:s23], $0x1  }
0xa3: {  	[sflag:s23] =	ssyncset.done $0x0  }
0xa4: {  	s25 =	simm.s32 $0x1B8E;
	s24 =	sld [smem:$0x3FFE];
	[sflag:s23] =	ssyncadd.s32 $0xFFFFFFFF  }
0xa5: {  	s26 =	simm.s32 $execute0_lowered;
	[smem:$0x3FD2] =	sst s25  }
0xa6: {  	s5 =	sshll.u32 s26, $0x1;
	_ =	strace $0x80000046;
	[dreg:$0x1] =	wrdreg $0xFFFFFFFF  }
0xa7: {  	s28 =	simm.s32 $_size_execute0_lowered;
	s3 =	sadd.s32 s3, s5;
	[dreg:$0x0] =	wrdreg $0x0  }
0xa8: {  	s5 =	sshll.u32 s28, $0x1;
	[dreg:$0x2] =	wrdreg s3  }
0xa9: {  	[dreg:$0x3] =	wrdreg s5  }
0xaa: {  	[dreg:$0x4] =	wrdreg $0xC0  }
0xab: {  	_ =	task [dreg:s7], $0x5FFFF  }
0xac: {  	[dreg:$0x1] =	wrdreg $0xFFFFFFFF  }
0xad: {  	[dreg:$0x0] =	wrdreg $0x60  }
0xae: {  	[dreg:$0x2] =	wrdreg s24  }
0xaf: {  	[dreg:$0x3] =	wrdreg s2  }
0xb0: {  	[dreg:$0x4] =	wrdreg $0x9  }
0xb1: {  	_ =	task.clear_ibuf [dreg:s7], $0x5FFFF;
	_ =	strace $0x90000046  }
0xb2: {  	s29 =	simm.s32 $0x9;
	_ =	strace $0x80000048  }
0xb3: {  	_ =	swait.ge [sflag:s29], $0x1  }
0xb4: {  	[sflag:s29] =	ssyncadd.s32 $0xFFFFFFFF  }
0xb5: {  	_ =	strace $0x90000048  }
0xb6: {  	_ =	sfence  }
0xb7: {  	s30 =	sld [smem:$0x0];
	_ =	sdelay $0x2  }
0xb8: {  	s31 =	sshll.u32 s1, $0xD;
	s1 =	sshrl.u32 s1, $0x2  }
0xb9: {  	s3 =	sand.u32 $0x4000, s31;
	s1 =	sadd.s32 s1, s30  }
0xba: {  	s0 =	sor.u32 s3, s0;
	s1 =	sshll.u32 s1, $0x11  }
0xbb: {  	s0 =	sor.u32 s1, s0  }
0xbc: {  	s0 =	sadd.s32 $0x8F2B, s0  }
0xbd: {  	[sflag:s0] =	ssyncadd.remote.s32 $0x1  }
0xbe: {  	_ =	sfence.sel $0xFFFF  }
0xbf: {  	[dreg:$0x0] =	wrdreg $0xFFFFFFFF;
	(pc) =	sbr.abs _section_cstart, $3  }
0xc0: {  	[dreg:$0x1] =	wrdreg $0xFFFFFFFF  }
0xc1: {  	_ =	task.clear_ibuf [dreg:s7], $0x2FFFF;
	_ =	strace $0x9FFFFFFF  }
0xc2: {  	(tm) =	ssettm $0x7FFFFFFF  }
0xc3: {  	_ =	shalt  }
tec
execute0_lowered:
.L_overlay_start_1:
0x0: {  	(tag) =	ssettag $0x1  }
0x1: {  	s4 =	rddreg [dreg:$0x0]  }
0x2: {  	s2 =	rddreg [dreg:$0x1]  }
0x3: {  	s0 =	rddreg [dreg:$0x2]  }
0x4: {  	s3 =	simm.s32 $0x0;
	s5 =	srdreg.scid;
	s1 =	stileid.u32  }
0x5: {  	s10 =	simm.s32 $0x80;
	s11 =	simm.s32 $0x400;
	s12 =	simm.s32 $0x1  }
0x6: {  	s13 =	simm.s32 $0xEB00;
	s14 =	simm.s32 $0x2;
	s15 =	simm.s32 $0x3  }
0x7: {  	s16 =	simm.s32 $0x4E80;
	s17 =	simm.s32 $0x4;
	s18 =	simm.s32 $0x0  }
0x8: {  	s5 =	sand.u32 $0x1, s5;
	s6 =	sshrl.u32 s1, $0x2;
	s7 =	sshll.u32 s1, $0x8  }
0x9: {  	[smem:$0x7FF] =	sst s3;
	s8 =	sshll.u32 s5, $0x7;
	s9 =	smul.u32 $0x4E400, s6  }
0xa: {  	s7 =	sand.u32 $0x300, s7;
	s6 =	smul.u32 $0x27400, s6;
	s5 =	ssub.s32 $0x2, s5  }
0xb: {  	_ =	strace $0x80000047;
	s7 =	sor.u32 s8, s7;
	s30 =	sshrl.u32 s5, $0x1  }
0xc: {  	s8 =	sor.u32 s9, s7;
	s6 =	sor.u32 s6, s7;
	s9 =	ssub.s32 s5, s30  }
0xd: {  	s5 =	sadd.s32 $0x1900, s2;
	s7 =	sadd.s32 $0x10, s2;
	s8 =	sshrl.u32 s8, $0x3  }
0xe: {  	s31 =	sshrl.u32 s6, $0x3;
	s6 =	sadd.s32 $0x1910, s2;
	s8 =	sadd.s32 s8, s4  }
0xf: {  	v0 =	vimm.f32 $0.0e+00;
	v1 =	vimm.f32 $1.000000000e+00;
	s9 =	smax.u32 s9, $0x1;
	s4 =	sadd.s32 s4, s31;
	s8 =	sadd.s32 $0x13A00, s8  }
.LBB2_1:
0x10: {  	[tilespmem:s3], [sflag:$0x3] =	stream.strided.gather [hbm4b:s4+s10], $0x4E80, s11, s10, $0x38;
	[tilespmem:$0x1D280] =	vst v63  }
0x11: {  	s19 =	simm.s32 $0x4F00  }
0x12: {  	[tilespmem:s19+$0xFFFFFF80] =	vst v0  }
0x13: {  	[tilespmem:s19+$0x70] =	vst v0  }
0x14: {  	[tilespmem:s19+$0x60] =	vst v0  }
0x15: {  	[tilespmem:s19+$0x50] =	vst v0  }
0x16: {  	[tilespmem:s19+$0x40] =	vst v0  }
0x17: {  	[tilespmem:s19+$0x30] =	vst v0  }
0x18: {  	[tilespmem:s19+$0x20] =	vst v0  }
0x19: {  	[tilespmem:s19+$0x10] =	vst v0  }
0x1a: {  	[tilespmem:s19+$0x0] =	vst v0  }
0x1b: {  	[tilespmem:s19+$0xFFFFFFF0] =	vst v0  }
0x1c: {  	[tilespmem:s19+$0xFFFFFFE0] =	vst v0  }
0x1d: {  	[tilespmem:s19+$0xFFFFFFD0] =	vst v0  }
0x1e: {  	[tilespmem:s19+$0xFFFFFFC0] =	vst v0  }
0x1f: {  	[tilespmem:s19+$0xFFFFFFB0] =	vst v0  }
0x20: {  	s20 =	simm.s32 $0x0;
	[tilespmem:s19+$0xFFFFFFA0] =	vst v0  }
.LBB2_2:
0x21: {  	s20 =	sadd.s32 $0x10, s20;
	[tilespmem:s19+$0xFFFFFF90] =	vst v0;
	s19 =	sadd.s32 $0x100, s19  }
0x22: {  	[tilespmem:s19+$0xFFFFFF80] =	vst v0;
	p0 =	slt.u32 s20, $0x9B0  }
0x23: {  	[tilespmem:s19+$0x70] =	vst v0  }
0x24: {  	[tilespmem:s19+$0x60] =	vst v0  }
0x25: {  	[tilespmem:s19+$0x50] =	vst v0  }
0x26: {  	[tilespmem:s19+$0x40] =	vst v0  }
0x27: {  	[tilespmem:s19+$0x30] =	vst v0  }
0x28: {  	[tilespmem:s19+$0x20] =	vst v0  }
0x29: {  	[tilespmem:s19+$0x10] =	vst v0  }
0x2a: {  	[tilespmem:s19+$0x0] =	vst v0  }
0x2b: {  	[tilespmem:s19+$0xFFFFFFF0] =	vst v0  }
.Ltmp0:
0x2c: {  	[tilespmem:s19+$0xFFFFFFE0] =	vst v0;
	(pc) =	sbr.rel @p0 .LBB2_2-.Ltmp0, $4  }
0x2d: {  	[tilespmem:s19+$0xFFFFFFD0] =	vst v0  }
0x2e: {  	[tilespmem:s19+$0xFFFFFFC0] =	vst v0  }
0x2f: {  	[tilespmem:s19+$0xFFFFFFB0] =	vst v0  }
0x30: {  	[tilespmem:s19+$0xFFFFFFA0] =	vst v0  }
0x31: {  	[tilespmem:s19+$0xFFFFFF90] =	vst v0;
	s19 =	simm.s32 $0x0  }
.LBB2_4:
0x32: {  	p0 =	sne.s32 s19, $0xC0  }
.Ltmp1:
0x33: {  	_ = 	snop;
	(pc) =	sbr.rel @p0 .LBB2_4-.Ltmp1, $3  }
0x34: {  	_ =	sdelay $0x1  }
0x35: {  	s20 =	sshra.s32 s19, $0x2  }
0x36: {  	s19 =	sadd.s32 $0x40, s19;
	[tilespmem:s20+$0xEA80] =	vst v0  }
0x37: {  	s19 =	simm.s32 $0xEB80  }
0x38: {  	[tilespmem:s19+$0xFFFFFF80] =	vst v0  }
0x39: {  	[tilespmem:s19+$0x70] =	vst v0  }
0x3a: {  	[tilespmem:s19+$0x60] =	vst v0  }
0x3b: {  	[tilespmem:s19+$0x50] =	vst v0  }
0x3c: {  	[tilespmem:s19+$0x40] =	vst v0  }
0x3d: {  	[tilespmem:s19+$0x30] =	vst v0  }
0x3e: {  	[tilespmem:s19+$0x20] =	vst v0  }
0x3f: {  	[tilespmem:s19+$0x10] =	vst v0  }
0x40: {  	[tilespmem:s19+$0x0] =	vst v0  }
0x41: {  	[tilespmem:s19+$0xFFFFFFF0] =	vst v0  }
0x42: {  	[tilespmem:s19+$0xFFFFFFE0] =	vst v0  }
0x43: {  	[tilespmem:s19+$0xFFFFFFD0] =	vst v0  }
0x44: {  	[tilespmem:s19+$0xFFFFFFC0] =	vst v0  }
0x45: {  	[tilespmem:s19+$0xFFFFFFB0] =	vst v0  }
0x46: {  	s20 =	simm.s32 $0x0;
	[tilespmem:s19+$0xFFFFFFA0] =	vst v0  }
.LBB2_6:
0x47: {  	s20 =	sadd.s32 $0x10, s20;
	[tilespmem:s19+$0xFFFFFF90] =	vst v0;
	s19 =	sadd.s32 $0x100, s19  }
0x48: {  	[tilespmem:s19+$0xFFFFFF80] =	vst v0;
	p0 =	slt.u32 s20, $0x9B0  }
0x49: {  	[tilespmem:s19+$0x70] =	vst v0  }
0x4a: {  	[tilespmem:s19+$0x60] =	vst v0  }
0x4b: {  	[tilespmem:s19+$0x50] =	vst v0  }
0x4c: {  	[tilespmem:s19+$0x40] =	vst v0  }
0x4d: {  	[tilespmem:s19+$0x30] =	vst v0  }
0x4e: {  	[tilespmem:s19+$0x20] =	vst v0  }
0x4f: {  	[tilespmem:s19+$0x10] =	vst v0  }
0x50: {  	[tilespmem:s19+$0x0] =	vst v0  }
0x51: {  	[tilespmem:s19+$0xFFFFFFF0] =	vst v0  }
.Ltmp2:
0x52: {  	[tilespmem:s19+$0xFFFFFFE0] =	vst v0;
	(pc) =	sbr.rel @p0 .LBB2_6-.Ltmp2, $4  }
0x53: {  	[tilespmem:s19+$0xFFFFFFD0] =	vst v0  }
0x54: {  	[tilespmem:s19+$0xFFFFFFC0] =	vst v0  }
0x55: {  	[tilespmem:s19+$0xFFFFFFB0] =	vst v0  }
0x56: {  	[tilespmem:s19+$0xFFFFFFA0] =	vst v0  }
0x57: {  	[tilespmem:s19+$0xFFFFFF90] =	vst v0;
	s19 =	simm.s32 $0x0  }
.LBB2_8:
0x58: {  	p0 =	sne.s32 s19, $0xC0  }
.Ltmp3:
0x59: {  	_ = 	snop;
	(pc) =	sbr.rel @p0 .LBB2_8-.Ltmp3, $3  }
0x5a: {  	_ =	sdelay $0x1  }
0x5b: {  	s20 =	sshra.s32 s19, $0x2  }
0x5c: {  	s19 =	sadd.s32 $0x40, s19;
	[tilespmem:s20+$0x18700] =	vst v0  }
0x5d: {  	s19 =	simm.s32 $0x1B980  }
0x5e: {  	s20 =	simm.s32 $0x80;
	s22 =	sadd.s32 $0x0, s5;
	s21 =	simm.s32 $0x1BA80  }
.LBB2_10:
0x5f: {  	[tilespmem:s19], [sflag:$0x1] =	stream.linear.gather [hbm4b:s22+s3], $0x80, $0x38;
	[tilespmem:$0x1D280] =	vst v63  }
0x60: {  	s22 =	smov.u32 s20;
	s19 =	smov.u32 s21;
	p0 =	sne.s32 s20, $0xC00  }
.Ltmp4:
0x61: {  	s20 =	sadd.s32 $0x80, s20;
	(pc) =	sbr.rel @p0 .LBB2_10-.Ltmp4, $2  }
0x62: {  	_ =	sdelay $0x2  }
0x63: {  	s21 =	sadd.s32 $0x100, s21;
	s22 =	sadd.s32 s22, s5  }
0x64: {  	[tilespmem:s19], [sflag:$0x1] =	stream.linear.gather [hbm4b:s22+s3], $0x80, $0x38;
	[tilespmem:$0x1D280] =	vst v63  }
0x65: {  	s19 =	simm.s32 $0x0;
	s20 =	simm.s32 $0x1BA00  }
0x66: {  	s21 =	simm.s32 $0x80;
	s23 =	sadd.s32 $0x0, s6;
	s22 =	simm.s32 $0x1BB00  }
.LBB2_12:
0x67: {  	[tilespmem:s20], [sflag:$0x2] =	stream.linear.gather [hbm4b:s23+s19], $0x80, $0x38;
	[tilespmem:$0x1D280] =	vst v63  }
0x68: {  	s23 =	smov.u32 s21;
	s20 =	smov.u32 s22;
	p0 =	sne.s32 s21, $0xC00  }
.Ltmp5:
0x69: {  	s21 =	sadd.s32 $0x80, s21;
	(pc) =	sbr.rel @p0 .LBB2_12-.Ltmp5, $2  }
0x6a: {  	_ =	sdelay $0x2  }
0x6b: {  	s22 =	sadd.s32 $0x100, s22;
	s23 =	sadd.s32 s23, s6  }
0x6c: {  	[tilespmem:s20], [sflag:$0x2] =	stream.linear.gather [hbm4b:s23+s19], $0x80, $0x38;
	[tilespmem:$0x1D280] =	vst v63  }
.LBB2_14:
0x6d: {  	_ =	swait.ge [sflag:s12], $0xC80  }
0x6e: {  	[sflag:s12] =	ssyncset.done $0x0  }
0x6f: {  	s20 =	simm.s32 $0x1BAF0;
	[sflag:s12] =	ssyncadd.s32 $0xFFFFF380  }
0x70: {  	v3 =	vld [tilespmem:s20+$0xFFFFFEB0]  }
0x71: {  	v4 =	vld [tilespmem:s20+$0xFFFFFE90]  }
0x72: {  	v5 =	vld [tilespmem:s20+$0xFFFFFFC0]  }
0x73: {  	v6 =	vld [tilespmem:s20+$0xFFFFFFA0]  }
0x74: {  	v7 =	vld [tilespmem:s20+$0xFFFFFFB0]  }
0x75: {  	v8 =	vld [tilespmem:s20+$0x0]  }
0x76: {  	v9 =	vld [tilespmem:s20+$0xFFFFFFF0]  }
0x77: {  	v10 =	vld [tilespmem:s20+$0xFFFFFFE0]  }
0x78: {  	v2 =	vld [tilespmem:s20+$0xFFFFFEA0]  }
0x79: {  	v60 =	vld [tilespmem:s20+$0xFFFFFEC0]  }
0x7a: {  	v11 =	vld [tilespmem:s20+$0xFFFFFED0]  }
0x7b: {  	v12 =	vld [tilespmem:s20+$0xFFFFFFD0]  }
0x7c: {  	v61 =	vld [tilespmem:s20+$0xFFFFFF90]  }
0x7d: {  	v62 =	vld [tilespmem:s20+$0xFFFFFF00]  }
0x7e: {  	v63 =	vld [tilespmem:s20+$0xFFFFFEF0]  }
0x7f: {  	v13 =	vld [tilespmem:s20+$0xFFFFFEE0]  }
0x80: {  	[tilespmem:v4+s13+$0x0] =	vst.idx.add.f32.msk $0xffff, v1  }
0x81: {  	[tilespmem:v8+s13+$0x0] =	vst.idx.add.f32.msk $0xffff, v1  }
0x82: {  	[tilespmem:v9+s13+$0x0] =	vst.idx.add.f32.msk $0xffff, v1  }
0x83: {  	[tilespmem:v10+s13+$0x0] =	vst.idx.add.f32.msk $0xffff, v1  }
0x84: {  	[tilespmem:v12+s13+$0x0] =	vst.idx.add.f32.msk $0xffff, v1  }
0x85: {  	[tilespmem:v5+s13+$0x0] =	vst.idx.add.f32.msk $0xffff, v1  }
0x86: {  	[tilespmem:v7+s13+$0x0] =	vst.idx.add.f32.msk $0xffff, v1  }
0x87: {  	[tilespmem:v6+s13+$0x0] =	vst.idx.add.f32.msk $0xffff, v1  }
0x88: {  	[tilespmem:v61+s13+$0x0] =	vst.idx.add.f32.msk $0xffff, v1  }
0x89: {  	[tilespmem:v62+s13+$0x0] =	vst.idx.add.f32.msk $0xffff, v1  }
0x8a: {  	[tilespmem:v63+s13+$0x0] =	vst.idx.add.f32.msk $0xffff, v1  }
0x8b: {  	[tilespmem:v13+s13+$0x0] =	vst.idx.add.f32.msk $0xffff, v1  }
0x8c: {  	[tilespmem:v11+s13+$0x0] =	vst.idx.add.f32.msk $0xffff, v1  }
0x8d: {  	[tilespmem:v60+s13+$0x0] =	vst.idx.add.f32.msk $0xffff, v1  }
0x8e: {  	s22 =	simm.s32 $0x0;
	[tilespmem:v3+s13+$0x0] =	vst.idx.add.f32.msk $0xffff, v1  }
.LBB2_15:
0x8f: {  	s22 =	sadd.s32 $0x10, s22;
	[tilespmem:v2+s13+$0x0] =	vst.idx.add.f32.msk $0xffff, v1;
	s20 =	sadd.s32 $0x200, s20;
	s21 =	simm.s32 $0x1800  }
0x90: {  	v3 =	vld [tilespmem:s20+$0xFFFFFEB0];
	p0 =	slt.u32 s22, $0xB0  }
0x91: {  	v4 =	vld [tilespmem:s20+$0xFFFFFE90]  }
0x92: {  	v5 =	vld [tilespmem:s20+$0xFFFFFFC0]  }
0x93: {  	v6 =	vld [tilespmem:s20+$0xFFFFFFA0]  }
0x94: {  	v7 =	vld [tilespmem:s20+$0xFFFFFFB0]  }
0x95: {  	v8 =	vld [tilespmem:s20+$0x0]  }
0x96: {  	v9 =	vld [tilespmem:s20+$0xFFFFFFF0]  }
0x97: {  	v10 =	vld [tilespmem:s20+$0xFFFFFFE0]  }
0x98: {  	v2 =	vld [tilespmem:s20+$0xFFFFFEA0]  }
0x99: {  	[tilespmem:v4+s13+$0x0] =	vst.idx.add.f32.msk $0xffff, v1  }
0x9a: {  	v4 =	vld [tilespmem:s20+$0xFFFFFEC0]  }
0x9b: {  	v11 =	vld [tilespmem:s20+$0xFFFFFED0]  }
0x9c: {  	v12 =	vld [tilespmem:s20+$0xFFFFFFD0]  }
0x9d: {  	[tilespmem:v8+s13+$0x0] =	vst.idx.add.f32.msk $0xffff, v1  }
0x9e: {  	[tilespmem:v9+s13+$0x0] =	vst.idx.add.f32.msk $0xffff, v1  }
0x9f: {  	[tilespmem:v10+s13+$0x0] =	vst.idx.add.f32.msk $0xffff, v1  }
0xa0: {  	v8 =	vld [tilespmem:s20+$0xFFFFFF90]  }
0xa1: {  	v9 =	vld [tilespmem:s20+$0xFFFFFF00]  }
0xa2: {  	v10 =	vld [tilespmem:s20+$0xFFFFFEF0]  }
0xa3: {  	v13 =	vld [tilespmem:s20+$0xFFFFFEE0]  }
0xa4: {  	[tilespmem:v12+s13+$0x0] =	vst.idx.add.f32.msk $0xffff, v1  }
0xa5: {  	[tilespmem:v5+s13+$0x0] =	vst.idx.add.f32.msk $0xffff, v1  }
0xa6: {  	[tilespmem:v7+s13+$0x0] =	vst.idx.add.f32.msk $0xffff, v1  }
0xa7: {  	[tilespmem:v6+s13+$0x0] =	vst.idx.add.f32.msk $0xffff, v1  }
0xa8: {  	[tilespmem:v8+s13+$0x0] =	vst.idx.add.f32.msk $0xffff, v1  }
0xa9: {  	[tilespmem:v9+s13+$0x0] =	vst.idx.add.f32.msk $0xffff, v1  }
.Ltmp6:
0xaa: {  	[tilespmem:v10+s13+$0x0] =	vst.idx.add.f32.msk $0xffff, v1;
	(pc) =	sbr.rel @p0 .LBB2_15-.Ltmp6, $4  }
0xab: {  	[tilespmem:v13+s13+$0x0] =	vst.idx.add.f32.msk $0xffff, v1  }
0xac: {  	[tilespmem:v11+s13+$0x0] =	vst.idx.add.f32.msk $0xffff, v1  }
0xad: {  	[tilespmem:v4+s13+$0x0] =	vst.idx.add.f32.msk $0xffff, v1  }
0xae: {  	s23 =	simm.s32 $0x1B980;
	[tilespmem:v3+s13+$0x0] =	vst.idx.add.f32.msk $0xffff, v1  }
0xaf: {  	_ =	sdelay $0x3  }
0xb0: {  	[tilespmem:v2+s13+$0x0] =	vst.idx.add.f32.msk $0xffff, v1  }
.LBB2_17:
0xb1: {  	s20 =	sand.u32 $0x3FFFFF00, s21  }
0xb2: {  	s20 =	sadd.s32 s20, s23  }
0xb3: {  	v2 =	vld [tilespmem:s20+$0x0];
	_ =	sdelay $0x2  }
0xb4: {  	p0 =	sne.s32 s21, $0x18E0  }
.Ltmp7:
0xb5: {  	_ = 	snop;
	(pc) =	sbr.rel @p0 .LBB2_17-.Ltmp7, $2  }
0xb6: {  	_ =	sdelay $0x2  }
0xb7: {  	s21 =	sadd.s32 $0x20, s21;
	s23 =	sadd.s32 $0x10, s23;
	[tilespmem:v2+s13+$0x0] =	vst.idx.add.f32.msk $0xffff, v1  }
0xb8: {  	s20 =	sshll.u32 s19, $0x1  }
0xb9: {  	s21 =	sadd.s32 $0x2, s20  }
0xba: {  	s22 =	sshrl.u32 s21, $0x3  }
0xbb: {  	s21 =	sshll.u32 s21, $0x7;
	s22 =	smul.u32 $0x12C00, s22  }
0xbc: {  	s21 =	sand.u32 $0x300, s21  }
0xbd: {  	s21 =	sor.u32 s21, s22  }
0xbe: {  	s21 =	sadd.s32 $0xC800, s21  }
0xbf: {  	s21 =	sshrl.u32 s21, $0x3  }
0xc0: {  	s23 =	simm.s32 $0x80;
	s21 =	sadd.s32 s2, s21  }
0xc1: {  	s24 =	simm.s32 $0x1BA80;
	s22 =	simm.s32 $0x1B980;
	s25 =	sadd.s32 $0x0, s21  }
.LBB2_19:
0xc2: {  	[tilespmem:s22], [sflag:$0x1] =	stream.linear.gather [hbm4b:s25+s3], $0x80, $0x38;
	[tilespmem:$0x1D280] =	vst v63  }
0xc3: {  	s25 =	smov.u32 s23;
	s22 =	smov.u32 s24;
	p0 =	sne.s32 s23, $0xC00  }
.Ltmp8:
0xc4: {  	s23 =	sadd.s32 $0x80, s23;
	(pc) =	sbr.rel @p0 .LBB2_19-.Ltmp8, $2  }
0xc5: {  	_ =	sdelay $0x2  }
0xc6: {  	s24 =	sadd.s32 $0x100, s24;
	s25 =	sadd.s32 s25, s21  }
0xc7: {  	[tilespmem:s22], [sflag:$0x1] =	stream.linear.gather [hbm4b:s25+s3], $0x80, $0x38;
	[tilespmem:$0x1D280] =	vst v63  }
0xc8: {  	_ =	swait.ge [sflag:s14], $0xC80  }
0xc9: {  	[sflag:s14] =	ssyncset.done $0x0  }
0xca: {  	s21 =	simm.s32 $0x1BB70;
	[sflag:s14] =	ssyncadd.s32 $0xFFFFF380  }
0xcb: {  	v3 =	vld [tilespmem:s21+$0xFFFFFEB0]  }
0xcc: {  	v4 =	vld [tilespmem:s21+$0xFFFFFE90]  }
0xcd: {  	v5 =	vld [tilespmem:s21+$0xFFFFFFC0]  }
0xce: {  	v6 =	vld [tilespmem:s21+$0xFFFFFFA0]  }
0xcf: {  	v7 =	vld [tilespmem:s21+$0xFFFFFFB0]  }
0xd0: {  	v8 =	vld [tilespmem:s21+$0x0]  }
0xd1: {  	v9 =	vld [tilespmem:s21+$0xFFFFFFF0]  }
0xd2: {  	v10 =	vld [tilespmem:s21+$0xFFFFFFE0]  }
0xd3: {  	v2 =	vld [tilespmem:s21+$0xFFFFFEA0]  }
0xd4: {  	v60 =	vld [tilespmem:s21+$0xFFFFFEC0]  }
0xd5: {  	v11 =	vld [tilespmem:s21+$0xFFFFFED0]  }
0xd6: {  	v12 =	vld [tilespmem:s21+$0xFFFFFFD0]  }
0xd7: {  	v61 =	vld [tilespmem:s21+$0xFFFFFF90]  }
0xd8: {  	v62 =	vld [tilespmem:s21+$0xFFFFFF00]  }
0xd9: {  	v63 =	vld [tilespmem:s21+$0xFFFFFEF0]  }
0xda: {  	v13 =	vld [tilespmem:s21+$0xFFFFFEE0]  }
0xdb: {  	[tilespmem:v4+s13+$0x0] =	vst.idx.add.f32.msk $0xffff, v1  }
0xdc: {  	[tilespmem:v8+s13+$0x0] =	vst.idx.add.f32.msk $0xffff, v1  }
0xdd: {  	[tilespmem:v9+s13+$0x0] =	vst.idx.add.f32.msk $0xffff, v1  }
0xde: {  	[tilespmem:v10+s13+$0x0] =	vst.idx.add.f32.msk $0xffff, v1  }
0xdf: {  	[tilespmem:v12+s13+$0x0] =	vst.idx.add.f32.msk $0xffff, v1  }
0xe0: {  	[tilespmem:v5+s13+$0x0] =	vst.idx.add.f32.msk $0xffff, v1  }
0xe1: {  	[tilespmem:v7+s13+$0x0] =	vst.idx.add.f32.msk $0xffff, v1  }
0xe2: {  	[tilespmem:v6+s13+$0x0] =	vst.idx.add.f32.msk $0xffff, v1  }
0xe3: {  	[tilespmem:v61+s13+$0x0] =	vst.idx.add.f32.msk $0xffff, v1  }
0xe4: {  	[tilespmem:v62+s13+$0x0] =	vst.idx.add.f32.msk $0xffff, v1  }
0xe5: {  	[tilespmem:v63+s13+$0x0] =	vst.idx.add.f32.msk $0xffff, v1  }
0xe6: {  	[tilespmem:v13+s13+$0x0] =	vst.idx.add.f32.msk $0xffff, v1  }
0xe7: {  	[tilespmem:v11+s13+$0x0] =	vst.idx.add.f32.msk $0xffff, v1  }
0xe8: {  	[tilespmem:v60+s13+$0x0] =	vst.idx.add.f32.msk $0xffff, v1  }
0xe9: {  	s22 =	simm.s32 $0x0;
	[tilespmem:v3+s13+$0x0] =	vst.idx.add.f32.msk $0xffff, v1  }
.LBB2_21:
0xea: {  	s22 =	sadd.s32 $0x10, s22;
	[tilespmem:v2+s13+$0x0] =	vst.idx.add.f32.msk $0xffff, v1;
	s21 =	sadd.s32 $0x200, s21  }
0xeb: {  	v3 =	vld [tilespmem:s21+$0xFFFFFEB0];
	p0 =	slt.u32 s22, $0xB0  }
0xec: {  	v4 =	vld [tilespmem:s21+$0xFFFFFE90]  }
0xed: {  	v5 =	vld [tilespmem:s21+$0xFFFFFFC0]  }
0xee: {  	v6 =	vld [tilespmem:s21+$0xFFFFFFA0]  }
0xef: {  	v7 =	vld [tilespmem:s21+$0xFFFFFFB0]  }
0xf0: {  	v8 =	vld [tilespmem:s21+$0x0]  }
0xf1: {  	v9 =	vld [tilespmem:s21+$0xFFFFFFF0]  }
0xf2: {  	v10 =	vld [tilespmem:s21+$0xFFFFFFE0]  }
0xf3: {  	v2 =	vld [tilespmem:s21+$0xFFFFFEA0]  }
0xf4: {  	[tilespmem:v4+s13+$0x0] =	vst.idx.add.f32.msk $0xffff, v1  }
0xf5: {  	v4 =	vld [tilespmem:s21+$0xFFFFFEC0]  }
0xf6: {  	v11 =	vld [tilespmem:s21+$0xFFFFFED0]  }
0xf7: {  	v12 =	vld [tilespmem:s21+$0xFFFFFFD0]  }
0xf8: {  	[tilespmem:v8+s13+$0x0] =	vst.idx.add.f32.msk $0xffff, v1  }
0xf9: {  	[tilespmem:v9+s13+$0x0] =	vst.idx.add.f32.msk $0xffff, v1  }
0xfa: {  	[tilespmem:v10+s13+$0x0] =	vst.idx.add.f32.msk $0xffff, v1  }
0xfb: {  	v8 =	vld [tilespmem:s21+$0xFFFFFF90]  }
0xfc: {  	v9 =	vld [tilespmem:s21+$0xFFFFFF00]  }
0xfd: {  	v10 =	vld [tilespmem:s21+$0xFFFFFEF0]  }
0xfe: {  	v13 =	vld [tilespmem:s21+$0xFFFFFEE0]  }
0xff: {  	[tilespmem:v12+s13+$0x0] =	vst.idx.add.f32.msk $0xffff, v1  }
0x100: {  	[tilespmem:v5+s13+$0x0] =	vst.idx.add.f32.msk $0xffff, v1  }
0x101: {  	[tilespmem:v7+s13+$0x0] =	vst.idx.add.f32.msk $0xffff, v1  }
0x102: {  	[tilespmem:v6+s13+$0x0] =	vst.idx.add.f32.msk $0xffff, v1  }
0x103: {  	[tilespmem:v8+s13+$0x0] =	vst.idx.add.f32.msk $0xffff, v1  }
0x104: {  	[tilespmem:v9+s13+$0x0] =	vst.idx.add.f32.msk $0xffff, v1  }
.Ltmp9:
0x105: {  	[tilespmem:v10+s13+$0x0] =	vst.idx.add.f32.msk $0xffff, v1;
	(pc) =	sbr.rel @p0 .LBB2_21-.Ltmp9, $4  }
0x106: {  	[tilespmem:v13+s13+$0x0] =	vst.idx.add.f32.msk $0xffff, v1  }
0x107: {  	[tilespmem:v11+s13+$0x0] =	vst.idx.add.f32.msk $0xffff, v1  }
0x108: {  	[tilespmem:v4+s13+$0x0] =	vst.idx.add.f32.msk $0xffff, v1  }
0x109: {  	s23 =	simm.s32 $0x1BA00;
	[tilespmem:v3+s13+$0x0] =	vst.idx.add.f32.msk $0xffff, v1  }
0x10a: {  	_ =	sdelay $0x3  }
0x10b: {  	[tilespmem:v2+s13+$0x0] =	vst.idx.add.f32.msk $0xffff, v1;
	s21 =	simm.s32 $0x1800  }
.LBB2_23:
0x10c: {  	s22 =	sand.u32 $0x3FFFFF00, s21  }
0x10d: {  	s22 =	sadd.s32 s22, s23  }
0x10e: {  	v2 =	vld [tilespmem:s22+$0x0];
	_ =	sdelay $0x2  }
0x10f: {  	p0 =	sne.s32 s21, $0x18E0  }
.Ltmp10:
0x110: {  	_ = 	snop;
	(pc) =	sbr.rel @p0 .LBB2_23-.Ltmp10, $2  }
0x111: {  	_ =	sdelay $0x2  }
0x112: {  	s21 =	sadd.s32 $0x20, s21;
	s23 =	sadd.s32 $0x10, s23;
	[tilespmem:v2+s13+$0x0] =	vst.idx.add.f32.msk $0xffff, v1  }
0x113: {  	s20 =	sadd.s32 $0x3, s20  }
0x114: {  	s21 =	sshrl.u32 s20, $0x3  }
0x115: {  	s20 =	sshll.u32 s20, $0x7;
	s21 =	smul.u32 $0x12C00, s21  }
0x116: {  	s20 =	sand.u32 $0x380, s20  }
0x117: {  	s20 =	sor.u32 s20, s21  }
0x118: {  	s20 =	sadd.s32 $0xC800, s20  }
0x119: {  	s20 =	sshrl.u32 s20, $0x3  }
0x11a: {  	s22 =	simm.s32 $0x80;
	s20 =	sadd.s32 s2, s20  }
0x11b: {  	s23 =	simm.s32 $0x1BB00;
	s21 =	simm.s32 $0x1BA00;
	s24 =	sadd.s32 $0x0, s20  }
.LBB2_25:
0x11c: {  	[tilespmem:s21], [sflag:$0x2] =	stream.linear.gather [hbm4b:s24+s3], $0x80, $0x38;
	[tilespmem:$0x1D280] =	vst v63  }
0x11d: {  	s24 =	smov.u32 s22;
	s21 =	smov.u32 s23;
	p0 =	sne.s32 s22, $0xC00  }
.Ltmp11:
0x11e: {  	s22 =	sadd.s32 $0x80, s22;
	(pc) =	sbr.rel @p0 .LBB2_25-.Ltmp11, $2  }
0x11f: {  	_ =	sdelay $0x2  }
0x120: {  	s23 =	sadd.s32 $0x100, s23;
	s24 =	sadd.s32 s24, s20  }
0x121: {  	s19 =	sadd.s32 $0x1, s19  }
0x122: {  	p0 =	sne.s32 s19, $0x31  }
.Ltmp12:
0x123: {  	_ = 	snop;
	(pc) =	sbr.rel @p0 .LBB2_14-.Ltmp12, $2  }
0x124: {  	_ =	sdelay $0x2  }
0x125: {  	[tilespmem:s21], [sflag:$0x2] =	stream.linear.gather [hbm4b:s24+s3], $0x80, $0x38;
	[tilespmem:$0x1D280] =	vst v63  }
0x126: {  	_ =	swait.ge [sflag:s12], $0xC80  }
0x127: {  	[sflag:s12] =	ssyncset.done $0x0  }
0x128: {  	s19 =	simm.s32 $0x1BAF0;
	[sflag:s12] =	ssyncadd.s32 $0xFFFFF380  }
0x129: {  	v3 =	vld [tilespmem:s19+$0xFFFFFEB0]  }
0x12a: {  	v4 =	vld [tilespmem:s19+$0xFFFFFE90]  }
0x12b: {  	v5 =	vld [tilespmem:s19+$0xFFFFFFC0]  }
0x12c: {  	v6 =	vld [tilespmem:s19+$0xFFFFFFA0]  }
0x12d: {  	v7 =	vld [tilespmem:s19+$0xFFFFFFB0]  }
0x12e: {  	v8 =	vld [tilespmem:s19+$0x0]  }
0x12f: {  	v9 =	vld [tilespmem:s19+$0xFFFFFFF0]  }
0x130: {  	v10 =	vld [tilespmem:s19+$0xFFFFFFE0]  }
0x131: {  	v2 =	vld [tilespmem:s19+$0xFFFFFEA0]  }
0x132: {  	v60 =	vld [tilespmem:s19+$0xFFFFFEC0]  }
0x133: {  	v11 =	vld [tilespmem:s19+$0xFFFFFED0]  }
0x134: {  	v12 =	vld [tilespmem:s19+$0xFFFFFFD0]  }
0x135: {  	v61 =	vld [tilespmem:s19+$0xFFFFFF90]  }
0x136: {  	v62 =	vld [tilespmem:s19+$0xFFFFFF00]  }
0x137: {  	v63 =	vld [tilespmem:s19+$0xFFFFFEF0]  }
0x138: {  	v13 =	vld [tilespmem:s19+$0xFFFFFEE0]  }
0x139: {  	[tilespmem:v4+s13+$0x0] =	vst.idx.add.f32.msk $0xffff, v1  }
0x13a: {  	[tilespmem:v8+s13+$0x0] =	vst.idx.add.f32.msk $0xffff, v1  }
0x13b: {  	[tilespmem:v9+s13+$0x0] =	vst.idx.add.f32.msk $0xffff, v1  }
0x13c: {  	[tilespmem:v10+s13+$0x0] =	vst.idx.add.f32.msk $0xffff, v1  }
0x13d: {  	[tilespmem:v12+s13+$0x0] =	vst.idx.add.f32.msk $0xffff, v1  }
0x13e: {  	[tilespmem:v5+s13+$0x0] =	vst.idx.add.f32.msk $0xffff, v1  }
0x13f: {  	[tilespmem:v7+s13+$0x0] =	vst.idx.add.f32.msk $0xffff, v1  }
0x140: {  	[tilespmem:v6+s13+$0x0] =	vst.idx.add.f32.msk $0xffff, v1  }
0x141: {  	[tilespmem:v61+s13+$0x0] =	vst.idx.add.f32.msk $0xffff, v1  }
0x142: {  	[tilespmem:v62+s13+$0x0] =	vst.idx.add.f32.msk $0xffff, v1  }
0x143: {  	[tilespmem:v63+s13+$0x0] =	vst.idx.add.f32.msk $0xffff, v1  }
0x144: {  	[tilespmem:v13+s13+$0x0] =	vst.idx.add.f32.msk $0xffff, v1  }
0x145: {  	[tilespmem:v11+s13+$0x0] =	vst.idx.add.f32.msk $0xffff, v1  }
0x146: {  	[tilespmem:v60+s13+$0x0] =	vst.idx.add.f32.msk $0xffff, v1  }
0x147: {  	s20 =	simm.s32 $0x0;
	[tilespmem:v3+s13+$0x0] =	vst.idx.add.f32.msk $0xffff, v1  }
.LBB2_28:
0x148: {  	s20 =	sadd.s32 $0x10, s20;
	[tilespmem:v2+s13+$0x0] =	vst.idx.add.f32.msk $0xffff, v1;
	s19 =	sadd.s32 $0x200, s19  }
0x149: {  	v3 =	vld [tilespmem:s19+$0xFFFFFEB0];
	p0 =	slt.u32 s20, $0xB0  }
0x14a: {  	v4 =	vld [tilespmem:s19+$0xFFFFFE90]  }
0x14b: {  	v5 =	vld [tilespmem:s19+$0xFFFFFFC0]  }
0x14c: {  	v6 =	vld [tilespmem:s19+$0xFFFFFFA0]  }
0x14d: {  	v7 =	vld [tilespmem:s19+$0xFFFFFFB0]  }
0x14e: {  	v8 =	vld [tilespmem:s19+$0x0]  }
0x14f: {  	v9 =	vld [tilespmem:s19+$0xFFFFFFF0]  }
0x150: {  	v10 =	vld [tilespmem:s19+$0xFFFFFFE0]  }
0x151: {  	v2 =	vld [tilespmem:s19+$0xFFFFFEA0]  }
0x152: {  	[tilespmem:v4+s13+$0x0] =	vst.idx.add.f32.msk $0xffff, v1  }
0x153: {  	v4 =	vld [tilespmem:s19+$0xFFFFFEC0]  }
0x154: {  	v11 =	vld [tilespmem:s19+$0xFFFFFED0]  }
0x155: {  	v12 =	vld [tilespmem:s19+$0xFFFFFFD0]  }
0x156: {  	[tilespmem:v8+s13+$0x0] =	vst.idx.add.f32.msk $0xffff, v1  }
0x157: {  	[tilespmem:v9+s13+$0x0] =	vst.idx.add.f32.msk $0xffff, v1  }
0x158: {  	[tilespmem:v10+s13+$0x0] =	vst.idx.add.f32.msk $0xffff, v1  }
0x159: {  	v8 =	vld [tilespmem:s19+$0xFFFFFF90]  }
0x15a: {  	v9 =	vld [tilespmem:s19+$0xFFFFFF00]  }
0x15b: {  	v10 =	vld [tilespmem:s19+$0xFFFFFEF0]  }
0x15c: {  	v13 =	vld [tilespmem:s19+$0xFFFFFEE0]  }
0x15d: {  	[tilespmem:v12+s13+$0x0] =	vst.idx.add.f32.msk $0xffff, v1  }
0x15e: {  	[tilespmem:v5+s13+$0x0] =	vst.idx.add.f32.msk $0xffff, v1  }
0x15f: {  	[tilespmem:v7+s13+$0x0] =	vst.idx.add.f32.msk $0xffff, v1  }
0x160: {  	[tilespmem:v6+s13+$0x0] =	vst.idx.add.f32.msk $0xffff, v1  }
0x161: {  	[tilespmem:v8+s13+$0x0] =	vst.idx.add.f32.msk $0xffff, v1  }
0x162: {  	[tilespmem:v9+s13+$0x0] =	vst.idx.add.f32.msk $0xffff, v1  }
.Ltmp13:
0x163: {  	[tilespmem:v10+s13+$0x0] =	vst.idx.add.f32.msk $0xffff, v1;
	(pc) =	sbr.rel @p0 .LBB2_28-.Ltmp13, $4  }
0x164: {  	[tilespmem:v13+s13+$0x0] =	vst.idx.add.f32.msk $0xffff, v1  }
0x165: {  	[tilespmem:v11+s13+$0x0] =	vst.idx.add.f32.msk $0xffff, v1  }
0x166: {  	[tilespmem:v4+s13+$0x0] =	vst.idx.add.f32.msk $0xffff, v1  }
0x167: {  	s21 =	simm.s32 $0x1B980;
	[tilespmem:v3+s13+$0x0] =	vst.idx.add.f32.msk $0xffff, v1  }
0x168: {  	_ =	sdelay $0x3  }
0x169: {  	[tilespmem:v2+s13+$0x0] =	vst.idx.add.f32.msk $0xffff, v1;
	s19 =	simm.s32 $0x1800  }
.LBB2_30:
0x16a: {  	s20 =	sand.u32 $0x3FFFFF00, s19  }
0x16b: {  	s20 =	sadd.s32 s20, s21  }
0x16c: {  	v2 =	vld [tilespmem:s20+$0x0];
	_ =	sdelay $0x2  }
0x16d: {  	p0 =	sne.s32 s19, $0x18E0  }
.Ltmp14:
0x16e: {  	_ = 	snop;
	(pc) =	sbr.rel @p0 .LBB2_30-.Ltmp14, $2  }
0x16f: {  	_ =	sdelay $0x2  }
0x170: {  	s19 =	sadd.s32 $0x20, s19;
	s21 =	sadd.s32 $0x10, s21;
	[tilespmem:v2+s13+$0x0] =	vst.idx.add.f32.msk $0xffff, v1  }
0x171: {  	_ =	swait.ge [sflag:s14], $0xC80  }
0x172: {  	[sflag:s14] =	ssyncset.done $0x0  }
0x173: {  	s19 =	simm.s32 $0x1BB70;
	[sflag:s14] =	ssyncadd.s32 $0xFFFFF380  }
0x174: {  	v3 =	vld [tilespmem:s19+$0xFFFFFEB0]  }
0x175: {  	v4 =	vld [tilespmem:s19+$0xFFFFFE90]  }
0x176: {  	v5 =	vld [tilespmem:s19+$0xFFFFFFC0]  }
0x177: {  	v6 =	vld [tilespmem:s19+$0xFFFFFFA0]  }
0x178: {  	v7 =	vld [tilespmem:s19+$0xFFFFFFB0]  }
0x179: {  	v8 =	vld [tilespmem:s19+$0x0]  }
0x17a: {  	v9 =	vld [tilespmem:s19+$0xFFFFFFF0]  }
0x17b: {  	v10 =	vld [tilespmem:s19+$0xFFFFFFE0]  }
0x17c: {  	v2 =	vld [tilespmem:s19+$0xFFFFFEA0]  }
0x17d: {  	v60 =	vld [tilespmem:s19+$0xFFFFFEC0]  }
0x17e: {  	v11 =	vld [tilespmem:s19+$0xFFFFFED0]  }
0x17f: {  	v12 =	vld [tilespmem:s19+$0xFFFFFFD0]  }
0x180: {  	v61 =	vld [tilespmem:s19+$0xFFFFFF90]  }
0x181: {  	v62 =	vld [tilespmem:s19+$0xFFFFFF00]  }
0x182: {  	v63 =	vld [tilespmem:s19+$0xFFFFFEF0]  }
0x183: {  	v13 =	vld [tilespmem:s19+$0xFFFFFEE0]  }
0x184: {  	[tilespmem:v4+s13+$0x0] =	vst.idx.add.f32.msk $0xffff, v1  }
0x185: {  	[tilespmem:v8+s13+$0x0] =	vst.idx.add.f32.msk $0xffff, v1  }
0x186: {  	[tilespmem:v9+s13+$0x0] =	vst.idx.add.f32.msk $0xffff, v1  }
0x187: {  	[tilespmem:v10+s13+$0x0] =	vst.idx.add.f32.msk $0xffff, v1  }
0x188: {  	[tilespmem:v12+s13+$0x0] =	vst.idx.add.f32.msk $0xffff, v1  }
0x189: {  	[tilespmem:v5+s13+$0x0] =	vst.idx.add.f32.msk $0xffff, v1  }
0x18a: {  	[tilespmem:v7+s13+$0x0] =	vst.idx.add.f32.msk $0xffff, v1  }
0x18b: {  	[tilespmem:v6+s13+$0x0] =	vst.idx.add.f32.msk $0xffff, v1  }
0x18c: {  	[tilespmem:v61+s13+$0x0] =	vst.idx.add.f32.msk $0xffff, v1  }
0x18d: {  	[tilespmem:v62+s13+$0x0] =	vst.idx.add.f32.msk $0xffff, v1  }
0x18e: {  	[tilespmem:v63+s13+$0x0] =	vst.idx.add.f32.msk $0xffff, v1  }
0x18f: {  	[tilespmem:v13+s13+$0x0] =	vst.idx.add.f32.msk $0xffff, v1  }
0x190: {  	[tilespmem:v11+s13+$0x0] =	vst.idx.add.f32.msk $0xffff, v1  }
0x191: {  	[tilespmem:v60+s13+$0x0] =	vst.idx.add.f32.msk $0xffff, v1  }
0x192: {  	s20 =	simm.s32 $0x0;
	[tilespmem:v3+s13+$0x0] =	vst.idx.add.f32.msk $0xffff, v1  }
.LBB2_32:
0x193: {  	s20 =	sadd.s32 $0x10, s20;
	[tilespmem:v2+s13+$0x0] =	vst.idx.add.f32.msk $0xffff, v1;
	s19 =	sadd.s32 $0x200, s19  }
0x194: {  	v3 =	vld [tilespmem:s19+$0xFFFFFEB0];
	p0 =	slt.u32 s20, $0xB0  }
0x195: {  	v4 =	vld [tilespmem:s19+$0xFFFFFE90]  }
0x196: {  	v5 =	vld [tilespmem:s19+$0xFFFFFFC0]  }
0x197: {  	v6 =	vld [tilespmem:s19+$0xFFFFFFA0]  }
0x198: {  	v7 =	vld [tilespmem:s19+$0xFFFFFFB0]  }
0x199: {  	v8 =	vld [tilespmem:s19+$0x0]  }
0x19a: {  	v9 =	vld [tilespmem:s19+$0xFFFFFFF0]  }
0x19b: {  	v10 =	vld [tilespmem:s19+$0xFFFFFFE0]  }
0x19c: {  	v2 =	vld [tilespmem:s19+$0xFFFFFEA0]  }
0x19d: {  	[tilespmem:v4+s13+$0x0] =	vst.idx.add.f32.msk $0xffff, v1  }
0x19e: {  	v4 =	vld [tilespmem:s19+$0xFFFFFEC0]  }
0x19f: {  	v11 =	vld [tilespmem:s19+$0xFFFFFED0]  }
0x1a0: {  	v12 =	vld [tilespmem:s19+$0xFFFFFFD0]  }
0x1a1: {  	[tilespmem:v8+s13+$0x0] =	vst.idx.add.f32.msk $0xffff, v1  }
0x1a2: {  	[tilespmem:v9+s13+$0x0] =	vst.idx.add.f32.msk $0xffff, v1  }
0x1a3: {  	[tilespmem:v10+s13+$0x0] =	vst.idx.add.f32.msk $0xffff, v1  }
0x1a4: {  	v8 =	vld [tilespmem:s19+$0xFFFFFF90]  }
0x1a5: {  	v9 =	vld [tilespmem:s19+$0xFFFFFF00]  }
0x1a6: {  	v10 =	vld [tilespmem:s19+$0xFFFFFEF0]  }
0x1a7: {  	v13 =	vld [tilespmem:s19+$0xFFFFFEE0]  }
0x1a8: {  	[tilespmem:v12+s13+$0x0] =	vst.idx.add.f32.msk $0xffff, v1  }
0x1a9: {  	[tilespmem:v5+s13+$0x0] =	vst.idx.add.f32.msk $0xffff, v1  }
0x1aa: {  	[tilespmem:v7+s13+$0x0] =	vst.idx.add.f32.msk $0xffff, v1  }
0x1ab: {  	[tilespmem:v6+s13+$0x0] =	vst.idx.add.f32.msk $0xffff, v1  }
0x1ac: {  	[tilespmem:v8+s13+$0x0] =	vst.idx.add.f32.msk $0xffff, v1  }
0x1ad: {  	[tilespmem:v9+s13+$0x0] =	vst.idx.add.f32.msk $0xffff, v1  }
.Ltmp15:
0x1ae: {  	[tilespmem:v10+s13+$0x0] =	vst.idx.add.f32.msk $0xffff, v1;
	(pc) =	sbr.rel @p0 .LBB2_32-.Ltmp15, $4  }
0x1af: {  	[tilespmem:v13+s13+$0x0] =	vst.idx.add.f32.msk $0xffff, v1  }
0x1b0: {  	[tilespmem:v11+s13+$0x0] =	vst.idx.add.f32.msk $0xffff, v1  }
0x1b1: {  	[tilespmem:v4+s13+$0x0] =	vst.idx.add.f32.msk $0xffff, v1  }
0x1b2: {  	s21 =	simm.s32 $0x1BA00;
	[tilespmem:v3+s13+$0x0] =	vst.idx.add.f32.msk $0xffff, v1  }
0x1b3: {  	_ =	sdelay $0x3  }
0x1b4: {  	[tilespmem:v2+s13+$0x0] =	vst.idx.add.f32.msk $0xffff, v1;
	s19 =	simm.s32 $0x1800  }
.LBB2_34:
0x1b5: {  	s20 =	sand.u32 $0x3FFFFF00, s19  }
0x1b6: {  	s20 =	sadd.s32 s20, s21  }
0x1b7: {  	v2 =	vld [tilespmem:s20+$0x0];
	_ =	sdelay $0x2  }
0x1b8: {  	p0 =	sne.s32 s19, $0x18E0  }
.Ltmp16:
0x1b9: {  	_ = 	snop;
	(pc) =	sbr.rel @p0 .LBB2_34-.Ltmp16, $2  }
0x1ba: {  	_ =	sdelay $0x2  }
0x1bb: {  	s19 =	sadd.s32 $0x20, s19;
	s21 =	sadd.s32 $0x10, s21;
	[tilespmem:v2+s13+$0x0] =	vst.idx.add.f32.msk $0xffff, v1  }
0x1bc: {  	s19 =	simm.s32 $0xEB80  }
0x1bd: {  	v2 =	vld [tilespmem:s19+$0x70]  }
0x1be: {  	v3 =	vld [tilespmem:s19+$0xFFFFFF90]  }
0x1bf: {  	v4 =	vld [tilespmem:s19+$0xFFFFFFA0]  }
0x1c0: {  	v5 =	vld [tilespmem:s19+$0xFFFFFFB0]  }
0x1c1: {  	v6 =	vld [tilespmem:s19+$0xFFFFFFC0]  }
0x1c2: {  	v7 =	vld [tilespmem:s19+$0xFFFFFFD0]  }
0x1c3: {  	v8 =	vld [tilespmem:s19+$0xFFFFFFE0];
	v2 =	vmax.f32 v2, $1.000000000e+00  }
0x1c4: {  	v9 =	vld [tilespmem:s19+$0x0];
	v3 =	vmax.f32 v3, $1.000000000e+00;
	(erf) = vrcp.f32 v2  }
0x1c5: {  	v2 =	vmax.f32 v4, $1.000000000e+00;
	v4 =	vld [tilespmem:s19+$0xFFFFFFF0];
	(erf) = vrcp.f32 v3  }
0x1c6: {  	v3 =	vmax.f32 v5, $1.000000000e+00;
	(erf) = vrcp.f32 v2  }
0x1c7: {  	v10 =	vld [tilespmem:s19+$0x10];
	v2 =	vmax.f32 v6, $1.000000000e+00;
	(erf) = vrcp.f32 v3  }
0x1c8: {  	v3 =	vmax.f32 v7, $1.000000000e+00;
	v7 =	vld [tilespmem:s19+$0x20];
	(erf) = vrcp.f32 v2  }
0x1c9: {  	v6 =	vld [tilespmem:s19+$0x30];
	v2 =	vmax.f32 v8, $1.000000000e+00;
	(erf) = vrcp.f32 v3  }
0x1ca: {  	v5 =	vld [tilespmem:s19+$0x40];
	v8 =	vmax.f32 v9, $1.000000000e+00;
	v3 =	vmax.f32 v4, $1.000000000e+00;
	(erf) = vrcp.f32 v2  }
0x1cb: {  	v4 =	vld [tilespmem:s19+$0x50];
	(erf) = vrcp.f32 v3  }
0x1cc: {  	v9 =	vmax.f32 v10, $1.000000000e+00;
	v2 =	vld [tilespmem:s19+$0x60];
	(erf) = vrcp.f32 v8  }
0x1cd: {  	s20 =	simm.s32 $0x0;
	s21 =	simm.s32 $0xEC80;
	v3 =	vld [tilespmem:s19+$0xFFFFFF80];
	v7 =	vmax.f32 v7, $1.000000000e+00;
	(erf) = vrcp.f32 v9;
	v8 =	vpop (erf)  }
.LBB2_36:
0x1ce: {  	v9 =	vld [tilespmem:s21+$0x70];
	s20 =	sadd.s32 $0x10, s20;
	v6 =	vmax.f32 v6, $1.000000000e+00;
	[tilespmem:s19+$0x70] =	vst v8;
	v8 =	vpop (erf);
	(erf) = vrcp.f32 v7  }
0x1cf: {  	v7 =	vld [tilespmem:s21+$0xFFFFFF90];
	p0 =	slt.u32 s20, $0x9B0;
	[tilespmem:s19+$0xFFFFFF90] =	vst v8;
	v5 =	vmax.f32 v5, $1.000000000e+00;
	v8 =	vpop (erf);
	(erf) = vrcp.f32 v6  }
0x1d0: {  	v6 =	vld [tilespmem:s21+$0xFFFFFFA0];
	[tilespmem:s19+$0xFFFFFFA0] =	vst v8;
	v4 =	vmax.f32 v4, $1.000000000e+00;
	v8 =	vpop (erf);
	(erf) = vrcp.f32 v5  }
0x1d1: {  	v5 =	vld [tilespmem:s21+$0xFFFFFFB0];
	[tilespmem:s19+$0xFFFFFFB0] =	vst v8;
	v2 =	vmax.f32 v2, $1.000000000e+00;
	v8 =	vpop (erf);
	(erf) = vrcp.f32 v4  }
0x1d2: {  	v4 =	vld [tilespmem:s21+$0xFFFFFFC0];
	v10 =	vmax.f32 v3, $1.000000000e+00;
	[tilespmem:s19+$0xFFFFFFC0] =	vst v8;
	v8 =	vpop (erf);
	(erf) = vrcp.f32 v2  }
0x1d3: {  	v2 =	vld [tilespmem:s21+$0xFFFFFFD0];
	v9 =	vmax.f32 v9, $1.000000000e+00;
	[tilespmem:s19+$0xFFFFFFD0] =	vst v8;
	(erf) = vrcp.f32 v10;
	v3 =	vpop (erf)  }
0x1d4: {  	v7 =	vmax.f32 v7, $1.000000000e+00;
	v8 =	vld [tilespmem:s21+$0xFFFFFFE0];
	(erf) = vrcp.f32 v9;
	[tilespmem:s19+$0xFFFFFFE0] =	vst v3;
	v3 =	vpop (erf)  }
0x1d5: {  	v6 =	vmax.f32 v6, $1.000000000e+00;
	v9 =	vld [tilespmem:s21+$0xFFFFFFF0];
	(erf) = vrcp.f32 v7;
	[tilespmem:s19+$0xFFFFFFF0] =	vst v3;
	v3 =	vpop (erf)  }
0x1d6: {  	v5 =	vmax.f32 v5, $1.000000000e+00;
	v7 =	vld [tilespmem:s21+$0x0];
	(erf) = vrcp.f32 v6;
	[tilespmem:s19+$0x0] =	vst v3;
	v3 =	vpop (erf)  }
0x1d7: {  	v4 =	vmax.f32 v4, $1.000000000e+00;
	v10 =	vld [tilespmem:s21+$0x10];
	(erf) = vrcp.f32 v5;
	[tilespmem:s19+$0x10] =	vst v3;
	v3 =	vpop (erf)  }
0x1d8: {  	v5 =	vmax.f32 v2, $1.000000000e+00;
	v11 =	vld [tilespmem:s21+$0x20];
	(erf) = vrcp.f32 v4;
	[tilespmem:s19+$0x20] =	vst v3;
	v3 =	vpop (erf)  }
.Ltmp17:
0x1d9: {  	v4 =	vmax.f32 v8, $1.000000000e+00;
	v6 =	vld [tilespmem:s21+$0x30];
	(erf) = vrcp.f32 v5;
	[tilespmem:s19+$0x30] =	vst v3;
	v2 =	vpop (erf);
	(pc) =	sbr.rel @p0 .LBB2_36-.Ltmp17, $4  }
0x1da: {  	v8 =	vmax.f32 v9, $1.000000000e+00;
	v5 =	vld [tilespmem:s21+$0x40];
	(erf) = vrcp.f32 v4;
	[tilespmem:s19+$0x40] =	vst v2;
	v2 =	vpop (erf)  }
0x1db: {  	v7 =	vmax.f32 v7, $1.000000000e+00;
	v4 =	vld [tilespmem:s21+$0x50];
	(erf) = vrcp.f32 v8;
	[tilespmem:s19+$0x50] =	vst v2;
	v3 =	vpop (erf)  }
0x1dc: {  	v10 =	vmax.f32 v10, $1.000000000e+00;
	v2 =	vld [tilespmem:s21+$0x60];
	(erf) = vrcp.f32 v7;
	[tilespmem:s19+$0x60] =	vst v3;
	v9 =	vpop (erf)  }
0x1dd: {  	v3 =	vld [tilespmem:s21+$0xFFFFFF80];
	v7 =	vmax.f32 v11, $1.000000000e+00;
	(erf) = vrcp.f32 v10;
	v8 =	vpop (erf);
	[tilespmem:s19+$0xFFFFFF80] =	vst v9;
	s19 =	smov.u32 s21;
	s21 =	sadd.s32 $0x100, s21  }
0x1de: {  	_ = 	snop  }
0x1df: {  	v6 =	vmax.f32 v6, $1.000000000e+00;
	[tilespmem:s19+$0x70] =	vst v8;
	v59 =	vpop (erf);
	(erf) = vrcp.f32 v7  }
0x1e0: {  	[tilespmem:s19+$0xFFFFFF90] =	vst v59;
	v5 =	vmax.f32 v5, $1.000000000e+00;
	v60 =	vpop (erf);
	(erf) = vrcp.f32 v6  }
0x1e1: {  	[tilespmem:s19+$0xFFFFFFA0] =	vst v60;
	v4 =	vmax.f32 v4, $1.000000000e+00;
	v61 =	vpop (erf);
	(erf) = vrcp.f32 v5;
	v2 =	vmax.f32 v2, $1.000000000e+00  }
0x1e2: {  	[tilespmem:s19+$0xFFFFFFB0] =	vst v61;
	v62 =	vpop (erf);
	(erf) = vrcp.f32 v4  }
0x1e3: {  	v3 =	vmax.f32 v3, $1.000000000e+00;
	[tilespmem:s19+$0xFFFFFFC0] =	vst v62;
	v63 =	vpop (erf);
	(erf) = vrcp.f32 v2  }
0x1e4: {  	[tilespmem:s19+$0xFFFFFFD0] =	vst v63;
	(erf) = vrcp.f32 v3;
	v2 =	vpop (erf)  }
0x1e5: {  	[tilespmem:s19+$0xFFFFFFE0] =	vst v2;
	v2 =	vpop (erf)  }
0x1e6: {  	[tilespmem:s19+$0xFFFFFFF0] =	vst v2;
	v2 =	vpop (erf)  }
0x1e7: {  	[tilespmem:s19+$0x0] =	vst v2;
	v2 =	vpop (erf)  }
0x1e8: {  	[tilespmem:s19+$0x10] =	vst v2;
	v2 =	vpop (erf)  }
0x1e9: {  	[tilespmem:s19+$0x20] =	vst v2;
	v2 =	vpop (erf)  }
0x1ea: {  	[tilespmem:s19+$0x30] =	vst v2;
	v2 =	vpop (erf)  }
0x1eb: {  	[tilespmem:s19+$0x40] =	vst v2;
	v2 =	vpop (erf)  }
0x1ec: {  	[tilespmem:s19+$0x50] =	vst v2;
	v2 =	vpop (erf)  }
0x1ed: {  	[tilespmem:s19+$0x60] =	vst v2;
	v2 =	vpop (erf)  }
0x1ee: {  	s20 =	simm.s32 $0x0;
	[tilespmem:s19+$0xFFFFFF80] =	vst v2  }
.LBB2_38:
0x1ef: {  	s19 =	sshra.s32 s20, $0x2  }
0x1f0: {  	v2 =	vld [tilespmem:s19+$0x18700];
	_ =	sdelay $0x4  }
0x1f1: {  	v2 =	vmax.f32 v2, $1.000000000e+00  }
0x1f2: {  	(erf) = vrcp.f32 v2;
	_ =	sdelay $0x4  }
0x1f3: {  	p0 =	sne.s32 s20, $0xC0  }
.Ltmp18:
0x1f4: {  	_ = 	snop;
	(pc) =	sbr.rel @p0 .LBB2_38-.Ltmp18, $3  }
0x1f5: {  	_ =	sdelay $0x1  }
0x1f6: {  	v2 =	vpop (erf)  }
0x1f7: {  	s20 =	sadd.s32 $0x40, s20;
	[tilespmem:s19+$0x18700] =	vst v2  }
0x1f8: {  	_ =	swait.ge [sflag:s15], $0x4E80  }
0x1f9: {  	s19 =	simm.s32 $0x18780;
	s20 =	simm.s32 $0x80;
	[sflag:s15] =	ssyncset.done $0x0  }
0x1fa: {  	s22 =	sadd.s32 $0x0, s2;
	s21 =	simm.s32 $0x18880;
	[sflag:s15] =	ssyncadd.s32 $0xFFFFB180  }
.LBB2_40:
0x1fb: {  	[tilespmem:s19], [sflag:$0x1] =	stream.linear.gather [hbm4b:s22+s3], $0x80, $0x38;
	[tilespmem:$0x1D280] =	vst v63  }
0x1fc: {  	s22 =	smov.u32 s20;
	s19 =	smov.u32 s21;
	p0 =	sne.s32 s20, $0x2500  }
.Ltmp19:
0x1fd: {  	s20 =	sadd.s32 $0x80, s20;
	(pc) =	sbr.rel @p0 .LBB2_40-.Ltmp19, $2  }
0x1fe: {  	_ =	sdelay $0x2  }
0x1ff: {  	s21 =	sadd.s32 $0x100, s21;
	s22 =	sadd.s32 s22, s2  }
0x200: {  	[tilespmem:s19], [sflag:$0x1] =	stream.linear.gather [hbm4b:s22+s3], $0x80, $0x38;
	[tilespmem:$0x1D280] =	vst v63  }
0x201: {  	s19 =	simm.s32 $0x0;
	s20 =	simm.s32 $0x18800  }
0x202: {  	s21 =	simm.s32 $0x80;
	s23 =	sadd.s32 $0x0, s7;
	s22 =	simm.s32 $0x18900  }
.LBB2_42:
0x203: {  	[tilespmem:s20], [sflag:$0x2] =	stream.linear.gather [hbm4b:s23+s19], $0x80, $0x38;
	[tilespmem:$0x1D280] =	vst v63  }
0x204: {  	s23 =	smov.u32 s21;
	s20 =	smov.u32 s22;
	p0 =	sne.s32 s21, $0x2500  }
.Ltmp20:
0x205: {  	s21 =	sadd.s32 $0x80, s21;
	(pc) =	sbr.rel @p0 .LBB2_42-.Ltmp20, $2  }
0x206: {  	_ =	sdelay $0x2  }
0x207: {  	s22 =	sadd.s32 $0x100, s22;
	s23 =	sadd.s32 s23, s7  }
0x208: {  	[tilespmem:s20], [sflag:$0x2] =	stream.linear.gather [hbm4b:s23+s19], $0x80, $0x38;
	[tilespmem:$0x1D280] =	vst v63  }
.LBB2_44:
0x209: {  	_ =	swait.ge [sflag:s12], $0x2580  }
0x20a: {  	[sflag:s12] =	ssyncset.done $0x0  }
0x20b: {  	s21 =	simm.s32 $0xFFFFFFF0;
	s22 =	simm.s32 $0x1A180;
	[sflag:s12] =	ssyncadd.s32 $0xFFFFDA80  }
.LBB2_45:
0x20c: {  	v2 =	vld [tilespmem:s22+$0xFFFFE600]  }
0x20d: {  	v3 =	vld [tilespmem:s22+$0x1800]  }
0x20e: {  	v4 =	vld [tilespmem:s22+$0xFFFFE610]  }
0x20f: {  	v5 =	vld [tilespmem:s22+$0x1810]  }
0x210: {  	v6 =	vld [tilespmem:s22+$0xFFFFFF00]  }
0x211: {  	v9 =	vld [tilespmem:s22+$0xFFFFFF10]  }
0x212: {  	v27 =	vld [tilespmem:s22+$0xFFFFE620]  }
0x213: {  	v13 =	vld [tilespmem:s22+$0x1820]  }
0x214: {  	v28 =	vld [tilespmem:s22+$0xFFFFE630]  }
0x215: {  	v30 =	vld [tilespmem:s22+$0x1830]  }
0x216: {  	v31 =	vld [tilespmem:s22+$0xFFFFFF20]  }
0x217: {  	v33 =	vld [tilespmem:s22+$0xFFFFFF30]  }
0x218: {  	v41 =	vld [tilespmem:s22+$0xFFFFE640]  }
0x219: {  	v42 =	vld [tilespmem:s22+$0x1840]  }
0x21a: {  	v44 =	vld [tilespmem:s22+$0xFFFFE650]  }
0x21b: {  	v46 =	vld [tilespmem:s22+$0x1850]  }
0x21c: {  	v48 =	vld [tilespmem:s22+$0xFFFFFF40]  }
0x21d: {  	v50 =	vld [tilespmem:s22+$0xFFFFFF50]  }
0x21e: {  	v55 =	vld [tilespmem:s22+$0xFFFFE660]  }
0x21f: {  	v17 =	vld [tilespmem:s22+$0x1860]  }
0x220: {  	v60 =	vld [tilespmem:s22+$0xFFFFFF60]  }
0x221: {  	v20 =	vld [tilespmem:s22+$0xFFFFE670]  }
0x222: {  	v22 =	vld [tilespmem:s22+$0x1870]  }
0x223: {  	s20 =	simm.s32 $0x0;
	v18 =	vld [tilespmem:s22+$0xFFFFE740]  }
0x224: {  	v7 =	vld.idx.msk [tilespmem:v2+s20+$0x0], $0xffff  }
0x225: {  	v3 =	vld.idx.msk [tilespmem:v3+s13+$0x0], $0xffff  }
0x226: {  	v11 =	vld.idx.msk [tilespmem:v4+s20+$0x0], $0xffff  }
0x227: {  	v5 =	vld.idx.msk [tilespmem:v5+s13+$0x0], $0xffff  }
0x228: {  	v14 =	vld.idx.msk [tilespmem:v27+s20+$0x0], $0xffff  }
0x229: {  	v13 =	vld.idx.msk [tilespmem:v13+s13+$0x0], $0xffff  }
0x22a: {  	v36 =	vld.idx.msk [tilespmem:v28+s20+$0x0], $0xffff  }
0x22b: {  	v15 =	vld.idx.msk [tilespmem:v41+s20+$0x0], $0xffff  }
0x22c: {  	v8 =	vadd.s32 $0x2710, v6;
	v52 =	vld.idx.msk [tilespmem:v44+s20+$0x0], $0xffff  }
0x22d: {  	v2 =	vadd.s32 $0x2710, v2;
	v62 =	vld.idx.msk [tilespmem:v55+s20+$0x0], $0xffff;
	v10 =	vunpack.i.l.bf16.f32 v7  }
0x22e: {  	v63 =	vld.idx.msk [tilespmem:v17+s13+$0x0], $0xffff;
	v7 =	vunpack.i.u.bf16.f32 v7;
	v10 =	vmul.f32 v10, v3  }
0x22f: {  	v24 =	vadd.s32 $0x2710, v9;
	v35 =	vadd.s32 $0x2710, v27;
	v27 =	vld.idx.msk [tilespmem:v20+s20+$0x0], $0xffff;
	v7 =	vmul.f32 v7, v3  }
0x230: {  	v4 =	vadd.s32 $0x2710, v4;
	v23 =	vunpack.i.l.bf16.f32 v11;
	[tilespmem:v6+s16+$0x0] =	vst.idx.add.f32.msk $0xffff, v10  }
0x231: {  	v11 =	vunpack.i.u.bf16.f32 v11;
	[tilespmem:v8+s16+$0x0] =	vst.idx.add.f32.msk $0xffff, v7;
	v7 =	vmul.f32 v23, v5  }
0x232: {  	v26 =	vmul.f32 v11, v5;
	v2 =	vld.idx.msk [tilespmem:v2+s20+$0x0], $0xffff  }
0x233: {  	[tilespmem:v9+s16+$0x0] =	vst.idx.add.f32.msk $0xffff, v7  }
0x234: {  	[tilespmem:v24+s16+$0x0] =	vst.idx.add.f32.msk $0xffff, v26  }
0x235: {  	v25 =	vadd.s32 $0x4E20, v6;
	v4 =	vld.idx.msk [tilespmem:v4+s20+$0x0], $0xffff  }
0x236: {  	v56 =	vunpack.i.l.bf16.f32 v52;
	v57 =	vunpack.i.u.bf16.f32 v52;
	v52 =	vld [tilespmem:s22+$0x20];
	v6 =	vadd.s32 $0x7530, v6  }
0x237: {  	v11 =	vld.idx.msk [tilespmem:v46+s13+$0x0], $0xffff;
	v12 =	vunpack.i.l.bf16.f32 v2  }
0x238: {  	v29 =	vadd.s32 $0x4E20, v9;
	v10 =	vld.idx.msk [tilespmem:v30+s13+$0x0], $0xffff;
	v2 =	vunpack.i.u.bf16.f32 v2;
	v12 =	vmul.f32 v12, v3  }
0x239: {  	v30 =	vld [tilespmem:s22+$0x0];
	v2 =	vmul.f32 v2, v3  }
0x23a: {  	[tilespmem:v25+s16+$0x0] =	vst.idx.add.f32.msk $0xffff, v12;
	v3 =	vunpack.i.l.bf16.f32 v4  }
0x23b: {  	v3 =	vmul.f32 v3, v5;
	[tilespmem:v6+s16+$0x0] =	vst.idx.add.f32.msk $0xffff, v2;
	v2 =	vadd.s32 $0x7530, v9  }
0x23c: {  	v24 =	vld [tilespmem:s22+$0x1900]  }
0x23d: {  	v32 =	vadd.s32 $0x2710, v31;
	v58 =	vmul.f32 v56, v11;
	[tilespmem:v29+s16+$0x0] =	vst.idx.add.f32.msk $0xffff, v3;
	v3 =	vunpack.i.u.bf16.f32 v4  }
0x23e: {  	v34 =	vunpack.i.l.bf16.f32 v14;
	v26 =	vld [tilespmem:s22+$0xFFFFFF70];
	v3 =	vmul.f32 v3, v5  }
0x23f: {  	v37 =	vunpack.i.u.bf16.f32 v14;
	[tilespmem:v50+s16+$0x0] =	vst.idx.add.f32.msk $0xffff, v58;
	v5 =	vmul.f32 v34, v13  }
0x240: {  	[tilespmem:v2+s16+$0x0] =	vst.idx.add.f32.msk $0xffff, v3;
	v2 =	vmul.f32 v37, v13  }
0x241: {  	[tilespmem:v31+s16+$0x0] =	vst.idx.add.f32.msk $0xffff, v5  }
0x242: {  	[tilespmem:v32+s16+$0x0] =	vst.idx.add.f32.msk $0xffff, v2  }
0x243: {  	v38 =	vunpack.i.l.bf16.f32 v36;
	v2 =	vadd.s32 $0x2710, v33;
	v3 =	vld.idx.msk [tilespmem:v35+s20+$0x0], $0xffff  }
0x244: {  	v39 =	vadd.s32 $0x2710, v28;
	v9 =	vld.idx.msk [tilespmem:v42+s13+$0x0], $0xffff;
	v4 =	vmul.f32 v38, v10  }
0x245: {  	v40 =	vunpack.i.u.bf16.f32 v36;
	v42 =	vld [tilespmem:s22+$0xFFFFE710]  }
0x246: {  	v43 =	vadd.s32 $0x4E20, v31;
	v7 =	vmul.f32 v40, v10;
	[tilespmem:v33+s16+$0x0] =	vst.idx.add.f32.msk $0xffff, v4  }
0x247: {  	v5 =	vadd.s32 $0x2710, v44;
	v44 =	vld [tilespmem:s22+$0x10]  }
0x248: {  	v45 =	vadd.s32 $0x7530, v31;
	[tilespmem:v2+s16+$0x0] =	vst.idx.add.f32.msk $0xffff, v7;
	v47 =	vunpack.i.l.bf16.f32 v3  }
0x249: {  	v2 =	vld.idx.msk [tilespmem:v39+s20+$0x0], $0xffff;
	v12 =	vmul.f32 v47, v13  }
0x24a: {  	v3 =	vunpack.i.u.bf16.f32 v3;
	v47 =	vld [tilespmem:s22+$0x1920]  }
0x24b: {  	v16 =	vadd.s32 $0x2710, v48;
	v3 =	vmul.f32 v3, v13;
	[tilespmem:v43+s16+$0x0] =	vst.idx.add.f32.msk $0xffff, v12  }
0x24c: {  	v49 =	vadd.s32 $0x4E20, v33;
	v51 =	vunpack.i.l.bf16.f32 v15;
	v43 =	vld [tilespmem:s22+$0x1910]  }
0x24d: {  	v54 =	vadd.s32 $0x2710, v50;
	v53 =	vunpack.i.u.bf16.f32 v15;
	v12 =	vmul.f32 v51, v9;
	[tilespmem:v45+s16+$0x0] =	vst.idx.add.f32.msk $0xffff, v3  }
0x24e: {  	v4 =	vmul.f32 v53, v9;
	v45 =	vld [tilespmem:s22+$0xFFFFE720];
	v3 =	vunpack.i.l.bf16.f32 v2  }
0x24f: {  	v6 =	vadd.s32 $0x7530, v33;
	[tilespmem:v48+s16+$0x0] =	vst.idx.add.f32.msk $0xffff, v12;
	v3 =	vmul.f32 v3, v10  }
0x250: {  	[tilespmem:v16+s16+$0x0] =	vst.idx.add.f32.msk $0xffff, v4;
	v4 =	vmul.f32 v57, v11  }
0x251: {  	v2 =	vunpack.i.u.bf16.f32 v2;
	[tilespmem:v49+s16+$0x0] =	vst.idx.add.f32.msk $0xffff, v3;
	v3 =	vadd.s32 $0x2710, v41  }
0x252: {  	v2 =	vmul.f32 v2, v10;
	[tilespmem:v54+s16+$0x0] =	vst.idx.add.f32.msk $0xffff, v4  }
0x253: {  	v5 =	vld.idx.msk [tilespmem:v5+s20+$0x0], $0xffff  }
0x254: {  	[tilespmem:v6+s16+$0x0] =	vst.idx.add.f32.msk $0xffff, v2  }
0x255: {  	v7 =	vadd.s32 $0x7530, v50;
	v2 =	vadd.s32 $0x4E20, v50;
	v50 =	vld [tilespmem:s22+$0x1930]  }
0x256: {  	v3 =	vld.idx.msk [tilespmem:v3+s20+$0x0], $0xffff  }
0x257: {  	v59 =	vadd.s32 $0x4E20, v48;
	v14 =	vadd.s32 $0x7530, v48;
	v25 =	vunpack.i.u.bf16.f32 v62;
	v48 =	vld.idx.msk [tilespmem:v42+s20+$0x0], $0xffff  }
0x258: {  	v12 =	vmul.f32 v25, v63;
	v25 =	vld.idx.msk [tilespmem:v18+s20+$0x0], $0xffff  }
0x259: {  	v54 =	vld [tilespmem:s22+$0x30];
	v19 =	vunpack.i.l.bf16.f32 v5  }
0x25a: {  	v6 =	vadd.s32 $0x2710, v20;
	v20 =	vld [tilespmem:s22+$0x1940];
	v4 =	vmul.f32 v19, v11  }
0x25b: {  	v53 =	vld.idx.msk [tilespmem:v45+s20+$0x0], $0xffff;
	v61 =	vunpack.i.l.bf16.f32 v3  }
0x25c: {  	[tilespmem:v2+s16+$0x0] =	vst.idx.add.f32.msk $0xffff, v4;
	v3 =	vunpack.i.u.bf16.f32 v3;
	v10 =	vmul.f32 v61, v9  }
0x25d: {  	v13 =	vld.idx.msk [tilespmem:v50+s13+$0x0], $0xffff;
	v3 =	vmul.f32 v3, v9  }
0x25e: {  	v21 =	vunpack.i.l.bf16.f32 v62;
	[tilespmem:v59+s16+$0x0] =	vst.idx.add.f32.msk $0xffff, v10  }
0x25f: {  	[tilespmem:v14+s16+$0x0] =	vst.idx.add.f32.msk $0xffff, v3;
	v3 =	vmul.f32 v21, v63  }
0x260: {  	v2 =	vadd.s32 $0x2710, v60;
	v10 =	vld.idx.msk [tilespmem:v22+s13+$0x0], $0xffff  }
0x261: {  	v23 =	vadd.s32 $0x2710, v55;
	v28 =	vunpack.i.u.bf16.f32 v5;
	[tilespmem:v60+s16+$0x0] =	vst.idx.add.f32.msk $0xffff, v3  }
0x262: {  	v4 =	vmul.f32 v28, v11;
	v3 =	vld [tilespmem:s22+$0xFFFFE700]  }
0x263: {  	v9 =	vld.idx.msk [tilespmem:v24+s13+$0x0], $0xffff  }
0x264: {  	v29 =	vadd.s32 $0x2710, v26;
	v31 =	vunpack.i.l.bf16.f32 v27;
	[tilespmem:v7+s16+$0x0] =	vst.idx.add.f32.msk $0xffff, v4  }
0x265: {  	[tilespmem:v2+s16+$0x0] =	vst.idx.add.f32.msk $0xffff, v12;
	v11 =	vmul.f32 v31, v10  }
0x266: {  	v14 =	vunpack.i.u.bf16.f32 v27;
	v2 =	vld.idx.msk [tilespmem:v23+s20+$0x0], $0xffff  }
0x267: {  	v35 =	vmul.f32 v14, v10;
	[tilespmem:v26+s16+$0x0] =	vst.idx.add.f32.msk $0xffff, v11  }
0x268: {  	v40 =	vadd.s32 $0x4E20, v26;
	v41 =	vadd.s32 $0x7530, v26;
	v26 =	vld.idx.msk [tilespmem:v20+s13+$0x0], $0xffff  }
0x269: {  	v33 =	vadd.s32 $0x4E20, v60;
	[tilespmem:v29+s16+$0x0] =	vst.idx.add.f32.msk $0xffff, v35  }
0x26a: {  	v32 =	vld.idx.msk [tilespmem:v3+s20+$0x0], $0xffff  }
0x26b: {  	v35 =	vld [tilespmem:s22+$0x1960];
	v36 =	vunpack.i.l.bf16.f32 v2  }
0x26c: {  	v34 =	vadd.s32 $0x7530, v60;
	v6 =	vld.idx.msk [tilespmem:v6+s20+$0x0], $0xffff;
	v2 =	vunpack.i.u.bf16.f32 v2;
	v8 =	vmul.f32 v36, v63  }
0x26d: {  	v2 =	vmul.f32 v2, v63;
	v63 =	vld [tilespmem:s22+$0x40]  }
0x26e: {  	v37 =	vadd.s32 $0x2710, v30;
	[tilespmem:v33+s16+$0x0] =	vst.idx.add.f32.msk $0xffff, v8  }
0x26f: {  	v3 =	vadd.s32 $0x2710, v3;
	v8 =	vld.idx.msk [tilespmem:v43+s13+$0x0], $0xffff;
	v38 =	vunpack.i.l.bf16.f32 v32  }
0x270: {  	v36 =	vld [tilespmem:s22+$0x50];
	v39 =	vunpack.i.u.bf16.f32 v32;
	v7 =	vmul.f32 v38, v9  }
0x271: {  	[tilespmem:v34+s16+$0x0] =	vst.idx.add.f32.msk $0xffff, v2;
	v2 =	vmul.f32 v39, v9  }
0x272: {  	[tilespmem:v30+s16+$0x0] =	vst.idx.add.f32.msk $0xffff, v7  }
0x273: {  	v49 =	vadd.s32 $0x2710, v44;
	v51 =	vunpack.i.l.bf16.f32 v48;
	[tilespmem:v37+s16+$0x0] =	vst.idx.add.f32.msk $0xffff, v2  }
0x274: {  	v14 =	vmul.f32 v51, v8;
	v2 =	vunpack.i.l.bf16.f32 v6;
	v6 =	vunpack.i.u.bf16.f32 v6;
	v3 =	vld.idx.msk [tilespmem:v3+s20+$0x0], $0xffff  }
0x275: {  	v5 =	vadd.s32 $0x2710, v42;
	v2 =	vmul.f32 v2, v10;
	v6 =	vmul.f32 v6, v10;
	v10 =	vld.idx.msk [tilespmem:v47+s13+$0x0], $0xffff  }
0x276: {  	v11 =	vunpack.i.u.bf16.f32 v48;
	v33 =	vld [tilespmem:s22+$0xFFFFE750]  }
0x277: {  	v11 =	vmul.f32 v11, v8;
	[tilespmem:v44+s16+$0x0] =	vst.idx.add.f32.msk $0xffff, v14  }
0x278: {  	[tilespmem:v40+s16+$0x0] =	vst.idx.add.f32.msk $0xffff, v2;
	v2 =	vadd.s32 $0x4E20, v30  }
0x279: {  	v55 =	vunpack.i.l.bf16.f32 v53;
	[tilespmem:v49+s16+$0x0] =	vst.idx.add.f32.msk $0xffff, v11  }
0x27a: {  	v57 =	vadd.s32 $0x2710, v52;
	v5 =	vld.idx.msk [tilespmem:v5+s20+$0x0], $0xffff;
	v46 =	vunpack.i.l.bf16.f32 v3;
	v11 =	vmul.f32 v55, v10  }
0x27b: {  	[tilespmem:v41+s16+$0x0] =	vst.idx.add.f32.msk $0xffff, v6;
	v6 =	vadd.s32 $0x2710, v45;
	v7 =	vmul.f32 v46, v9  }
0x27c: {  	v16 =	vunpack.i.u.bf16.f32 v53;
	[tilespmem:v52+s16+$0x0] =	vst.idx.add.f32.msk $0xffff, v11  }
0x27d: {  	v58 =	vmul.f32 v16, v10;
	[tilespmem:v2+s16+$0x0] =	vst.idx.add.f32.msk $0xffff, v7  }
0x27e: {  	v2 =	vld [tilespmem:s22+$0xFFFFE730]  }
0x27f: {  	v12 =	vadd.s32 $0x7530, v30;
	[tilespmem:v57+s16+$0x0] =	vst.idx.add.f32.msk $0xffff, v58  }
0x280: {  	v62 =	vadd.s32 $0x4E20, v44;
	v6 =	vld.idx.msk [tilespmem:v6+s20+$0x0], $0xffff  }
0x281: {  	v4 =	vadd.s32 $0x7530, v44;
	v34 =	vld [tilespmem:s22+$0x1950];
	v3 =	vunpack.i.u.bf16.f32 v3  }
0x282: {  	v38 =	vld [tilespmem:s22+$0x1970];
	v3 =	vmul.f32 v3, v9;
	v23 =	vunpack.i.l.bf16.f32 v5  }
0x283: {  	v24 =	vadd.s32 $0x4E20, v52;
	v37 =	vld [tilespmem:s22+$0xFFFFE770];
	v5 =	vunpack.i.u.bf16.f32 v5;
	v9 =	vmul.f32 v23, v8  }
0x284: {  	v15 =	vadd.s32 $0x7530, v52;
	[tilespmem:v12+s16+$0x0] =	vst.idx.add.f32.msk $0xffff, v3;
	v3 =	vmul.f32 v5, v8  }
0x285: {  	[tilespmem:v62+s16+$0x0] =	vst.idx.add.f32.msk $0xffff, v9;
	v27 =	vunpack.i.l.bf16.f32 v6  }
0x286: {  	[tilespmem:v4+s16+$0x0] =	vst.idx.add.f32.msk $0xffff, v3;
	v6 =	vunpack.i.u.bf16.f32 v6;
	v5 =	vmul.f32 v27, v10  }
0x287: {  	v3 =	vmul.f32 v6, v10;
	v56 =	vld.idx.msk [tilespmem:v2+s20+$0x0], $0xffff  }
0x288: {  	v31 =	vadd.s32 $0x2710, v63;
	v30 =	vunpack.i.l.bf16.f32 v25;
	[tilespmem:v24+s16+$0x0] =	vst.idx.add.f32.msk $0xffff, v5  }
0x289: {  	[tilespmem:v15+s16+$0x0] =	vst.idx.add.f32.msk $0xffff, v3;
	v3 =	vmul.f32 v30, v26  }
0x28a: {  	v32 =	vunpack.i.u.bf16.f32 v25;
	v39 =	vld.idx.msk [tilespmem:v33+s20+$0x0], $0xffff  }
0x28b: {  	[tilespmem:v63+s16+$0x0] =	vst.idx.add.f32.msk $0xffff, v3;
	v3 =	vmul.f32 v32, v26  }
0x28c: {  	v59 =	vadd.s32 $0x2710, v54;
	v45 =	vld [tilespmem:s22+$0x70]  }
0x28d: {  	v2 =	vadd.s32 $0x2710, v2;
	v19 =	vunpack.i.l.bf16.f32 v56;
	[tilespmem:v31+s16+$0x0] =	vst.idx.add.f32.msk $0xffff, v3  }
0x28e: {  	v60 =	vunpack.i.u.bf16.f32 v56;
	v61 =	vmul.f32 v19, v13;
	v3 =	vld [tilespmem:s22+$0xFFFFE760]  }
0x28f: {  	v6 =	vld.idx.msk [tilespmem:v34+s13+$0x0], $0xffff;
	v11 =	vmul.f32 v60, v13  }
0x290: {  	[tilespmem:v54+s16+$0x0] =	vst.idx.add.f32.msk $0xffff, v61  }
0x291: {  	[tilespmem:v59+s16+$0x0] =	vst.idx.add.f32.msk $0xffff, v11  }
0x292: {  	v2 =	vld.idx.msk [tilespmem:v2+s20+$0x0], $0xffff  }
0x293: {  	v21 =	vld.idx.msk [tilespmem:v37+s20+$0x0], $0xffff  }
0x294: {  	v10 =	vld.idx.msk [tilespmem:v38+s13+$0x0], $0xffff  }
0x295: {  	v28 =	vadd.s32 $0x4E20, v54;
	v40 =	vld [tilespmem:s22+$0x60]  }
0x296: {  	v44 =	vunpack.i.l.bf16.f32 v39;
	v41 =	vld.idx.msk [tilespmem:v3+s20+$0x0], $0xffff  }
0x297: {  	v43 =	vadd.s32 $0x2710, v18;
	v5 =	vld.idx.msk [tilespmem:v35+s13+$0x0], $0xffff;
	v18 =	vmul.f32 v44, v6;
	v29 =	vunpack.i.l.bf16.f32 v2  }
0x298: {  	v42 =	vadd.s32 $0x2710, v36;
	v50 =	vunpack.i.l.bf16.f32 v21;
	v4 =	vmul.f32 v29, v13  }
0x299: {  	v52 =	vmul.f32 v50, v10;
	[tilespmem:v36+s16+$0x0] =	vst.idx.add.f32.msk $0xffff, v18  }
0x29a: {  	v11 =	vunpack.i.u.bf16.f32 v39;
	[tilespmem:v28+s16+$0x0] =	vst.idx.add.f32.msk $0xffff, v4;
	v4 =	vadd.s32 $0x2710, v33  }
0x29b: {  	v22 =	vadd.s32 $0x2710, v40;
	[tilespmem:v45+s16+$0x0] =	vst.idx.add.f32.msk $0xffff, v52;
	v11 =	vmul.f32 v11, v6;
	v46 =	vunpack.i.l.bf16.f32 v41  }
0x29c: {  	v49 =	vld.idx.msk [tilespmem:v43+s20+$0x0], $0xffff;
	v3 =	vadd.s32 $0x2710, v3;
	v48 =	vmul.f32 v46, v5  }
0x29d: {  	v51 =	vadd.s32 $0x2710, v45;
	[tilespmem:v42+s16+$0x0] =	vst.idx.add.f32.msk $0xffff, v11;
	v47 =	vunpack.i.u.bf16.f32 v41  }
0x29e: {  	v9 =	vadd.s32 $0x2710, v37;
	v11 =	vmul.f32 v47, v5;
	[tilespmem:v40+s16+$0x0] =	vst.idx.add.f32.msk $0xffff, v48  }
0x29f: {  	v7 =	vadd.s32 $0x7530, v54;
	v53 =	vunpack.i.u.bf16.f32 v21;
	v4 =	vld.idx.msk [tilespmem:v4+s20+$0x0], $0xffff  }
0x2a0: {  	v15 =	vmul.f32 v53, v10;
	v54 =	vadd.s32 $0x4E20, v63;
	[tilespmem:v22+s16+$0x0] =	vst.idx.add.f32.msk $0xffff, v11  }
0x2a1: {  	v14 =	vadd.s32 $0x7530, v63;
	v2 =	vunpack.i.u.bf16.f32 v2;
	v3 =	vld.idx.msk [tilespmem:v3+s20+$0x0], $0xffff  }
0x2a2: {  	v56 =	vadd.s32 $0x4E20, v36;
	[tilespmem:v51+s16+$0x0] =	vst.idx.add.f32.msk $0xffff, v15;
	v55 =	vunpack.i.l.bf16.f32 v49;
	v2 =	vmul.f32 v2, v13  }
0x2a3: {  	v8 =	vadd.s32 $0x7530, v36;
	v9 =	vld.idx.msk [tilespmem:v9+s20+$0x0], $0xffff;
	v16 =	vunpack.i.u.bf16.f32 v49;
	v13 =	vmul.f32 v55, v26  }
0x2a4: {  	v58 =	vadd.s32 $0x4E20, v40;
	[tilespmem:v7+s16+$0x0] =	vst.idx.add.f32.msk $0xffff, v2;
	v2 =	vmul.f32 v16, v26;
	v57 =	vunpack.i.l.bf16.f32 v4  }
0x2a5: {  	v59 =	vadd.s32 $0x7530, v40;
	[tilespmem:v54+s16+$0x0] =	vst.idx.add.f32.msk $0xffff, v13;
	v4 =	vunpack.i.u.bf16.f32 v4;
	v7 =	vmul.f32 v57, v6  }
0x2a6: {  	s21 =	sadd.s32 $0x10, s21;
	v61 =	vadd.s32 $0x4E20, v45;
	[tilespmem:v14+s16+$0x0] =	vst.idx.add.f32.msk $0xffff, v2;
	v2 =	vmul.f32 v4, v6;
	v60 =	vunpack.i.l.bf16.f32 v3  }
0x2a7: {  	p0 =	slt.u32 s21, $0xB0;
	v62 =	vadd.s32 $0x7530, v45;
	v3 =	vunpack.i.u.bf16.f32 v3;
	v4 =	vmul.f32 v60, v5;
	[tilespmem:v56+s16+$0x0] =	vst.idx.add.f32.msk $0xffff, v7  }
.Ltmp21:
0x2a8: {  	[tilespmem:v8+s16+$0x0] =	vst.idx.add.f32.msk $0xffff, v2;
	v2 =	vmul.f32 v3, v5;
	v3 =	vunpack.i.l.bf16.f32 v9;
	(pc) =	sbr.rel @p0 .LBB2_45-.Ltmp21, $4  }
0x2a9: {  	v63 =	vunpack.i.u.bf16.f32 v9;
	[tilespmem:v58+s16+$0x0] =	vst.idx.add.f32.msk $0xffff, v4;
	v3 =	vmul.f32 v3, v10  }
0x2aa: {  	[tilespmem:v59+s16+$0x0] =	vst.idx.add.f32.msk $0xffff, v2;
	v2 =	vmul.f32 v63, v10  }
0x2ab: {  	[tilespmem:v61+s16+$0x0] =	vst.idx.add.f32.msk $0xffff, v3  }
0x2ac: {  	s23 =	simm.s32 $0x1800;
	s22 =	sadd.s32 $0x200, s22;
	[tilespmem:v62+s16+$0x0] =	vst.idx.add.f32.msk $0xffff, v2  }
.LBB2_46:
0x2ad: {  	s21 =	sshll.u32 s23, $0x2  }
0x2ae: {  	s21 =	sand.u32 $0xFFFFFC00, s21  }
0x2af: {  	s21 =	sadd.s32 s21, s20  }
0x2b0: {  	s21 =	sshra.s32 s21, $0x2  }
0x2b1: {  	v2 =	vld [tilespmem:s21+$0x18780]  }
0x2b2: {  	v3 =	vld [tilespmem:s21+$0x1B980];
	_ =	sdelay $0x5  }
0x2b3: {  	v4 =	vld [tilespmem:s21+$0x1A080]  }
0x2b4: {  	v5 =	vld.idx.msk [tilespmem:v2+s3+$0x0], $0xffff  }
0x2b5: {  	v3 =	vld.idx.msk [tilespmem:v3+s13+$0x0], $0xffff;
	_ =	sdelay $0x2  }
0x2b6: {  	v6 =	vadd.s32 $0x2710, v4  }
0x2b7: {  	v2 =	vadd.s32 $0x2710, v2;
	v7 =	vunpack.i.l.bf16.f32 v5  }
0x2b8: {  	v5 =	vunpack.i.u.bf16.f32 v5;
	v7 =	vmul.f32 v7, v3  }
0x2b9: {  	v5 =	vmul.f32 v5, v3  }
0x2ba: {  	[tilespmem:v4+s16+$0x0] =	vst.idx.add.f32.msk $0xffff, v7  }
0x2bb: {  	[tilespmem:v6+s16+$0x0] =	vst.idx.add.f32.msk $0xffff, v5  }
0x2bc: {  	v2 =	vld.idx.msk [tilespmem:v2+s3+$0x0], $0xffff;
	_ =	sdelay $0x2  }
0x2bd: {  	v62 =	vadd.s32 $0x4E20, v4  }
0x2be: {  	p0 =	sne.s32 s23, $0x18E0;
	v4 =	vadd.s32 $0x7530, v4  }
.Ltmp22:
0x2bf: {  	v63 =	vunpack.i.l.bf16.f32 v2;
	(pc) =	sbr.rel @p0 .LBB2_46-.Ltmp22, $4  }
0x2c0: {  	v2 =	vunpack.i.u.bf16.f32 v2;
	v6 =	vmul.f32 v63, v3  }
0x2c1: {  	v2 =	vmul.f32 v2, v3  }
0x2c2: {  	[tilespmem:v62+s16+$0x0] =	vst.idx.add.f32.msk $0xffff, v6  }
0x2c3: {  	s23 =	sadd.s32 $0x20, s23;
	s20 =	sadd.s32 $0x40, s20;
	[tilespmem:v4+s16+$0x0] =	vst.idx.add.f32.msk $0xffff, v2  }
0x2c4: {  	s20 =	sshll.u32 s19, $0x1  }
0x2c5: {  	s21 =	sadd.s32 $0x2, s20  }
0x2c6: {  	s22 =	sshrl.u32 s21, $0x3  }
0x2c7: {  	s21 =	sshll.u32 s21, $0x7;
	s22 =	smul.u32 $0x12C00, s22  }
0x2c8: {  	s21 =	sand.u32 $0x300, s21  }
0x2c9: {  	s21 =	sor.u32 s21, s22  }
0x2ca: {  	s21 =	sshrl.u32 s21, $0x3  }
0x2cb: {  	s23 =	simm.s32 $0x80;
	s21 =	sadd.s32 s2, s21  }
0x2cc: {  	s24 =	simm.s32 $0x18880;
	s22 =	simm.s32 $0x18780;
	s25 =	sadd.s32 $0x0, s21  }
.LBB2_48:
0x2cd: {  	[tilespmem:s22], [sflag:$0x1] =	stream.linear.gather [hbm4b:s25+s3], $0x80, $0x38;
	[tilespmem:$0x1D280] =	vst v63  }
0x2ce: {  	s25 =	smov.u32 s23;
	s22 =	smov.u32 s24;
	p0 =	sne.s32 s23, $0x2500  }
.Ltmp23:
0x2cf: {  	s23 =	sadd.s32 $0x80, s23;
	(pc) =	sbr.rel @p0 .LBB2_48-.Ltmp23, $2  }
0x2d0: {  	_ =	sdelay $0x2  }
0x2d1: {  	s24 =	sadd.s32 $0x100, s24;
	s25 =	sadd.s32 s25, s21  }
0x2d2: {  	[tilespmem:s22], [sflag:$0x1] =	stream.linear.gather [hbm4b:s25+s3], $0x80, $0x38;
	[tilespmem:$0x1D280] =	vst v63  }
0x2d3: {  	_ =	swait.ge [sflag:s14], $0x2580  }
0x2d4: {  	[sflag:s14] =	ssyncset.done $0x0  }
0x2d5: {  	s22 =	simm.s32 $0xFFFFFFF0;
	s23 =	simm.s32 $0x1A200;
	[sflag:s14] =	ssyncadd.s32 $0xFFFFDA80  }
.LBB2_50:
0x2d6: {  	v2 =	vld [tilespmem:s23+$0xFFFFE600]  }
0x2d7: {  	v3 =	vld [tilespmem:s23+$0x1800]  }
0x2d8: {  	v4 =	vld [tilespmem:s23+$0xFFFFE610]  }
0x2d9: {  	v5 =	vld [tilespmem:s23+$0x1810]  }
0x2da: {  	v6 =	vld [tilespmem:s23+$0xFFFFFF00]  }
0x2db: {  	v9 =	vld [tilespmem:s23+$0xFFFFFF10]  }
0x2dc: {  	v27 =	vld [tilespmem:s23+$0xFFFFE620]  }
0x2dd: {  	v13 =	vld [tilespmem:s23+$0x1820]  }
0x2de: {  	v28 =	vld [tilespmem:s23+$0xFFFFE630]  }
0x2df: {  	v30 =	vld [tilespmem:s23+$0x1830]  }
0x2e0: {  	v31 =	vld [tilespmem:s23+$0xFFFFFF20]  }
0x2e1: {  	v33 =	vld [tilespmem:s23+$0xFFFFFF30]  }
0x2e2: {  	v41 =	vld [tilespmem:s23+$0xFFFFE640]  }
0x2e3: {  	v42 =	vld [tilespmem:s23+$0x1840]  }
0x2e4: {  	v44 =	vld [tilespmem:s23+$0xFFFFE650]  }
0x2e5: {  	v46 =	vld [tilespmem:s23+$0x1850]  }
0x2e6: {  	v48 =	vld [tilespmem:s23+$0xFFFFFF40]  }
0x2e7: {  	v50 =	vld [tilespmem:s23+$0xFFFFFF50]  }
0x2e8: {  	v55 =	vld [tilespmem:s23+$0xFFFFE660]  }
0x2e9: {  	v17 =	vld [tilespmem:s23+$0x1860]  }
0x2ea: {  	v60 =	vld [tilespmem:s23+$0xFFFFFF60]  }
0x2eb: {  	v20 =	vld [tilespmem:s23+$0xFFFFE670]  }
0x2ec: {  	v22 =	vld [tilespmem:s23+$0x1870]  }
0x2ed: {  	s21 =	simm.s32 $0x0;
	v18 =	vld [tilespmem:s23+$0xFFFFE740]  }
0x2ee: {  	v7 =	vld.idx.msk [tilespmem:v2+s21+$0x0], $0xffff  }
0x2ef: {  	v3 =	vld.idx.msk [tilespmem:v3+s13+$0x0], $0xffff  }
0x2f0: {  	v11 =	vld.idx.msk [tilespmem:v4+s21+$0x0], $0xffff  }
0x2f1: {  	v5 =	vld.idx.msk [tilespmem:v5+s13+$0x0], $0xffff  }
0x2f2: {  	v14 =	vld.idx.msk [tilespmem:v27+s21+$0x0], $0xffff  }
0x2f3: {  	v13 =	vld.idx.msk [tilespmem:v13+s13+$0x0], $0xffff  }
0x2f4: {  	v36 =	vld.idx.msk [tilespmem:v28+s21+$0x0], $0xffff  }
0x2f5: {  	v15 =	vld.idx.msk [tilespmem:v41+s21+$0x0], $0xffff  }
0x2f6: {  	v8 =	vadd.s32 $0x2710, v6;
	v52 =	vld.idx.msk [tilespmem:v44+s21+$0x0], $0xffff  }
0x2f7: {  	v2 =	vadd.s32 $0x2710, v2;
	v62 =	vld.idx.msk [tilespmem:v55+s21+$0x0], $0xffff;
	v10 =	vunpack.i.l.bf16.f32 v7  }
0x2f8: {  	v63 =	vld.idx.msk [tilespmem:v17+s13+$0x0], $0xffff;
	v7 =	vunpack.i.u.bf16.f32 v7;
	v10 =	vmul.f32 v10, v3  }
0x2f9: {  	v24 =	vadd.s32 $0x2710, v9;
	v35 =	vadd.s32 $0x2710, v27;
	v27 =	vld.idx.msk [tilespmem:v20+s21+$0x0], $0xffff;
	v7 =	vmul.f32 v7, v3  }
0x2fa: {  	v4 =	vadd.s32 $0x2710, v4;
	v23 =	vunpack.i.l.bf16.f32 v11;
	[tilespmem:v6+s16+$0x0] =	vst.idx.add.f32.msk $0xffff, v10  }
0x2fb: {  	v11 =	vunpack.i.u.bf16.f32 v11;
	[tilespmem:v8+s16+$0x0] =	vst.idx.add.f32.msk $0xffff, v7;
	v7 =	vmul.f32 v23, v5  }
0x2fc: {  	v26 =	vmul.f32 v11, v5;
	v2 =	vld.idx.msk [tilespmem:v2+s21+$0x0], $0xffff  }
0x2fd: {  	[tilespmem:v9+s16+$0x0] =	vst.idx.add.f32.msk $0xffff, v7  }
0x2fe: {  	[tilespmem:v24+s16+$0x0] =	vst.idx.add.f32.msk $0xffff, v26  }
0x2ff: {  	v25 =	vadd.s32 $0x4E20, v6;
	v4 =	vld.idx.msk [tilespmem:v4+s21+$0x0], $0xffff  }
0x300: {  	v56 =	vunpack.i.l.bf16.f32 v52;
	v57 =	vunpack.i.u.bf16.f32 v52;
	v52 =	vld [tilespmem:s23+$0x20];
	v6 =	vadd.s32 $0x7530, v6  }
0x301: {  	v11 =	vld.idx.msk [tilespmem:v46+s13+$0x0], $0xffff;
	v12 =	vunpack.i.l.bf16.f32 v2  }
0x302: {  	v29 =	vadd.s32 $0x4E20, v9;
	v10 =	vld.idx.msk [tilespmem:v30+s13+$0x0], $0xffff;
	v2 =	vunpack.i.u.bf16.f32 v2;
	v12 =	vmul.f32 v12, v3  }
0x303: {  	v30 =	vld [tilespmem:s23+$0x0];
	v2 =	vmul.f32 v2, v3  }
0x304: {  	[tilespmem:v25+s16+$0x0] =	vst.idx.add.f32.msk $0xffff, v12;
	v3 =	vunpack.i.l.bf16.f32 v4  }
0x305: {  	v3 =	vmul.f32 v3, v5;
	[tilespmem:v6+s16+$0x0] =	vst.idx.add.f32.msk $0xffff, v2;
	v2 =	vadd.s32 $0x7530, v9  }
0x306: {  	v24 =	vld [tilespmem:s23+$0x1900]  }
0x307: {  	v32 =	vadd.s32 $0x2710, v31;
	v58 =	vmul.f32 v56, v11;
	[tilespmem:v29+s16+$0x0] =	vst.idx.add.f32.msk $0xffff, v3;
	v3 =	vunpack.i.u.bf16.f32 v4  }
0x308: {  	v34 =	vunpack.i.l.bf16.f32 v14;
	v26 =	vld [tilespmem:s23+$0xFFFFFF70];
	v3 =	vmul.f32 v3, v5  }
0x309: {  	v37 =	vunpack.i.u.bf16.f32 v14;
	[tilespmem:v50+s16+$0x0] =	vst.idx.add.f32.msk $0xffff, v58;
	v5 =	vmul.f32 v34, v13  }
0x30a: {  	[tilespmem:v2+s16+$0x0] =	vst.idx.add.f32.msk $0xffff, v3;
	v2 =	vmul.f32 v37, v13  }
0x30b: {  	[tilespmem:v31+s16+$0x0] =	vst.idx.add.f32.msk $0xffff, v5  }
0x30c: {  	[tilespmem:v32+s16+$0x0] =	vst.idx.add.f32.msk $0xffff, v2  }
0x30d: {  	v38 =	vunpack.i.l.bf16.f32 v36;
	v2 =	vadd.s32 $0x2710, v33;
	v3 =	vld.idx.msk [tilespmem:v35+s21+$0x0], $0xffff  }
0x30e: {  	v39 =	vadd.s32 $0x2710, v28;
	v9 =	vld.idx.msk [tilespmem:v42+s13+$0x0], $0xffff;
	v4 =	vmul.f32 v38, v10  }
0x30f: {  	v40 =	vunpack.i.u.bf16.f32 v36;
	v42 =	vld [tilespmem:s23+$0xFFFFE710]  }
0x310: {  	v43 =	vadd.s32 $0x4E20, v31;
	v7 =	vmul.f32 v40, v10;
	[tilespmem:v33+s16+$0x0] =	vst.idx.add.f32.msk $0xffff, v4  }
0x311: {  	v5 =	vadd.s32 $0x2710, v44;
	v44 =	vld [tilespmem:s23+$0x10]  }
0x312: {  	v45 =	vadd.s32 $0x7530, v31;
	[tilespmem:v2+s16+$0x0] =	vst.idx.add.f32.msk $0xffff, v7;
	v47 =	vunpack.i.l.bf16.f32 v3  }
0x313: {  	v2 =	vld.idx.msk [tilespmem:v39+s21+$0x0], $0xffff;
	v12 =	vmul.f32 v47, v13  }
0x314: {  	v3 =	vunpack.i.u.bf16.f32 v3;
	v47 =	vld [tilespmem:s23+$0x1920]  }
0x315: {  	v16 =	vadd.s32 $0x2710, v48;
	v3 =	vmul.f32 v3, v13;
	[tilespmem:v43+s16+$0x0] =	vst.idx.add.f32.msk $0xffff, v12  }
0x316: {  	v49 =	vadd.s32 $0x4E20, v33;
	v51 =	vunpack.i.l.bf16.f32 v15;
	v43 =	vld [tilespmem:s23+$0x1910]  }
0x317: {  	v54 =	vadd.s32 $0x2710, v50;
	v53 =	vunpack.i.u.bf16.f32 v15;
	v12 =	vmul.f32 v51, v9;
	[tilespmem:v45+s16+$0x0] =	vst.idx.add.f32.msk $0xffff, v3  }
0x318: {  	v4 =	vmul.f32 v53, v9;
	v45 =	vld [tilespmem:s23+$0xFFFFE720];
	v3 =	vunpack.i.l.bf16.f32 v2  }
0x319: {  	v6 =	vadd.s32 $0x7530, v33;
	[tilespmem:v48+s16+$0x0] =	vst.idx.add.f32.msk $0xffff, v12;
	v3 =	vmul.f32 v3, v10  }
0x31a: {  	[tilespmem:v16+s16+$0x0] =	vst.idx.add.f32.msk $0xffff, v4;
	v4 =	vmul.f32 v57, v11  }
0x31b: {  	v2 =	vunpack.i.u.bf16.f32 v2;
	[tilespmem:v49+s16+$0x0] =	vst.idx.add.f32.msk $0xffff, v3;
	v3 =	vadd.s32 $0x2710, v41  }
0x31c: {  	v2 =	vmul.f32 v2, v10;
	[tilespmem:v54+s16+$0x0] =	vst.idx.add.f32.msk $0xffff, v4  }
0x31d: {  	v5 =	vld.idx.msk [tilespmem:v5+s21+$0x0], $0xffff  }
0x31e: {  	[tilespmem:v6+s16+$0x0] =	vst.idx.add.f32.msk $0xffff, v2  }
0x31f: {  	v7 =	vadd.s32 $0x7530, v50;
	v2 =	vadd.s32 $0x4E20, v50;
	v50 =	vld [tilespmem:s23+$0x1930]  }
0x320: {  	v3 =	vld.idx.msk [tilespmem:v3+s21+$0x0], $0xffff  }
0x321: {  	v59 =	vadd.s32 $0x4E20, v48;
	v14 =	vadd.s32 $0x7530, v48;
	v25 =	vunpack.i.u.bf16.f32 v62;
	v48 =	vld.idx.msk [tilespmem:v42+s21+$0x0], $0xffff  }
0x322: {  	v12 =	vmul.f32 v25, v63;
	v25 =	vld.idx.msk [tilespmem:v18+s21+$0x0], $0xffff  }
0x323: {  	v54 =	vld [tilespmem:s23+$0x30];
	v19 =	vunpack.i.l.bf16.f32 v5  }
0x324: {  	v6 =	vadd.s32 $0x2710, v20;
	v20 =	vld [tilespmem:s23+$0x1940];
	v4 =	vmul.f32 v19, v11  }
0x325: {  	v53 =	vld.idx.msk [tilespmem:v45+s21+$0x0], $0xffff;
	v61 =	vunpack.i.l.bf16.f32 v3  }
0x326: {  	[tilespmem:v2+s16+$0x0] =	vst.idx.add.f32.msk $0xffff, v4;
	v3 =	vunpack.i.u.bf16.f32 v3;
	v10 =	vmul.f32 v61, v9  }
0x327: {  	v13 =	vld.idx.msk [tilespmem:v50+s13+$0x0], $0xffff;
	v3 =	vmul.f32 v3, v9  }
0x328: {  	v21 =	vunpack.i.l.bf16.f32 v62;
	[tilespmem:v59+s16+$0x0] =	vst.idx.add.f32.msk $0xffff, v10  }
0x329: {  	[tilespmem:v14+s16+$0x0] =	vst.idx.add.f32.msk $0xffff, v3;
	v3 =	vmul.f32 v21, v63  }
0x32a: {  	v2 =	vadd.s32 $0x2710, v60;
	v10 =	vld.idx.msk [tilespmem:v22+s13+$0x0], $0xffff  }
0x32b: {  	v23 =	vadd.s32 $0x2710, v55;
	v28 =	vunpack.i.u.bf16.f32 v5;
	[tilespmem:v60+s16+$0x0] =	vst.idx.add.f32.msk $0xffff, v3  }
0x32c: {  	v4 =	vmul.f32 v28, v11;
	v3 =	vld [tilespmem:s23+$0xFFFFE700]  }
0x32d: {  	v9 =	vld.idx.msk [tilespmem:v24+s13+$0x0], $0xffff  }
0x32e: {  	v29 =	vadd.s32 $0x2710, v26;
	v31 =	vunpack.i.l.bf16.f32 v27;
	[tilespmem:v7+s16+$0x0] =	vst.idx.add.f32.msk $0xffff, v4  }
0x32f: {  	[tilespmem:v2+s16+$0x0] =	vst.idx.add.f32.msk $0xffff, v12;
	v11 =	vmul.f32 v31, v10  }
0x330: {  	v14 =	vunpack.i.u.bf16.f32 v27;
	v2 =	vld.idx.msk [tilespmem:v23+s21+$0x0], $0xffff  }
0x331: {  	v35 =	vmul.f32 v14, v10;
	[tilespmem:v26+s16+$0x0] =	vst.idx.add.f32.msk $0xffff, v11  }
0x332: {  	v40 =	vadd.s32 $0x4E20, v26;
	v41 =	vadd.s32 $0x7530, v26;
	v26 =	vld.idx.msk [tilespmem:v20+s13+$0x0], $0xffff  }
0x333: {  	v33 =	vadd.s32 $0x4E20, v60;
	[tilespmem:v29+s16+$0x0] =	vst.idx.add.f32.msk $0xffff, v35  }
0x334: {  	v32 =	vld.idx.msk [tilespmem:v3+s21+$0x0], $0xffff  }
0x335: {  	v35 =	vld [tilespmem:s23+$0x1960];
	v36 =	vunpack.i.l.bf16.f32 v2  }
0x336: {  	v34 =	vadd.s32 $0x7530, v60;
	v6 =	vld.idx.msk [tilespmem:v6+s21+$0x0], $0xffff;
	v2 =	vunpack.i.u.bf16.f32 v2;
	v8 =	vmul.f32 v36, v63  }
0x337: {  	v2 =	vmul.f32 v2, v63;
	v63 =	vld [tilespmem:s23+$0x40]  }
0x338: {  	v37 =	vadd.s32 $0x2710, v30;
	[tilespmem:v33+s16+$0x0] =	vst.idx.add.f32.msk $0xffff, v8  }
0x339: {  	v3 =	vadd.s32 $0x2710, v3;
	v8 =	vld.idx.msk [tilespmem:v43+s13+$0x0], $0xffff;
	v38 =	vunpack.i.l.bf16.f32 v32  }
0x33a: {  	v36 =	vld [tilespmem:s23+$0x50];
	v39 =	vunpack.i.u.bf16.f32 v32;
	v7 =	vmul.f32 v38, v9  }
0x33b: {  	[tilespmem:v34+s16+$0x0] =	vst.idx.add.f32.msk $0xffff, v2;
	v2 =	vmul.f32 v39, v9  }
0x33c: {  	[tilespmem:v30+s16+$0x0] =	vst.idx.add.f32.msk $0xffff, v7  }
0x33d: {  	v49 =	vadd.s32 $0x2710, v44;
	v51 =	vunpack.i.l.bf16.f32 v48;
	[tilespmem:v37+s16+$0x0] =	vst.idx.add.f32.msk $0xffff, v2  }
0x33e: {  	v14 =	vmul.f32 v51, v8;
	v2 =	vunpack.i.l.bf16.f32 v6;
	v6 =	vunpack.i.u.bf16.f32 v6;
	v3 =	vld.idx.msk [tilespmem:v3+s21+$0x0], $0xffff  }
0x33f: {  	v5 =	vadd.s32 $0x2710, v42;
	v2 =	vmul.f32 v2, v10;
	v6 =	vmul.f32 v6, v10;
	v10 =	vld.idx.msk [tilespmem:v47+s13+$0x0], $0xffff  }
0x340: {  	v11 =	vunpack.i.u.bf16.f32 v48;
	v33 =	vld [tilespmem:s23+$0xFFFFE750]  }
0x341: {  	v11 =	vmul.f32 v11, v8;
	[tilespmem:v44+s16+$0x0] =	vst.idx.add.f32.msk $0xffff, v14  }
0x342: {  	[tilespmem:v40+s16+$0x0] =	vst.idx.add.f32.msk $0xffff, v2;
	v2 =	vadd.s32 $0x4E20, v30  }
0x343: {  	v55 =	vunpack.i.l.bf16.f32 v53;
	[tilespmem:v49+s16+$0x0] =	vst.idx.add.f32.msk $0xffff, v11  }
0x344: {  	v57 =	vadd.s32 $0x2710, v52;
	v5 =	vld.idx.msk [tilespmem:v5+s21+$0x0], $0xffff;
	v46 =	vunpack.i.l.bf16.f32 v3;
	v11 =	vmul.f32 v55, v10  }
0x345: {  	[tilespmem:v41+s16+$0x0] =	vst.idx.add.f32.msk $0xffff, v6;
	v6 =	vadd.s32 $0x2710, v45;
	v7 =	vmul.f32 v46, v9  }
0x346: {  	v16 =	vunpack.i.u.bf16.f32 v53;
	[tilespmem:v52+s16+$0x0] =	vst.idx.add.f32.msk $0xffff, v11  }
0x347: {  	v58 =	vmul.f32 v16, v10;
	[tilespmem:v2+s16+$0x0] =	vst.idx.add.f32.msk $0xffff, v7  }
0x348: {  	v2 =	vld [tilespmem:s23+$0xFFFFE730]  }
0x349: {  	v12 =	vadd.s32 $0x7530, v30;
	[tilespmem:v57+s16+$0x0] =	vst.idx.add.f32.msk $0xffff, v58  }
0x34a: {  	v62 =	vadd.s32 $0x4E20, v44;
	v6 =	vld.idx.msk [tilespmem:v6+s21+$0x0], $0xffff  }
0x34b: {  	v4 =	vadd.s32 $0x7530, v44;
	v34 =	vld [tilespmem:s23+$0x1950];
	v3 =	vunpack.i.u.bf16.f32 v3  }
0x34c: {  	v38 =	vld [tilespmem:s23+$0x1970];
	v3 =	vmul.f32 v3, v9;
	v23 =	vunpack.i.l.bf16.f32 v5  }
0x34d: {  	v24 =	vadd.s32 $0x4E20, v52;
	v37 =	vld [tilespmem:s23+$0xFFFFE770];
	v5 =	vunpack.i.u.bf16.f32 v5;
	v9 =	vmul.f32 v23, v8  }
0x34e: {  	v15 =	vadd.s32 $0x7530, v52;
	[tilespmem:v12+s16+$0x0] =	vst.idx.add.f32.msk $0xffff, v3;
	v3 =	vmul.f32 v5, v8  }
0x34f: {  	[tilespmem:v62+s16+$0x0] =	vst.idx.add.f32.msk $0xffff, v9;
	v27 =	vunpack.i.l.bf16.f32 v6  }
0x350: {  	[tilespmem:v4+s16+$0x0] =	vst.idx.add.f32.msk $0xffff, v3;
	v6 =	vunpack.i.u.bf16.f32 v6;
	v5 =	vmul.f32 v27, v10  }
0x351: {  	v3 =	vmul.f32 v6, v10;
	v56 =	vld.idx.msk [tilespmem:v2+s21+$0x0], $0xffff  }
0x352: {  	v31 =	vadd.s32 $0x2710, v63;
	v30 =	vunpack.i.l.bf16.f32 v25;
	[tilespmem:v24+s16+$0x0] =	vst.idx.add.f32.msk $0xffff, v5  }
0x353: {  	[tilespmem:v15+s16+$0x0] =	vst.idx.add.f32.msk $0xffff, v3;
	v3 =	vmul.f32 v30, v26  }
0x354: {  	v32 =	vunpack.i.u.bf16.f32 v25;
	v39 =	vld.idx.msk [tilespmem:v33+s21+$0x0], $0xffff  }
0x355: {  	[tilespmem:v63+s16+$0x0] =	vst.idx.add.f32.msk $0xffff, v3;
	v3 =	vmul.f32 v32, v26  }
0x356: {  	v59 =	vadd.s32 $0x2710, v54;
	v45 =	vld [tilespmem:s23+$0x70]  }
0x357: {  	v2 =	vadd.s32 $0x2710, v2;
	v19 =	vunpack.i.l.bf16.f32 v56;
	[tilespmem:v31+s16+$0x0] =	vst.idx.add.f32.msk $0xffff, v3  }
0x358: {  	v60 =	vunpack.i.u.bf16.f32 v56;
	v61 =	vmul.f32 v19, v13;
	v3 =	vld [tilespmem:s23+$0xFFFFE760]  }
0x359: {  	v6 =	vld.idx.msk [tilespmem:v34+s13+$0x0], $0xffff;
	v11 =	vmul.f32 v60, v13  }
0x35a: {  	[tilespmem:v54+s16+$0x0] =	vst.idx.add.f32.msk $0xffff, v61  }
0x35b: {  	[tilespmem:v59+s16+$0x0] =	vst.idx.add.f32.msk $0xffff, v11  }
0x35c: {  	v2 =	vld.idx.msk [tilespmem:v2+s21+$0x0], $0xffff  }
0x35d: {  	v21 =	vld.idx.msk [tilespmem:v37+s21+$0x0], $0xffff  }
0x35e: {  	v10 =	vld.idx.msk [tilespmem:v38+s13+$0x0], $0xffff  }
0x35f: {  	v28 =	vadd.s32 $0x4E20, v54;
	v40 =	vld [tilespmem:s23+$0x60]  }
0x360: {  	v44 =	vunpack.i.l.bf16.f32 v39;
	v41 =	vld.idx.msk [tilespmem:v3+s21+$0x0], $0xffff  }
0x361: {  	v43 =	vadd.s32 $0x2710, v18;
	v5 =	vld.idx.msk [tilespmem:v35+s13+$0x0], $0xffff;
	v18 =	vmul.f32 v44, v6;
	v29 =	vunpack.i.l.bf16.f32 v2  }
0x362: {  	v42 =	vadd.s32 $0x2710, v36;
	v50 =	vunpack.i.l.bf16.f32 v21;
	v4 =	vmul.f32 v29, v13  }
0x363: {  	v52 =	vmul.f32 v50, v10;
	[tilespmem:v36+s16+$0x0] =	vst.idx.add.f32.msk $0xffff, v18  }
0x364: {  	v11 =	vunpack.i.u.bf16.f32 v39;
	[tilespmem:v28+s16+$0x0] =	vst.idx.add.f32.msk $0xffff, v4;
	v4 =	vadd.s32 $0x2710, v33  }
0x365: {  	v22 =	vadd.s32 $0x2710, v40;
	[tilespmem:v45+s16+$0x0] =	vst.idx.add.f32.msk $0xffff, v52;
	v11 =	vmul.f32 v11, v6;
	v46 =	vunpack.i.l.bf16.f32 v41  }
0x366: {  	v49 =	vld.idx.msk [tilespmem:v43+s21+$0x0], $0xffff;
	v3 =	vadd.s32 $0x2710, v3;
	v48 =	vmul.f32 v46, v5  }
0x367: {  	v51 =	vadd.s32 $0x2710, v45;
	[tilespmem:v42+s16+$0x0] =	vst.idx.add.f32.msk $0xffff, v11;
	v47 =	vunpack.i.u.bf16.f32 v41  }
0x368: {  	v9 =	vadd.s32 $0x2710, v37;
	v11 =	vmul.f32 v47, v5;
	[tilespmem:v40+s16+$0x0] =	vst.idx.add.f32.msk $0xffff, v48  }
0x369: {  	v7 =	vadd.s32 $0x7530, v54;
	v53 =	vunpack.i.u.bf16.f32 v21;
	v4 =	vld.idx.msk [tilespmem:v4+s21+$0x0], $0xffff  }
0x36a: {  	v15 =	vmul.f32 v53, v10;
	v54 =	vadd.s32 $0x4E20, v63;
	[tilespmem:v22+s16+$0x0] =	vst.idx.add.f32.msk $0xffff, v11  }
0x36b: {  	v14 =	vadd.s32 $0x7530, v63;
	v2 =	vunpack.i.u.bf16.f32 v2;
	v3 =	vld.idx.msk [tilespmem:v3+s21+$0x0], $0xffff  }
0x36c: {  	v56 =	vadd.s32 $0x4E20, v36;
	[tilespmem:v51+s16+$0x0] =	vst.idx.add.f32.msk $0xffff, v15;
	v55 =	vunpack.i.l.bf16.f32 v49;
	v2 =	vmul.f32 v2, v13  }
0x36d: {  	v8 =	vadd.s32 $0x7530, v36;
	v9 =	vld.idx.msk [tilespmem:v9+s21+$0x0], $0xffff;
	v16 =	vunpack.i.u.bf16.f32 v49;
	v13 =	vmul.f32 v55, v26  }
0x36e: {  	v58 =	vadd.s32 $0x4E20, v40;
	[tilespmem:v7+s16+$0x0] =	vst.idx.add.f32.msk $0xffff, v2;
	v2 =	vmul.f32 v16, v26;
	v57 =	vunpack.i.l.bf16.f32 v4  }
0x36f: {  	v59 =	vadd.s32 $0x7530, v40;
	[tilespmem:v54+s16+$0x0] =	vst.idx.add.f32.msk $0xffff, v13;
	v4 =	vunpack.i.u.bf16.f32 v4;
	v7 =	vmul.f32 v57, v6  }
0x370: {  	s22 =	sadd.s32 $0x10, s22;
	v61 =	vadd.s32 $0x4E20, v45;
	[tilespmem:v14+s16+$0x0] =	vst.idx.add.f32.msk $0xffff, v2;
	v2 =	vmul.f32 v4, v6;
	v60 =	vunpack.i.l.bf16.f32 v3  }
0x371: {  	p0 =	slt.u32 s22, $0xB0;
	v62 =	vadd.s32 $0x7530, v45;
	v3 =	vunpack.i.u.bf16.f32 v3;
	v4 =	vmul.f32 v60, v5;
	[tilespmem:v56+s16+$0x0] =	vst.idx.add.f32.msk $0xffff, v7  }
.Ltmp24:
0x372: {  	[tilespmem:v8+s16+$0x0] =	vst.idx.add.f32.msk $0xffff, v2;
	v2 =	vmul.f32 v3, v5;
	v3 =	vunpack.i.l.bf16.f32 v9;
	(pc) =	sbr.rel @p0 .LBB2_50-.Ltmp24, $4  }
0x373: {  	v63 =	vunpack.i.u.bf16.f32 v9;
	[tilespmem:v58+s16+$0x0] =	vst.idx.add.f32.msk $0xffff, v4;
	v3 =	vmul.f32 v3, v10  }
0x374: {  	[tilespmem:v59+s16+$0x0] =	vst.idx.add.f32.msk $0xffff, v2;
	v2 =	vmul.f32 v63, v10  }
0x375: {  	[tilespmem:v61+s16+$0x0] =	vst.idx.add.f32.msk $0xffff, v3  }
0x376: {  	s24 =	simm.s32 $0x1800;
	s23 =	sadd.s32 $0x200, s23;
	[tilespmem:v62+s16+$0x0] =	vst.idx.add.f32.msk $0xffff, v2  }
.LBB2_51:
0x377: {  	s22 =	sshll.u32 s24, $0x2  }
0x378: {  	s22 =	sand.u32 $0xFFFFFC00, s22  }
0x379: {  	s22 =	sadd.s32 s22, s21  }
0x37a: {  	s22 =	sshra.s32 s22, $0x2  }
0x37b: {  	v2 =	vld [tilespmem:s22+$0x18800]  }
0x37c: {  	v3 =	vld [tilespmem:s22+$0x1BA00];
	_ =	sdelay $0x5  }
0x37d: {  	v4 =	vld [tilespmem:s22+$0x1A100]  }
0x37e: {  	v5 =	vld.idx.msk [tilespmem:v2+s3+$0x0], $0xffff  }
0x37f: {  	v3 =	vld.idx.msk [tilespmem:v3+s13+$0x0], $0xffff;
	_ =	sdelay $0x2  }
0x380: {  	v6 =	vadd.s32 $0x2710, v4  }
0x381: {  	v2 =	vadd.s32 $0x2710, v2;
	v7 =	vunpack.i.l.bf16.f32 v5  }
0x382: {  	v5 =	vunpack.i.u.bf16.f32 v5;
	v7 =	vmul.f32 v7, v3  }
0x383: {  	v5 =	vmul.f32 v5, v3  }
0x384: {  	[tilespmem:v4+s16+$0x0] =	vst.idx.add.f32.msk $0xffff, v7  }
0x385: {  	[tilespmem:v6+s16+$0x0] =	vst.idx.add.f32.msk $0xffff, v5  }
0x386: {  	v2 =	vld.idx.msk [tilespmem:v2+s3+$0x0], $0xffff;
	_ =	sdelay $0x2  }
0x387: {  	v62 =	vadd.s32 $0x4E20, v4  }
0x388: {  	p0 =	sne.s32 s24, $0x18E0;
	v4 =	vadd.s32 $0x7530, v4  }
.Ltmp25:
0x389: {  	v63 =	vunpack.i.l.bf16.f32 v2;
	(pc) =	sbr.rel @p0 .LBB2_51-.Ltmp25, $4  }
0x38a: {  	v2 =	vunpack.i.u.bf16.f32 v2;
	v6 =	vmul.f32 v63, v3  }
0x38b: {  	v2 =	vmul.f32 v2, v3  }
0x38c: {  	[tilespmem:v62+s16+$0x0] =	vst.idx.add.f32.msk $0xffff, v6  }
0x38d: {  	s24 =	sadd.s32 $0x20, s24;
	s21 =	sadd.s32 $0x40, s21;
	[tilespmem:v4+s16+$0x0] =	vst.idx.add.f32.msk $0xffff, v2  }
0x38e: {  	s20 =	sadd.s32 $0x3, s20  }
0x38f: {  	s21 =	sshrl.u32 s20, $0x3  }
0x390: {  	s20 =	sshll.u32 s20, $0x7;
	s21 =	smul.u32 $0x12C00, s21  }
0x391: {  	s20 =	sand.u32 $0x380, s20  }
0x392: {  	s20 =	sor.u32 s20, s21  }
0x393: {  	s20 =	sshrl.u32 s20, $0x3  }
0x394: {  	s22 =	simm.s32 $0x80;
	s20 =	sadd.s32 s2, s20  }
0x395: {  	s23 =	simm.s32 $0x18900;
	s21 =	simm.s32 $0x18800;
	s24 =	sadd.s32 $0x0, s20  }
.LBB2_53:
0x396: {  	[tilespmem:s21], [sflag:$0x2] =	stream.linear.gather [hbm4b:s24+s3], $0x80, $0x38;
	[tilespmem:$0x1D280] =	vst v63  }
0x397: {  	s24 =	smov.u32 s22;
	s21 =	smov.u32 s23;
	p0 =	sne.s32 s22, $0x2500  }
.Ltmp26:
0x398: {  	s22 =	sadd.s32 $0x80, s22;
	(pc) =	sbr.rel @p0 .LBB2_53-.Ltmp26, $2  }
0x399: {  	_ =	sdelay $0x2  }
0x39a: {  	s23 =	sadd.s32 $0x100, s23;
	s24 =	sadd.s32 s24, s20  }
0x39b: {  	s19 =	sadd.s32 $0x1, s19  }
0x39c: {  	p0 =	sne.s32 s19, $0x31  }
.Ltmp27:
0x39d: {  	_ = 	snop;
	(pc) =	sbr.rel @p0 .LBB2_44-.Ltmp27, $2  }
0x39e: {  	_ =	sdelay $0x2  }
0x39f: {  	[tilespmem:s21], [sflag:$0x2] =	stream.linear.gather [hbm4b:s24+s3], $0x80, $0x38;
	[tilespmem:$0x1D280] =	vst v63  }
0x3a0: {  	_ =	swait.ge [sflag:s12], $0x2580  }
0x3a1: {  	[sflag:s12] =	ssyncset.done $0x0  }
0x3a2: {  	s20 =	simm.s32 $0xFFFFFFF0;
	s21 =	simm.s32 $0x1A180;
	[sflag:s12] =	ssyncadd.s32 $0xFFFFDA80  }
.LBB2_56:
0x3a3: {  	v2 =	vld [tilespmem:s21+$0xFFFFE600]  }
0x3a4: {  	v3 =	vld [tilespmem:s21+$0x1800]  }
0x3a5: {  	v4 =	vld [tilespmem:s21+$0xFFFFE610]  }
0x3a6: {  	v5 =	vld [tilespmem:s21+$0x1810]  }
0x3a7: {  	v6 =	vld [tilespmem:s21+$0xFFFFFF00]  }
0x3a8: {  	v9 =	vld [tilespmem:s21+$0xFFFFFF10]  }
0x3a9: {  	v27 =	vld [tilespmem:s21+$0xFFFFE620]  }
0x3aa: {  	v13 =	vld [tilespmem:s21+$0x1820]  }
0x3ab: {  	v28 =	vld [tilespmem:s21+$0xFFFFE630]  }
0x3ac: {  	v30 =	vld [tilespmem:s21+$0x1830]  }
0x3ad: {  	v31 =	vld [tilespmem:s21+$0xFFFFFF20]  }
0x3ae: {  	v33 =	vld [tilespmem:s21+$0xFFFFFF30]  }
0x3af: {  	v41 =	vld [tilespmem:s21+$0xFFFFE640]  }
0x3b0: {  	v42 =	vld [tilespmem:s21+$0x1840]  }
0x3b1: {  	v44 =	vld [tilespmem:s21+$0xFFFFE650]  }
0x3b2: {  	v46 =	vld [tilespmem:s21+$0x1850]  }
0x3b3: {  	v48 =	vld [tilespmem:s21+$0xFFFFFF40]  }
0x3b4: {  	v50 =	vld [tilespmem:s21+$0xFFFFFF50]  }
0x3b5: {  	v55 =	vld [tilespmem:s21+$0xFFFFE660]  }
0x3b6: {  	v17 =	vld [tilespmem:s21+$0x1860]  }
0x3b7: {  	v60 =	vld [tilespmem:s21+$0xFFFFFF60]  }
0x3b8: {  	v20 =	vld [tilespmem:s21+$0xFFFFE670]  }
0x3b9: {  	v22 =	vld [tilespmem:s21+$0x1870]  }
0x3ba: {  	s19 =	simm.s32 $0x0;
	v18 =	vld [tilespmem:s21+$0xFFFFE740]  }
0x3bb: {  	v7 =	vld.idx.msk [tilespmem:v2+s19+$0x0], $0xffff  }
0x3bc: {  	v3 =	vld.idx.msk [tilespmem:v3+s13+$0x0], $0xffff  }
0x3bd: {  	v11 =	vld.idx.msk [tilespmem:v4+s19+$0x0], $0xffff  }
0x3be: {  	v5 =	vld.idx.msk [tilespmem:v5+s13+$0x0], $0xffff  }
0x3bf: {  	v14 =	vld.idx.msk [tilespmem:v27+s19+$0x0], $0xffff  }
0x3c0: {  	v13 =	vld.idx.msk [tilespmem:v13+s13+$0x0], $0xffff  }
0x3c1: {  	v36 =	vld.idx.msk [tilespmem:v28+s19+$0x0], $0xffff  }
0x3c2: {  	v15 =	vld.idx.msk [tilespmem:v41+s19+$0x0], $0xffff  }
0x3c3: {  	v8 =	vadd.s32 $0x2710, v6;
	v52 =	vld.idx.msk [tilespmem:v44+s19+$0x0], $0xffff  }
0x3c4: {  	v2 =	vadd.s32 $0x2710, v2;
	v62 =	vld.idx.msk [tilespmem:v55+s19+$0x0], $0xffff;
	v10 =	vunpack.i.l.bf16.f32 v7  }
0x3c5: {  	v63 =	vld.idx.msk [tilespmem:v17+s13+$0x0], $0xffff;
	v7 =	vunpack.i.u.bf16.f32 v7;
	v10 =	vmul.f32 v10, v3  }
0x3c6: {  	v24 =	vadd.s32 $0x2710, v9;
	v35 =	vadd.s32 $0x2710, v27;
	v27 =	vld.idx.msk [tilespmem:v20+s19+$0x0], $0xffff;
	v7 =	vmul.f32 v7, v3  }
0x3c7: {  	v4 =	vadd.s32 $0x2710, v4;
	v23 =	vunpack.i.l.bf16.f32 v11;
	[tilespmem:v6+s16+$0x0] =	vst.idx.add.f32.msk $0xffff, v10  }
0x3c8: {  	v11 =	vunpack.i.u.bf16.f32 v11;
	[tilespmem:v8+s16+$0x0] =	vst.idx.add.f32.msk $0xffff, v7;
	v7 =	vmul.f32 v23, v5  }
0x3c9: {  	v26 =	vmul.f32 v11, v5;
	v2 =	vld.idx.msk [tilespmem:v2+s19+$0x0], $0xffff  }
0x3ca: {  	[tilespmem:v9+s16+$0x0] =	vst.idx.add.f32.msk $0xffff, v7  }
0x3cb: {  	[tilespmem:v24+s16+$0x0] =	vst.idx.add.f32.msk $0xffff, v26  }
0x3cc: {  	v25 =	vadd.s32 $0x4E20, v6;
	v4 =	vld.idx.msk [tilespmem:v4+s19+$0x0], $0xffff  }
0x3cd: {  	v56 =	vunpack.i.l.bf16.f32 v52;
	v57 =	vunpack.i.u.bf16.f32 v52;
	v52 =	vld [tilespmem:s21+$0x20];
	v6 =	vadd.s32 $0x7530, v6  }
0x3ce: {  	v11 =	vld.idx.msk [tilespmem:v46+s13+$0x0], $0xffff;
	v12 =	vunpack.i.l.bf16.f32 v2  }
0x3cf: {  	v29 =	vadd.s32 $0x4E20, v9;
	v10 =	vld.idx.msk [tilespmem:v30+s13+$0x0], $0xffff;
	v2 =	vunpack.i.u.bf16.f32 v2;
	v12 =	vmul.f32 v12, v3  }
0x3d0: {  	v30 =	vld [tilespmem:s21+$0x0];
	v2 =	vmul.f32 v2, v3  }
0x3d1: {  	[tilespmem:v25+s16+$0x0] =	vst.idx.add.f32.msk $0xffff, v12;
	v3 =	vunpack.i.l.bf16.f32 v4  }
0x3d2: {  	v3 =	vmul.f32 v3, v5;
	[tilespmem:v6+s16+$0x0] =	vst.idx.add.f32.msk $0xffff, v2;
	v2 =	vadd.s32 $0x7530, v9  }
0x3d3: {  	v24 =	vld [tilespmem:s21+$0x1900]  }
0x3d4: {  	v32 =	vadd.s32 $0x2710, v31;
	v58 =	vmul.f32 v56, v11;
	[tilespmem:v29+s16+$0x0] =	vst.idx.add.f32.msk $0xffff, v3;
	v3 =	vunpack.i.u.bf16.f32 v4  }
0x3d5: {  	v34 =	vunpack.i.l.bf16.f32 v14;
	v26 =	vld [tilespmem:s21+$0xFFFFFF70];
	v3 =	vmul.f32 v3, v5  }
0x3d6: {  	v37 =	vunpack.i.u.bf16.f32 v14;
	[tilespmem:v50+s16+$0x0] =	vst.idx.add.f32.msk $0xffff, v58;
	v5 =	vmul.f32 v34, v13  }
0x3d7: {  	[tilespmem:v2+s16+$0x0] =	vst.idx.add.f32.msk $0xffff, v3;
	v2 =	vmul.f32 v37, v13  }
0x3d8: {  	[tilespmem:v31+s16+$0x0] =	vst.idx.add.f32.msk $0xffff, v5  }
0x3d9: {  	[tilespmem:v32+s16+$0x0] =	vst.idx.add.f32.msk $0xffff, v2  }
0x3da: {  	v38 =	vunpack.i.l.bf16.f32 v36;
	v2 =	vadd.s32 $0x2710, v33;
	v3 =	vld.idx.msk [tilespmem:v35+s19+$0x0], $0xffff  }
0x3db: {  	v39 =	vadd.s32 $0x2710, v28;
	v9 =	vld.idx.msk [tilespmem:v42+s13+$0x0], $0xffff;
	v4 =	vmul.f32 v38, v10  }
0x3dc: {  	v40 =	vunpack.i.u.bf16.f32 v36;
	v42 =	vld [tilespmem:s21+$0xFFFFE710]  }
0x3dd: {  	v43 =	vadd.s32 $0x4E20, v31;
	v7 =	vmul.f32 v40, v10;
	[tilespmem:v33+s16+$0x0] =	vst.idx.add.f32.msk $0xffff, v4  }
0x3de: {  	v5 =	vadd.s32 $0x2710, v44;
	v44 =	vld [tilespmem:s21+$0x10]  }
0x3df: {  	v45 =	vadd.s32 $0x7530, v31;
	[tilespmem:v2+s16+$0x0] =	vst.idx.add.f32.msk $0xffff, v7;
	v47 =	vunpack.i.l.bf16.f32 v3  }
0x3e0: {  	v2 =	vld.idx.msk [tilespmem:v39+s19+$0x0], $0xffff;
	v12 =	vmul.f32 v47, v13  }
0x3e1: {  	v3 =	vunpack.i.u.bf16.f32 v3;
	v47 =	vld [tilespmem:s21+$0x1920]  }
0x3e2: {  	v16 =	vadd.s32 $0x2710, v48;
	v3 =	vmul.f32 v3, v13;
	[tilespmem:v43+s16+$0x0] =	vst.idx.add.f32.msk $0xffff, v12  }
0x3e3: {  	v49 =	vadd.s32 $0x4E20, v33;
	v51 =	vunpack.i.l.bf16.f32 v15;
	v43 =	vld [tilespmem:s21+$0x1910]  }
0x3e4: {  	v54 =	vadd.s32 $0x2710, v50;
	v53 =	vunpack.i.u.bf16.f32 v15;
	v12 =	vmul.f32 v51, v9;
	[tilespmem:v45+s16+$0x0] =	vst.idx.add.f32.msk $0xffff, v3  }
0x3e5: {  	v4 =	vmul.f32 v53, v9;
	v45 =	vld [tilespmem:s21+$0xFFFFE720];
	v3 =	vunpack.i.l.bf16.f32 v2  }
0x3e6: {  	v6 =	vadd.s32 $0x7530, v33;
	[tilespmem:v48+s16+$0x0] =	vst.idx.add.f32.msk $0xffff, v12;
	v3 =	vmul.f32 v3, v10  }
0x3e7: {  	[tilespmem:v16+s16+$0x0] =	vst.idx.add.f32.msk $0xffff, v4;
	v4 =	vmul.f32 v57, v11  }
0x3e8: {  	v2 =	vunpack.i.u.bf16.f32 v2;
	[tilespmem:v49+s16+$0x0] =	vst.idx.add.f32.msk $0xffff, v3;
	v3 =	vadd.s32 $0x2710, v41  }
0x3e9: {  	v2 =	vmul.f32 v2, v10;
	[tilespmem:v54+s16+$0x0] =	vst.idx.add.f32.msk $0xffff, v4  }
0x3ea: {  	v5 =	vld.idx.msk [tilespmem:v5+s19+$0x0], $0xffff  }
0x3eb: {  	[tilespmem:v6+s16+$0x0] =	vst.idx.add.f32.msk $0xffff, v2  }
0x3ec: {  	v7 =	vadd.s32 $0x7530, v50;
	v2 =	vadd.s32 $0x4E20, v50;
	v50 =	vld [tilespmem:s21+$0x1930]  }
0x3ed: {  	v3 =	vld.idx.msk [tilespmem:v3+s19+$0x0], $0xffff  }
0x3ee: {  	v59 =	vadd.s32 $0x4E20, v48;
	v14 =	vadd.s32 $0x7530, v48;
	v25 =	vunpack.i.u.bf16.f32 v62;
	v48 =	vld.idx.msk [tilespmem:v42+s19+$0x0], $0xffff  }
0x3ef: {  	v12 =	vmul.f32 v25, v63;
	v25 =	vld.idx.msk [tilespmem:v18+s19+$0x0], $0xffff  }
0x3f0: {  	v54 =	vld [tilespmem:s21+$0x30];
	v19 =	vunpack.i.l.bf16.f32 v5  }
0x3f1: {  	v6 =	vadd.s32 $0x2710, v20;
	v20 =	vld [tilespmem:s21+$0x1940];
	v4 =	vmul.f32 v19, v11  }
0x3f2: {  	v53 =	vld.idx.msk [tilespmem:v45+s19+$0x0], $0xffff;
	v61 =	vunpack.i.l.bf16.f32 v3  }
0x3f3: {  	[tilespmem:v2+s16+$0x0] =	vst.idx.add.f32.msk $0xffff, v4;
	v3 =	vunpack.i.u.bf16.f32 v3;
	v10 =	vmul.f32 v61, v9  }
0x3f4: {  	v13 =	vld.idx.msk [tilespmem:v50+s13+$0x0], $0xffff;
	v3 =	vmul.f32 v3, v9  }
0x3f5: {  	v21 =	vunpack.i.l.bf16.f32 v62;
	[tilespmem:v59+s16+$0x0] =	vst.idx.add.f32.msk $0xffff, v10  }
0x3f6: {  	[tilespmem:v14+s16+$0x0] =	vst.idx.add.f32.msk $0xffff, v3;
	v3 =	vmul.f32 v21, v63  }
0x3f7: {  	v2 =	vadd.s32 $0x2710, v60;
	v10 =	vld.idx.msk [tilespmem:v22+s13+$0x0], $0xffff  }
0x3f8: {  	v23 =	vadd.s32 $0x2710, v55;
	v28 =	vunpack.i.u.bf16.f32 v5;
	[tilespmem:v60+s16+$0x0] =	vst.idx.add.f32.msk $0xffff, v3  }
0x3f9: {  	v4 =	vmul.f32 v28, v11;
	v3 =	vld [tilespmem:s21+$0xFFFFE700]  }
0x3fa: {  	v9 =	vld.idx.msk [tilespmem:v24+s13+$0x0], $0xffff  }
0x3fb: {  	v29 =	vadd.s32 $0x2710, v26;
	v31 =	vunpack.i.l.bf16.f32 v27;
	[tilespmem:v7+s16+$0x0] =	vst.idx.add.f32.msk $0xffff, v4  }
0x3fc: {  	[tilespmem:v2+s16+$0x0] =	vst.idx.add.f32.msk $0xffff, v12;
	v11 =	vmul.f32 v31, v10  }
0x3fd: {  	v14 =	vunpack.i.u.bf16.f32 v27;
	v2 =	vld.idx.msk [tilespmem:v23+s19+$0x0], $0xffff  }
0x3fe: {  	v35 =	vmul.f32 v14, v10;
	[tilespmem:v26+s16+$0x0] =	vst.idx.add.f32.msk $0xffff, v11  }
0x3ff: {  	v40 =	vadd.s32 $0x4E20, v26;
	v41 =	vadd.s32 $0x7530, v26;
	v26 =	vld.idx.msk [tilespmem:v20+s13+$0x0], $0xffff  }
0x400: {  	v33 =	vadd.s32 $0x4E20, v60;
	[tilespmem:v29+s16+$0x0] =	vst.idx.add.f32.msk $0xffff, v35  }
0x401: {  	v32 =	vld.idx.msk [tilespmem:v3+s19+$0x0], $0xffff  }
0x402: {  	v35 =	vld [tilespmem:s21+$0x1960];
	v36 =	vunpack.i.l.bf16.f32 v2  }
0x403: {  	v34 =	vadd.s32 $0x7530, v60;
	v6 =	vld.idx.msk [tilespmem:v6+s19+$0x0], $0xffff;
	v2 =	vunpack.i.u.bf16.f32 v2;
	v8 =	vmul.f32 v36, v63  }
0x404: {  	v2 =	vmul.f32 v2, v63;
	v63 =	vld [tilespmem:s21+$0x40]  }
0x405: {  	v37 =	vadd.s32 $0x2710, v30;
	[tilespmem:v33+s16+$0x0] =	vst.idx.add.f32.msk $0xffff, v8  }
0x406: {  	v3 =	vadd.s32 $0x2710, v3;
	v8 =	vld.idx.msk [tilespmem:v43+s13+$0x0], $0xffff;
	v38 =	vunpack.i.l.bf16.f32 v32  }
0x407: {  	v36 =	vld [tilespmem:s21+$0x50];
	v39 =	vunpack.i.u.bf16.f32 v32;
	v7 =	vmul.f32 v38, v9  }
0x408: {  	[tilespmem:v34+s16+$0x0] =	vst.idx.add.f32.msk $0xffff, v2;
	v2 =	vmul.f32 v39, v9  }
0x409: {  	[tilespmem:v30+s16+$0x0] =	vst.idx.add.f32.msk $0xffff, v7  }
0x40a: {  	v49 =	vadd.s32 $0x2710, v44;
	v51 =	vunpack.i.l.bf16.f32 v48;
	[tilespmem:v37+s16+$0x0] =	vst.idx.add.f32.msk $0xffff, v2  }
0x40b: {  	v14 =	vmul.f32 v51, v8;
	v2 =	vunpack.i.l.bf16.f32 v6;
	v6 =	vunpack.i.u.bf16.f32 v6;
	v3 =	vld.idx.msk [tilespmem:v3+s19+$0x0], $0xffff  }
0x40c: {  	v5 =	vadd.s32 $0x2710, v42;
	v2 =	vmul.f32 v2, v10;
	v6 =	vmul.f32 v6, v10;
	v10 =	vld.idx.msk [tilespmem:v47+s13+$0x0], $0xffff  }
0x40d: {  	v11 =	vunpack.i.u.bf16.f32 v48;
	v33 =	vld [tilespmem:s21+$0xFFFFE750]  }
0x40e: {  	v11 =	vmul.f32 v11, v8;
	[tilespmem:v44+s16+$0x0] =	vst.idx.add.f32.msk $0xffff, v14  }
0x40f: {  	[tilespmem:v40+s16+$0x0] =	vst.idx.add.f32.msk $0xffff, v2;
	v2 =	vadd.s32 $0x4E20, v30  }
0x410: {  	v55 =	vunpack.i.l.bf16.f32 v53;
	[tilespmem:v49+s16+$0x0] =	vst.idx.add.f32.msk $0xffff, v11  }
0x411: {  	v57 =	vadd.s32 $0x2710, v52;
	v5 =	vld.idx.msk [tilespmem:v5+s19+$0x0], $0xffff;
	v46 =	vunpack.i.l.bf16.f32 v3;
	v11 =	vmul.f32 v55, v10  }
0x412: {  	[tilespmem:v41+s16+$0x0] =	vst.idx.add.f32.msk $0xffff, v6;
	v6 =	vadd.s32 $0x2710, v45;
	v7 =	vmul.f32 v46, v9  }
0x413: {  	v16 =	vunpack.i.u.bf16.f32 v53;
	[tilespmem:v52+s16+$0x0] =	vst.idx.add.f32.msk $0xffff, v11  }
0x414: {  	v58 =	vmul.f32 v16, v10;
	[tilespmem:v2+s16+$0x0] =	vst.idx.add.f32.msk $0xffff, v7  }
0x415: {  	v2 =	vld [tilespmem:s21+$0xFFFFE730]  }
0x416: {  	v12 =	vadd.s32 $0x7530, v30;
	[tilespmem:v57+s16+$0x0] =	vst.idx.add.f32.msk $0xffff, v58  }
0x417: {  	v62 =	vadd.s32 $0x4E20, v44;
	v6 =	vld.idx.msk [tilespmem:v6+s19+$0x0], $0xffff  }
0x418: {  	v4 =	vadd.s32 $0x7530, v44;
	v34 =	vld [tilespmem:s21+$0x1950];
	v3 =	vunpack.i.u.bf16.f32 v3  }
0x419: {  	v38 =	vld [tilespmem:s21+$0x1970];
	v3 =	vmul.f32 v3, v9;
	v23 =	vunpack.i.l.bf16.f32 v5  }
0x41a: {  	v24 =	vadd.s32 $0x4E20, v52;
	v37 =	vld [tilespmem:s21+$0xFFFFE770];
	v5 =	vunpack.i.u.bf16.f32 v5;
	v9 =	vmul.f32 v23, v8  }
0x41b: {  	v15 =	vadd.s32 $0x7530, v52;
	[tilespmem:v12+s16+$0x0] =	vst.idx.add.f32.msk $0xffff, v3;
	v3 =	vmul.f32 v5, v8  }
0x41c: {  	[tilespmem:v62+s16+$0x0] =	vst.idx.add.f32.msk $0xffff, v9;
	v27 =	vunpack.i.l.bf16.f32 v6  }
0x41d: {  	[tilespmem:v4+s16+$0x0] =	vst.idx.add.f32.msk $0xffff, v3;
	v6 =	vunpack.i.u.bf16.f32 v6;
	v5 =	vmul.f32 v27, v10  }
0x41e: {  	v3 =	vmul.f32 v6, v10;
	v56 =	vld.idx.msk [tilespmem:v2+s19+$0x0], $0xffff  }
0x41f: {  	v31 =	vadd.s32 $0x2710, v63;
	v30 =	vunpack.i.l.bf16.f32 v25;
	[tilespmem:v24+s16+$0x0] =	vst.idx.add.f32.msk $0xffff, v5  }
0x420: {  	[tilespmem:v15+s16+$0x0] =	vst.idx.add.f32.msk $0xffff, v3;
	v3 =	vmul.f32 v30, v26  }
0x421: {  	v32 =	vunpack.i.u.bf16.f32 v25;
	v39 =	vld.idx.msk [tilespmem:v33+s19+$0x0], $0xffff  }
0x422: {  	[tilespmem:v63+s16+$0x0] =	vst.idx.add.f32.msk $0xffff, v3;
	v3 =	vmul.f32 v32, v26  }
0x423: {  	v59 =	vadd.s32 $0x2710, v54;
	v45 =	vld [tilespmem:s21+$0x70]  }
0x424: {  	v2 =	vadd.s32 $0x2710, v2;
	v19 =	vunpack.i.l.bf16.f32 v56;
	[tilespmem:v31+s16+$0x0] =	vst.idx.add.f32.msk $0xffff, v3  }
0x425: {  	v60 =	vunpack.i.u.bf16.f32 v56;
	v61 =	vmul.f32 v19, v13;
	v3 =	vld [tilespmem:s21+$0xFFFFE760]  }
0x426: {  	v6 =	vld.idx.msk [tilespmem:v34+s13+$0x0], $0xffff;
	v11 =	vmul.f32 v60, v13  }
0x427: {  	[tilespmem:v54+s16+$0x0] =	vst.idx.add.f32.msk $0xffff, v61  }
0x428: {  	[tilespmem:v59+s16+$0x0] =	vst.idx.add.f32.msk $0xffff, v11  }
0x429: {  	v2 =	vld.idx.msk [tilespmem:v2+s19+$0x0], $0xffff  }
0x42a: {  	v21 =	vld.idx.msk [tilespmem:v37+s19+$0x0], $0xffff  }
0x42b: {  	v10 =	vld.idx.msk [tilespmem:v38+s13+$0x0], $0xffff  }
0x42c: {  	v28 =	vadd.s32 $0x4E20, v54;
	v40 =	vld [tilespmem:s21+$0x60]  }
0x42d: {  	v44 =	vunpack.i.l.bf16.f32 v39;
	v41 =	vld.idx.msk [tilespmem:v3+s19+$0x0], $0xffff  }
0x42e: {  	v43 =	vadd.s32 $0x2710, v18;
	v5 =	vld.idx.msk [tilespmem:v35+s13+$0x0], $0xffff;
	v18 =	vmul.f32 v44, v6;
	v29 =	vunpack.i.l.bf16.f32 v2  }
0x42f: {  	v42 =	vadd.s32 $0x2710, v36;
	v50 =	vunpack.i.l.bf16.f32 v21;
	v4 =	vmul.f32 v29, v13  }
0x430: {  	v52 =	vmul.f32 v50, v10;
	[tilespmem:v36+s16+$0x0] =	vst.idx.add.f32.msk $0xffff, v18  }
0x431: {  	v11 =	vunpack.i.u.bf16.f32 v39;
	[tilespmem:v28+s16+$0x0] =	vst.idx.add.f32.msk $0xffff, v4;
	v4 =	vadd.s32 $0x2710, v33  }
0x432: {  	v22 =	vadd.s32 $0x2710, v40;
	[tilespmem:v45+s16+$0x0] =	vst.idx.add.f32.msk $0xffff, v52;
	v11 =	vmul.f32 v11, v6;
	v46 =	vunpack.i.l.bf16.f32 v41  }
0x433: {  	v49 =	vld.idx.msk [tilespmem:v43+s19+$0x0], $0xffff;
	v3 =	vadd.s32 $0x2710, v3;
	v48 =	vmul.f32 v46, v5  }
0x434: {  	v51 =	vadd.s32 $0x2710, v45;
	[tilespmem:v42+s16+$0x0] =	vst.idx.add.f32.msk $0xffff, v11;
	v47 =	vunpack.i.u.bf16.f32 v41  }
0x435: {  	v9 =	vadd.s32 $0x2710, v37;
	v11 =	vmul.f32 v47, v5;
	[tilespmem:v40+s16+$0x0] =	vst.idx.add.f32.msk $0xffff, v48  }
0x436: {  	v7 =	vadd.s32 $0x7530, v54;
	v53 =	vunpack.i.u.bf16.f32 v21;
	v4 =	vld.idx.msk [tilespmem:v4+s19+$0x0], $0xffff  }
0x437: {  	v15 =	vmul.f32 v53, v10;
	v54 =	vadd.s32 $0x4E20, v63;
	[tilespmem:v22+s16+$0x0] =	vst.idx.add.f32.msk $0xffff, v11  }
0x438: {  	v14 =	vadd.s32 $0x7530, v63;
	v2 =	vunpack.i.u.bf16.f32 v2;
	v3 =	vld.idx.msk [tilespmem:v3+s19+$0x0], $0xffff  }
0x439: {  	v56 =	vadd.s32 $0x4E20, v36;
	[tilespmem:v51+s16+$0x0] =	vst.idx.add.f32.msk $0xffff, v15;
	v55 =	vunpack.i.l.bf16.f32 v49;
	v2 =	vmul.f32 v2, v13  }
0x43a: {  	v8 =	vadd.s32 $0x7530, v36;
	v9 =	vld.idx.msk [tilespmem:v9+s19+$0x0], $0xffff;
	v16 =	vunpack.i.u.bf16.f32 v49;
	v13 =	vmul.f32 v55, v26  }
0x43b: {  	v58 =	vadd.s32 $0x4E20, v40;
	[tilespmem:v7+s16+$0x0] =	vst.idx.add.f32.msk $0xffff, v2;
	v2 =	vmul.f32 v16, v26;
	v57 =	vunpack.i.l.bf16.f32 v4  }
0x43c: {  	v59 =	vadd.s32 $0x7530, v40;
	[tilespmem:v54+s16+$0x0] =	vst.idx.add.f32.msk $0xffff, v13;
	v4 =	vunpack.i.u.bf16.f32 v4;
	v7 =	vmul.f32 v57, v6  }
0x43d: {  	s20 =	sadd.s32 $0x10, s20;
	v61 =	vadd.s32 $0x4E20, v45;
	[tilespmem:v14+s16+$0x0] =	vst.idx.add.f32.msk $0xffff, v2;
	v2 =	vmul.f32 v4, v6;
	v60 =	vunpack.i.l.bf16.f32 v3  }
0x43e: {  	p0 =	slt.u32 s20, $0xB0;
	v62 =	vadd.s32 $0x7530, v45;
	v3 =	vunpack.i.u.bf16.f32 v3;
	v4 =	vmul.f32 v60, v5;
	[tilespmem:v56+s16+$0x0] =	vst.idx.add.f32.msk $0xffff, v7  }
.Ltmp28:
0x43f: {  	[tilespmem:v8+s16+$0x0] =	vst.idx.add.f32.msk $0xffff, v2;
	v2 =	vmul.f32 v3, v5;
	v3 =	vunpack.i.l.bf16.f32 v9;
	(pc) =	sbr.rel @p0 .LBB2_56-.Ltmp28, $4  }
0x440: {  	v63 =	vunpack.i.u.bf16.f32 v9;
	[tilespmem:v58+s16+$0x0] =	vst.idx.add.f32.msk $0xffff, v4;
	v3 =	vmul.f32 v3, v10  }
0x441: {  	[tilespmem:v59+s16+$0x0] =	vst.idx.add.f32.msk $0xffff, v2;
	v2 =	vmul.f32 v63, v10  }
0x442: {  	[tilespmem:v61+s16+$0x0] =	vst.idx.add.f32.msk $0xffff, v3  }
0x443: {  	s22 =	simm.s32 $0x1800;
	s21 =	sadd.s32 $0x200, s21;
	[tilespmem:v62+s16+$0x0] =	vst.idx.add.f32.msk $0xffff, v2  }
.LBB2_57:
0x444: {  	s20 =	sshll.u32 s22, $0x2  }
0x445: {  	s20 =	sand.u32 $0xFFFFFC00, s20  }
0x446: {  	s20 =	sadd.s32 s20, s19  }
0x447: {  	s20 =	sshra.s32 s20, $0x2  }
0x448: {  	v2 =	vld [tilespmem:s20+$0x18780]  }
0x449: {  	v3 =	vld [tilespmem:s20+$0x1B980];
	_ =	sdelay $0x5  }
0x44a: {  	v4 =	vld [tilespmem:s20+$0x1A080]  }
0x44b: {  	v5 =	vld.idx.msk [tilespmem:v2+s3+$0x0], $0xffff  }
0x44c: {  	v3 =	vld.idx.msk [tilespmem:v3+s13+$0x0], $0xffff;
	_ =	sdelay $0x2  }
0x44d: {  	v6 =	vadd.s32 $0x2710, v4  }
0x44e: {  	v2 =	vadd.s32 $0x2710, v2;
	v7 =	vunpack.i.l.bf16.f32 v5  }
0x44f: {  	v5 =	vunpack.i.u.bf16.f32 v5;
	v7 =	vmul.f32 v7, v3  }
0x450: {  	v5 =	vmul.f32 v5, v3  }
0x451: {  	[tilespmem:v4+s16+$0x0] =	vst.idx.add.f32.msk $0xffff, v7  }
0x452: {  	[tilespmem:v6+s16+$0x0] =	vst.idx.add.f32.msk $0xffff, v5  }
0x453: {  	v2 =	vld.idx.msk [tilespmem:v2+s3+$0x0], $0xffff;
	_ =	sdelay $0x2  }
0x454: {  	v62 =	vadd.s32 $0x4E20, v4  }
0x455: {  	p0 =	sne.s32 s22, $0x18E0;
	v4 =	vadd.s32 $0x7530, v4  }
.Ltmp29:
0x456: {  	v63 =	vunpack.i.l.bf16.f32 v2;
	(pc) =	sbr.rel @p0 .LBB2_57-.Ltmp29, $4  }
0x457: {  	v2 =	vunpack.i.u.bf16.f32 v2;
	v6 =	vmul.f32 v63, v3  }
0x458: {  	v2 =	vmul.f32 v2, v3  }
0x459: {  	[tilespmem:v62+s16+$0x0] =	vst.idx.add.f32.msk $0xffff, v6  }
0x45a: {  	s22 =	sadd.s32 $0x20, s22;
	s19 =	sadd.s32 $0x40, s19;
	[tilespmem:v4+s16+$0x0] =	vst.idx.add.f32.msk $0xffff, v2  }
0x45b: {  	_ =	swait.ge [sflag:s14], $0x2580  }
0x45c: {  	[sflag:s14] =	ssyncset.done $0x0  }
0x45d: {  	s20 =	simm.s32 $0xFFFFFFF0;
	s21 =	simm.s32 $0x1A200;
	[sflag:s14] =	ssyncadd.s32 $0xFFFFDA80  }
.LBB2_59:
0x45e: {  	v2 =	vld [tilespmem:s21+$0xFFFFE600]  }
0x45f: {  	v3 =	vld [tilespmem:s21+$0x1800]  }
0x460: {  	v4 =	vld [tilespmem:s21+$0xFFFFE610]  }
0x461: {  	v5 =	vld [tilespmem:s21+$0x1810]  }
0x462: {  	v6 =	vld [tilespmem:s21+$0xFFFFFF00]  }
0x463: {  	v9 =	vld [tilespmem:s21+$0xFFFFFF10]  }
0x464: {  	v27 =	vld [tilespmem:s21+$0xFFFFE620]  }
0x465: {  	v13 =	vld [tilespmem:s21+$0x1820]  }
0x466: {  	v28 =	vld [tilespmem:s21+$0xFFFFE630]  }
0x467: {  	v30 =	vld [tilespmem:s21+$0x1830]  }
0x468: {  	v31 =	vld [tilespmem:s21+$0xFFFFFF20]  }
0x469: {  	v33 =	vld [tilespmem:s21+$0xFFFFFF30]  }
0x46a: {  	v41 =	vld [tilespmem:s21+$0xFFFFE640]  }
0x46b: {  	v42 =	vld [tilespmem:s21+$0x1840]  }
0x46c: {  	v44 =	vld [tilespmem:s21+$0xFFFFE650]  }
0x46d: {  	v46 =	vld [tilespmem:s21+$0x1850]  }
0x46e: {  	v48 =	vld [tilespmem:s21+$0xFFFFFF40]  }
0x46f: {  	v50 =	vld [tilespmem:s21+$0xFFFFFF50]  }
0x470: {  	v55 =	vld [tilespmem:s21+$0xFFFFE660]  }
0x471: {  	v17 =	vld [tilespmem:s21+$0x1860]  }
0x472: {  	v60 =	vld [tilespmem:s21+$0xFFFFFF60]  }
0x473: {  	v20 =	vld [tilespmem:s21+$0xFFFFE670]  }
0x474: {  	v22 =	vld [tilespmem:s21+$0x1870]  }
0x475: {  	s19 =	simm.s32 $0x0;
	v18 =	vld [tilespmem:s21+$0xFFFFE740]  }
0x476: {  	v7 =	vld.idx.msk [tilespmem:v2+s19+$0x0], $0xffff  }
0x477: {  	v3 =	vld.idx.msk [tilespmem:v3+s13+$0x0], $0xffff  }
0x478: {  	v11 =	vld.idx.msk [tilespmem:v4+s19+$0x0], $0xffff  }
0x479: {  	v5 =	vld.idx.msk [tilespmem:v5+s13+$0x0], $0xffff  }
0x47a: {  	v14 =	vld.idx.msk [tilespmem:v27+s19+$0x0], $0xffff  }
0x47b: {  	v13 =	vld.idx.msk [tilespmem:v13+s13+$0x0], $0xffff  }
0x47c: {  	v36 =	vld.idx.msk [tilespmem:v28+s19+$0x0], $0xffff  }
0x47d: {  	v15 =	vld.idx.msk [tilespmem:v41+s19+$0x0], $0xffff  }
0x47e: {  	v8 =	vadd.s32 $0x2710, v6;
	v52 =	vld.idx.msk [tilespmem:v44+s19+$0x0], $0xffff  }
0x47f: {  	v2 =	vadd.s32 $0x2710, v2;
	v62 =	vld.idx.msk [tilespmem:v55+s19+$0x0], $0xffff;
	v10 =	vunpack.i.l.bf16.f32 v7  }
0x480: {  	v63 =	vld.idx.msk [tilespmem:v17+s13+$0x0], $0xffff;
	v7 =	vunpack.i.u.bf16.f32 v7;
	v10 =	vmul.f32 v10, v3  }
0x481: {  	v24 =	vadd.s32 $0x2710, v9;
	v35 =	vadd.s32 $0x2710, v27;
	v27 =	vld.idx.msk [tilespmem:v20+s19+$0x0], $0xffff;
	v7 =	vmul.f32 v7, v3  }
0x482: {  	v4 =	vadd.s32 $0x2710, v4;
	v23 =	vunpack.i.l.bf16.f32 v11;
	[tilespmem:v6+s16+$0x0] =	vst.idx.add.f32.msk $0xffff, v10  }
0x483: {  	v11 =	vunpack.i.u.bf16.f32 v11;
	[tilespmem:v8+s16+$0x0] =	vst.idx.add.f32.msk $0xffff, v7;
	v7 =	vmul.f32 v23, v5  }
0x484: {  	v26 =	vmul.f32 v11, v5;
	v2 =	vld.idx.msk [tilespmem:v2+s19+$0x0], $0xffff  }
0x485: {  	[tilespmem:v9+s16+$0x0] =	vst.idx.add.f32.msk $0xffff, v7  }
0x486: {  	[tilespmem:v24+s16+$0x0] =	vst.idx.add.f32.msk $0xffff, v26  }
0x487: {  	v25 =	vadd.s32 $0x4E20, v6;
	v4 =	vld.idx.msk [tilespmem:v4+s19+$0x0], $0xffff  }
0x488: {  	v56 =	vunpack.i.l.bf16.f32 v52;
	v57 =	vunpack.i.u.bf16.f32 v52;
	v52 =	vld [tilespmem:s21+$0x20];
	v6 =	vadd.s32 $0x7530, v6  }
0x489: {  	v11 =	vld.idx.msk [tilespmem:v46+s13+$0x0], $0xffff;
	v12 =	vunpack.i.l.bf16.f32 v2  }
0x48a: {  	v29 =	vadd.s32 $0x4E20, v9;
	v10 =	vld.idx.msk [tilespmem:v30+s13+$0x0], $0xffff;
	v2 =	vunpack.i.u.bf16.f32 v2;
	v12 =	vmul.f32 v12, v3  }
0x48b: {  	v30 =	vld [tilespmem:s21+$0x0];
	v2 =	vmul.f32 v2, v3  }
0x48c: {  	[tilespmem:v25+s16+$0x0] =	vst.idx.add.f32.msk $0xffff, v12;
	v3 =	vunpack.i.l.bf16.f32 v4  }
0x48d: {  	v3 =	vmul.f32 v3, v5;
	[tilespmem:v6+s16+$0x0] =	vst.idx.add.f32.msk $0xffff, v2;
	v2 =	vadd.s32 $0x7530, v9  }
0x48e: {  	v24 =	vld [tilespmem:s21+$0x1900]  }
0x48f: {  	v32 =	vadd.s32 $0x2710, v31;
	v58 =	vmul.f32 v56, v11;
	[tilespmem:v29+s16+$0x0] =	vst.idx.add.f32.msk $0xffff, v3;
	v3 =	vunpack.i.u.bf16.f32 v4  }
0x490: {  	v34 =	vunpack.i.l.bf16.f32 v14;
	v26 =	vld [tilespmem:s21+$0xFFFFFF70];
	v3 =	vmul.f32 v3, v5  }
0x491: {  	v37 =	vunpack.i.u.bf16.f32 v14;
	[tilespmem:v50+s16+$0x0] =	vst.idx.add.f32.msk $0xffff, v58;
	v5 =	vmul.f32 v34, v13  }
0x492: {  	[tilespmem:v2+s16+$0x0] =	vst.idx.add.f32.msk $0xffff, v3;
	v2 =	vmul.f32 v37, v13  }
0x493: {  	[tilespmem:v31+s16+$0x0] =	vst.idx.add.f32.msk $0xffff, v5  }
0x494: {  	[tilespmem:v32+s16+$0x0] =	vst.idx.add.f32.msk $0xffff, v2  }
0x495: {  	v38 =	vunpack.i.l.bf16.f32 v36;
	v2 =	vadd.s32 $0x2710, v33;
	v3 =	vld.idx.msk [tilespmem:v35+s19+$0x0], $0xffff  }
0x496: {  	v39 =	vadd.s32 $0x2710, v28;
	v9 =	vld.idx.msk [tilespmem:v42+s13+$0x0], $0xffff;
	v4 =	vmul.f32 v38, v10  }
0x497: {  	v40 =	vunpack.i.u.bf16.f32 v36;
	v42 =	vld [tilespmem:s21+$0xFFFFE710]  }
0x498: {  	v43 =	vadd.s32 $0x4E20, v31;
	v7 =	vmul.f32 v40, v10;
	[tilespmem:v33+s16+$0x0] =	vst.idx.add.f32.msk $0xffff, v4  }
0x499: {  	v5 =	vadd.s32 $0x2710, v44;
	v44 =	vld [tilespmem:s21+$0x10]  }
0x49a: {  	v45 =	vadd.s32 $0x7530, v31;
	[tilespmem:v2+s16+$0x0] =	vst.idx.add.f32.msk $0xffff, v7;
	v47 =	vunpack.i.l.bf16.f32 v3  }
0x49b: {  	v2 =	vld.idx.msk [tilespmem:v39+s19+$0x0], $0xffff;
	v12 =	vmul.f32 v47, v13  }
0x49c: {  	v3 =	vunpack.i.u.bf16.f32 v3;
	v47 =	vld [tilespmem:s21+$0x1920]  }
0x49d: {  	v16 =	vadd.s32 $0x2710, v48;
	v3 =	vmul.f32 v3, v13;
	[tilespmem:v43+s16+$0x0] =	vst.idx.add.f32.msk $0xffff, v12  }
0x49e: {  	v49 =	vadd.s32 $0x4E20, v33;
	v51 =	vunpack.i.l.bf16.f32 v15;
	v43 =	vld [tilespmem:s21+$0x1910]  }
0x49f: {  	v54 =	vadd.s32 $0x2710, v50;
	v53 =	vunpack.i.u.bf16.f32 v15;
	v12 =	vmul.f32 v51, v9;
	[tilespmem:v45+s16+$0x0] =	vst.idx.add.f32.msk $0xffff, v3  }
0x4a0: {  	v4 =	vmul.f32 v53, v9;
	v45 =	vld [tilespmem:s21+$0xFFFFE720];
	v3 =	vunpack.i.l.bf16.f32 v2  }
0x4a1: {  	v6 =	vadd.s32 $0x7530, v33;
	[tilespmem:v48+s16+$0x0] =	vst.idx.add.f32.msk $0xffff, v12;
	v3 =	vmul.f32 v3, v10  }
0x4a2: {  	[tilespmem:v16+s16+$0x0] =	vst.idx.add.f32.msk $0xffff, v4;
	v4 =	vmul.f32 v57, v11  }
0x4a3: {  	v2 =	vunpack.i.u.bf16.f32 v2;
	[tilespmem:v49+s16+$0x0] =	vst.idx.add.f32.msk $0xffff, v3;
	v3 =	vadd.s32 $0x2710, v41  }
0x4a4: {  	v2 =	vmul.f32 v2, v10;
	[tilespmem:v54+s16+$0x0] =	vst.idx.add.f32.msk $0xffff, v4  }
0x4a5: {  	v5 =	vld.idx.msk [tilespmem:v5+s19+$0x0], $0xffff  }
0x4a6: {  	[tilespmem:v6+s16+$0x0] =	vst.idx.add.f32.msk $0xffff, v2  }
0x4a7: {  	v7 =	vadd.s32 $0x7530, v50;
	v2 =	vadd.s32 $0x4E20, v50;
	v50 =	vld [tilespmem:s21+$0x1930]  }
0x4a8: {  	v3 =	vld.idx.msk [tilespmem:v3+s19+$0x0], $0xffff  }
0x4a9: {  	v59 =	vadd.s32 $0x4E20, v48;
	v14 =	vadd.s32 $0x7530, v48;
	v25 =	vunpack.i.u.bf16.f32 v62;
	v48 =	vld.idx.msk [tilespmem:v42+s19+$0x0], $0xffff  }
0x4aa: {  	v12 =	vmul.f32 v25, v63;
	v25 =	vld.idx.msk [tilespmem:v18+s19+$0x0], $0xffff  }
0x4ab: {  	v54 =	vld [tilespmem:s21+$0x30];
	v19 =	vunpack.i.l.bf16.f32 v5  }
0x4ac: {  	v6 =	vadd.s32 $0x2710, v20;
	v20 =	vld [tilespmem:s21+$0x1940];
	v4 =	vmul.f32 v19, v11  }
0x4ad: {  	v53 =	vld.idx.msk [tilespmem:v45+s19+$0x0], $0xffff;
	v61 =	vunpack.i.l.bf16.f32 v3  }
0x4ae: {  	[tilespmem:v2+s16+$0x0] =	vst.idx.add.f32.msk $0xffff, v4;
	v3 =	vunpack.i.u.bf16.f32 v3;
	v10 =	vmul.f32 v61, v9  }
0x4af: {  	v13 =	vld.idx.msk [tilespmem:v50+s13+$0x0], $0xffff;
	v3 =	vmul.f32 v3, v9  }
0x4b0: {  	v21 =	vunpack.i.l.bf16.f32 v62;
	[tilespmem:v59+s16+$0x0] =	vst.idx.add.f32.msk $0xffff, v10  }
0x4b1: {  	[tilespmem:v14+s16+$0x0] =	vst.idx.add.f32.msk $0xffff, v3;
	v3 =	vmul.f32 v21, v63  }
0x4b2: {  	v2 =	vadd.s32 $0x2710, v60;
	v10 =	vld.idx.msk [tilespmem:v22+s13+$0x0], $0xffff  }
0x4b3: {  	v23 =	vadd.s32 $0x2710, v55;
	v28 =	vunpack.i.u.bf16.f32 v5;
	[tilespmem:v60+s16+$0x0] =	vst.idx.add.f32.msk $0xffff, v3  }
0x4b4: {  	v4 =	vmul.f32 v28, v11;
	v3 =	vld [tilespmem:s21+$0xFFFFE700]  }
0x4b5: {  	v9 =	vld.idx.msk [tilespmem:v24+s13+$0x0], $0xffff  }
0x4b6: {  	v29 =	vadd.s32 $0x2710, v26;
	v31 =	vunpack.i.l.bf16.f32 v27;
	[tilespmem:v7+s16+$0x0] =	vst.idx.add.f32.msk $0xffff, v4  }
0x4b7: {  	[tilespmem:v2+s16+$0x0] =	vst.idx.add.f32.msk $0xffff, v12;
	v11 =	vmul.f32 v31, v10  }
0x4b8: {  	v14 =	vunpack.i.u.bf16.f32 v27;
	v2 =	vld.idx.msk [tilespmem:v23+s19+$0x0], $0xffff  }
0x4b9: {  	v35 =	vmul.f32 v14, v10;
	[tilespmem:v26+s16+$0x0] =	vst.idx.add.f32.msk $0xffff, v11  }
0x4ba: {  	v40 =	vadd.s32 $0x4E20, v26;
	v41 =	vadd.s32 $0x7530, v26;
	v26 =	vld.idx.msk [tilespmem:v20+s13+$0x0], $0xffff  }
0x4bb: {  	v33 =	vadd.s32 $0x4E20, v60;
	[tilespmem:v29+s16+$0x0] =	vst.idx.add.f32.msk $0xffff, v35  }
0x4bc: {  	v32 =	vld.idx.msk [tilespmem:v3+s19+$0x0], $0xffff  }
0x4bd: {  	v35 =	vld [tilespmem:s21+$0x1960];
	v36 =	vunpack.i.l.bf16.f32 v2  }
0x4be: {  	v34 =	vadd.s32 $0x7530, v60;
	v6 =	vld.idx.msk [tilespmem:v6+s19+$0x0], $0xffff;
	v2 =	vunpack.i.u.bf16.f32 v2;
	v8 =	vmul.f32 v36, v63  }
0x4bf: {  	v2 =	vmul.f32 v2, v63;
	v63 =	vld [tilespmem:s21+$0x40]  }
0x4c0: {  	v37 =	vadd.s32 $0x2710, v30;
	[tilespmem:v33+s16+$0x0] =	vst.idx.add.f32.msk $0xffff, v8  }
0x4c1: {  	v3 =	vadd.s32 $0x2710, v3;
	v8 =	vld.idx.msk [tilespmem:v43+s13+$0x0], $0xffff;
	v38 =	vunpack.i.l.bf16.f32 v32  }
0x4c2: {  	v36 =	vld [tilespmem:s21+$0x50];
	v39 =	vunpack.i.u.bf16.f32 v32;
	v7 =	vmul.f32 v38, v9  }
0x4c3: {  	[tilespmem:v34+s16+$0x0] =	vst.idx.add.f32.msk $0xffff, v2;
	v2 =	vmul.f32 v39, v9  }
0x4c4: {  	[tilespmem:v30+s16+$0x0] =	vst.idx.add.f32.msk $0xffff, v7  }
0x4c5: {  	v49 =	vadd.s32 $0x2710, v44;
	v51 =	vunpack.i.l.bf16.f32 v48;
	[tilespmem:v37+s16+$0x0] =	vst.idx.add.f32.msk $0xffff, v2  }
0x4c6: {  	v14 =	vmul.f32 v51, v8;
	v2 =	vunpack.i.l.bf16.f32 v6;
	v6 =	vunpack.i.u.bf16.f32 v6;
	v3 =	vld.idx.msk [tilespmem:v3+s19+$0x0], $0xffff  }
0x4c7: {  	v5 =	vadd.s32 $0x2710, v42;
	v2 =	vmul.f32 v2, v10;
	v6 =	vmul.f32 v6, v10;
	v10 =	vld.idx.msk [tilespmem:v47+s13+$0x0], $0xffff  }
0x4c8: {  	v11 =	vunpack.i.u.bf16.f32 v48;
	v33 =	vld [tilespmem:s21+$0xFFFFE750]  }
0x4c9: {  	v11 =	vmul.f32 v11, v8;
	[tilespmem:v44+s16+$0x0] =	vst.idx.add.f32.msk $0xffff, v14  }
0x4ca: {  	[tilespmem:v40+s16+$0x0] =	vst.idx.add.f32.msk $0xffff, v2;
	v2 =	vadd.s32 $0x4E20, v30  }
0x4cb: {  	v55 =	vunpack.i.l.bf16.f32 v53;
	[tilespmem:v49+s16+$0x0] =	vst.idx.add.f32.msk $0xffff, v11  }
0x4cc: {  	v57 =	vadd.s32 $0x2710, v52;
	v5 =	vld.idx.msk [tilespmem:v5+s19+$0x0], $0xffff;
	v46 =	vunpack.i.l.bf16.f32 v3;
	v11 =	vmul.f32 v55, v10  }
0x4cd: {  	[tilespmem:v41+s16+$0x0] =	vst.idx.add.f32.msk $0xffff, v6;
	v6 =	vadd.s32 $0x2710, v45;
	v7 =	vmul.f32 v46, v9  }
0x4ce: {  	v16 =	vunpack.i.u.bf16.f32 v53;
	[tilespmem:v52+s16+$0x0] =	vst.idx.add.f32.msk $0xffff, v11  }
0x4cf: {  	v58 =	vmul.f32 v16, v10;
	[tilespmem:v2+s16+$0x0] =	vst.idx.add.f32.msk $0xffff, v7  }
0x4d0: {  	v2 =	vld [tilespmem:s21+$0xFFFFE730]  }
0x4d1: {  	v12 =	vadd.s32 $0x7530, v30;
	[tilespmem:v57+s16+$0x0] =	vst.idx.add.f32.msk $0xffff, v58  }
0x4d2: {  	v62 =	vadd.s32 $0x4E20, v44;
	v6 =	vld.idx.msk [tilespmem:v6+s19+$0x0], $0xffff  }
0x4d3: {  	v4 =	vadd.s32 $0x7530, v44;
	v34 =	vld [tilespmem:s21+$0x1950];
	v3 =	vunpack.i.u.bf16.f32 v3  }
0x4d4: {  	v38 =	vld [tilespmem:s21+$0x1970];
	v3 =	vmul.f32 v3, v9;
	v23 =	vunpack.i.l.bf16.f32 v5  }
0x4d5: {  	v24 =	vadd.s32 $0x4E20, v52;
	v37 =	vld [tilespmem:s21+$0xFFFFE770];
	v5 =	vunpack.i.u.bf16.f32 v5;
	v9 =	vmul.f32 v23, v8  }
0x4d6: {  	v15 =	vadd.s32 $0x7530, v52;
	[tilespmem:v12+s16+$0x0] =	vst.idx.add.f32.msk $0xffff, v3;
	v3 =	vmul.f32 v5, v8  }
0x4d7: {  	[tilespmem:v62+s16+$0x0] =	vst.idx.add.f32.msk $0xffff, v9;
	v27 =	vunpack.i.l.bf16.f32 v6  }
0x4d8: {  	[tilespmem:v4+s16+$0x0] =	vst.idx.add.f32.msk $0xffff, v3;
	v6 =	vunpack.i.u.bf16.f32 v6;
	v5 =	vmul.f32 v27, v10  }
0x4d9: {  	v3 =	vmul.f32 v6, v10;
	v56 =	vld.idx.msk [tilespmem:v2+s19+$0x0], $0xffff  }
0x4da: {  	v31 =	vadd.s32 $0x2710, v63;
	v30 =	vunpack.i.l.bf16.f32 v25;
	[tilespmem:v24+s16+$0x0] =	vst.idx.add.f32.msk $0xffff, v5  }
0x4db: {  	[tilespmem:v15+s16+$0x0] =	vst.idx.add.f32.msk $0xffff, v3;
	v3 =	vmul.f32 v30, v26  }
0x4dc: {  	v32 =	vunpack.i.u.bf16.f32 v25;
	v39 =	vld.idx.msk [tilespmem:v33+s19+$0x0], $0xffff  }
0x4dd: {  	[tilespmem:v63+s16+$0x0] =	vst.idx.add.f32.msk $0xffff, v3;
	v3 =	vmul.f32 v32, v26  }
0x4de: {  	v59 =	vadd.s32 $0x2710, v54;
	v45 =	vld [tilespmem:s21+$0x70]  }
0x4df: {  	v2 =	vadd.s32 $0x2710, v2;
	v19 =	vunpack.i.l.bf16.f32 v56;
	[tilespmem:v31+s16+$0x0] =	vst.idx.add.f32.msk $0xffff, v3  }
0x4e0: {  	v60 =	vunpack.i.u.bf16.f32 v56;
	v61 =	vmul.f32 v19, v13;
	v3 =	vld [tilespmem:s21+$0xFFFFE760]  }
0x4e1: {  	v6 =	vld.idx.msk [tilespmem:v34+s13+$0x0], $0xffff;
	v11 =	vmul.f32 v60, v13  }
0x4e2: {  	[tilespmem:v54+s16+$0x0] =	vst.idx.add.f32.msk $0xffff, v61  }
0x4e3: {  	[tilespmem:v59+s16+$0x0] =	vst.idx.add.f32.msk $0xffff, v11  }
0x4e4: {  	v2 =	vld.idx.msk [tilespmem:v2+s19+$0x0], $0xffff  }
0x4e5: {  	v21 =	vld.idx.msk [tilespmem:v37+s19+$0x0], $0xffff  }
0x4e6: {  	v10 =	vld.idx.msk [tilespmem:v38+s13+$0x0], $0xffff  }
0x4e7: {  	v28 =	vadd.s32 $0x4E20, v54;
	v40 =	vld [tilespmem:s21+$0x60]  }
0x4e8: {  	v44 =	vunpack.i.l.bf16.f32 v39;
	v41 =	vld.idx.msk [tilespmem:v3+s19+$0x0], $0xffff  }
0x4e9: {  	v43 =	vadd.s32 $0x2710, v18;
	v5 =	vld.idx.msk [tilespmem:v35+s13+$0x0], $0xffff;
	v18 =	vmul.f32 v44, v6;
	v29 =	vunpack.i.l.bf16.f32 v2  }
0x4ea: {  	v42 =	vadd.s32 $0x2710, v36;
	v50 =	vunpack.i.l.bf16.f32 v21;
	v4 =	vmul.f32 v29, v13  }
0x4eb: {  	v52 =	vmul.f32 v50, v10;
	[tilespmem:v36+s16+$0x0] =	vst.idx.add.f32.msk $0xffff, v18  }
0x4ec: {  	v11 =	vunpack.i.u.bf16.f32 v39;
	[tilespmem:v28+s16+$0x0] =	vst.idx.add.f32.msk $0xffff, v4;
	v4 =	vadd.s32 $0x2710, v33  }
0x4ed: {  	v22 =	vadd.s32 $0x2710, v40;
	[tilespmem:v45+s16+$0x0] =	vst.idx.add.f32.msk $0xffff, v52;
	v11 =	vmul.f32 v11, v6;
	v46 =	vunpack.i.l.bf16.f32 v41  }
0x4ee: {  	v49 =	vld.idx.msk [tilespmem:v43+s19+$0x0], $0xffff;
	v3 =	vadd.s32 $0x2710, v3;
	v48 =	vmul.f32 v46, v5  }
0x4ef: {  	v51 =	vadd.s32 $0x2710, v45;
	[tilespmem:v42+s16+$0x0] =	vst.idx.add.f32.msk $0xffff, v11;
	v47 =	vunpack.i.u.bf16.f32 v41  }
0x4f0: {  	v9 =	vadd.s32 $0x2710, v37;
	v11 =	vmul.f32 v47, v5;
	[tilespmem:v40+s16+$0x0] =	vst.idx.add.f32.msk $0xffff, v48  }
0x4f1: {  	v7 =	vadd.s32 $0x7530, v54;
	v53 =	vunpack.i.u.bf16.f32 v21;
	v4 =	vld.idx.msk [tilespmem:v4+s19+$0x0], $0xffff  }
0x4f2: {  	v15 =	vmul.f32 v53, v10;
	v54 =	vadd.s32 $0x4E20, v63;
	[tilespmem:v22+s16+$0x0] =	vst.idx.add.f32.msk $0xffff, v11  }
0x4f3: {  	v14 =	vadd.s32 $0x7530, v63;
	v2 =	vunpack.i.u.bf16.f32 v2;
	v3 =	vld.idx.msk [tilespmem:v3+s19+$0x0], $0xffff  }
0x4f4: {  	v56 =	vadd.s32 $0x4E20, v36;
	[tilespmem:v51+s16+$0x0] =	vst.idx.add.f32.msk $0xffff, v15;
	v55 =	vunpack.i.l.bf16.f32 v49;
	v2 =	vmul.f32 v2, v13  }
0x4f5: {  	v8 =	vadd.s32 $0x7530, v36;
	v9 =	vld.idx.msk [tilespmem:v9+s19+$0x0], $0xffff;
	v16 =	vunpack.i.u.bf16.f32 v49;
	v13 =	vmul.f32 v55, v26  }
0x4f6: {  	v58 =	vadd.s32 $0x4E20, v40;
	[tilespmem:v7+s16+$0x0] =	vst.idx.add.f32.msk $0xffff, v2;
	v2 =	vmul.f32 v16, v26;
	v57 =	vunpack.i.l.bf16.f32 v4  }
0x4f7: {  	v59 =	vadd.s32 $0x7530, v40;
	[tilespmem:v54+s16+$0x0] =	vst.idx.add.f32.msk $0xffff, v13;
	v4 =	vunpack.i.u.bf16.f32 v4;
	v7 =	vmul.f32 v57, v6  }
0x4f8: {  	s20 =	sadd.s32 $0x10, s20;
	v61 =	vadd.s32 $0x4E20, v45;
	[tilespmem:v14+s16+$0x0] =	vst.idx.add.f32.msk $0xffff, v2;
	v2 =	vmul.f32 v4, v6;
	v60 =	vunpack.i.l.bf16.f32 v3  }
0x4f9: {  	p0 =	slt.u32 s20, $0xB0;
	v62 =	vadd.s32 $0x7530, v45;
	v3 =	vunpack.i.u.bf16.f32 v3;
	v4 =	vmul.f32 v60, v5;
	[tilespmem:v56+s16+$0x0] =	vst.idx.add.f32.msk $0xffff, v7  }
.Ltmp30:
0x4fa: {  	[tilespmem:v8+s16+$0x0] =	vst.idx.add.f32.msk $0xffff, v2;
	v2 =	vmul.f32 v3, v5;
	v3 =	vunpack.i.l.bf16.f32 v9;
	(pc) =	sbr.rel @p0 .LBB2_59-.Ltmp30, $4  }
0x4fb: {  	v63 =	vunpack.i.u.bf16.f32 v9;
	[tilespmem:v58+s16+$0x0] =	vst.idx.add.f32.msk $0xffff, v4;
	v3 =	vmul.f32 v3, v10  }
0x4fc: {  	[tilespmem:v59+s16+$0x0] =	vst.idx.add.f32.msk $0xffff, v2;
	v2 =	vmul.f32 v63, v10  }
0x4fd: {  	[tilespmem:v61+s16+$0x0] =	vst.idx.add.f32.msk $0xffff, v3  }
0x4fe: {  	s22 =	simm.s32 $0x1800;
	s21 =	sadd.s32 $0x200, s21;
	[tilespmem:v62+s16+$0x0] =	vst.idx.add.f32.msk $0xffff, v2  }
.LBB2_60:
0x4ff: {  	s20 =	sshll.u32 s22, $0x2  }
0x500: {  	s20 =	sand.u32 $0xFFFFFC00, s20  }
0x501: {  	s20 =	sadd.s32 s20, s19  }
0x502: {  	s20 =	sshra.s32 s20, $0x2  }
0x503: {  	v2 =	vld [tilespmem:s20+$0x18800]  }
0x504: {  	v3 =	vld [tilespmem:s20+$0x1BA00];
	_ =	sdelay $0x5  }
0x505: {  	v4 =	vld [tilespmem:s20+$0x1A100]  }
0x506: {  	v5 =	vld.idx.msk [tilespmem:v2+s3+$0x0], $0xffff  }
0x507: {  	v3 =	vld.idx.msk [tilespmem:v3+s13+$0x0], $0xffff;
	_ =	sdelay $0x2  }
0x508: {  	v6 =	vadd.s32 $0x2710, v4  }
0x509: {  	v2 =	vadd.s32 $0x2710, v2;
	v7 =	vunpack.i.l.bf16.f32 v5  }
0x50a: {  	v5 =	vunpack.i.u.bf16.f32 v5;
	v7 =	vmul.f32 v7, v3  }
0x50b: {  	v5 =	vmul.f32 v5, v3  }
0x50c: {  	[tilespmem:v4+s16+$0x0] =	vst.idx.add.f32.msk $0xffff, v7  }
0x50d: {  	[tilespmem:v6+s16+$0x0] =	vst.idx.add.f32.msk $0xffff, v5  }
0x50e: {  	v2 =	vld.idx.msk [tilespmem:v2+s3+$0x0], $0xffff;
	_ =	sdelay $0x2  }
0x50f: {  	v62 =	vadd.s32 $0x4E20, v4  }
0x510: {  	p0 =	sne.s32 s22, $0x18E0;
	v4 =	vadd.s32 $0x7530, v4  }
.Ltmp31:
0x511: {  	v63 =	vunpack.i.l.bf16.f32 v2;
	(pc) =	sbr.rel @p0 .LBB2_60-.Ltmp31, $4  }
0x512: {  	v2 =	vunpack.i.u.bf16.f32 v2;
	v6 =	vmul.f32 v63, v3  }
0x513: {  	v2 =	vmul.f32 v2, v3  }
0x514: {  	[tilespmem:v62+s16+$0x0] =	vst.idx.add.f32.msk $0xffff, v6  }
0x515: {  	s22 =	sadd.s32 $0x20, s22;
	s19 =	sadd.s32 $0x40, s19;
	[tilespmem:v4+s16+$0x0] =	vst.idx.add.f32.msk $0xffff, v2  }
0x516: {  	s18 =	sadd.s32 $0x1, s18  }
0x517: {  	p0 =	sne.s32 s18, s9  }
.Ltmp32:
0x518: {  	_ = 	snop;
	(pc) =	sbr.rel @p0 .LBB2_1-.Ltmp32, $4  }
0x519: {  	[hbm4b:s8+s10] =	stream.strided.scatter [tilespmem:s16], [sflag:$0x4], $0x9C80, s11, s10, $0x38;
	[tilespmem:$0x1D280] =	vst v63  }
0x51a: {  	_ =	swait.ge [sflag:s17], $0x9C80  }
0x51b: {  	[sflag:s17] =	ssyncset.done $0x0  }
0x51c: {  	[sflag:s17] =	ssyncadd.s32 $0xFFFF6380  }
0x51d: {  	_ =	sfence.sel $0x180000  }
0x51e: {  	[bflag:$0x0] =	sbarrier.arrive $0xFFFF  }
0x51f: {  	p0 =	sne.s32 s1, $0x0;
	_ =	strace $0x90000047  }
0x520: {  	s0 =	sadd.s32 @!p0 $0x100000, s0;
	[bflag:$0x2] =	sbarrier.arrive $0xFFFF  }
0x521: {  	[sflag:s0] =	ssyncadd.tile.s32 @!p0 $0x1;
	_ =	shalt  }
.Lfunc_end2:
_tile_overlayer_lowered:
.L_overlay_start_2:
0x522: {  	(tag) =	ssettag $0x2  }
0x523: {  	s0 =	rddreg [dreg:$0x0];
	s2 =	stileid.u32  }
0x524: {  	s1 =	rddreg [dreg:$0x1];
	p0 =	sne.s32 s2, $0x0  }
0x525: {  	s3 =	rddreg [dreg:$0x2];
	[bflag:$0x3] =	sbarrier.arrive $0xFFFF;
	s2 =	simm.s32 @!p0 $0x1C04  }
0x526: {  	[timem:s3], [sflag:s2] =	dma.local @!p0 [hbm:s0], s1  }
0x527: {  	s0 =	simm.s32 @!p0 $0x4  }
0x528: {  	_ =	swait.ge @!p0 [sflag:s0], s1  }
0x529: {  	s1 =	ssub.s32 @!p0 $0x0, s1;
	[sflag:s0] =	ssyncset.done @!p0 $0x0  }
0x52a: {  	[sflag:s0] =	ssyncadd.s32 @!p0 s1  }
0x52b: {  	[bflag:$0x3] =	sbarrier.arrive $0xFFFF  }
0x52c: {  	_ =	shalt  }

</sc_bundles>
